<compile_context>
chip_gen: v7x
topology: tpu7x:2x2x1
jax: 0.10.2.dev20260603
libtpu: 0.0.44.dev20260713+nightly
codegen_flags: <defaults>
</compile_context>

<pallas_src>
import jax
import jax.numpy as jnp
from jax import lax
from jax.experimental import pallas as pl
from jax.experimental.pallas import tpu as pltpu
from jax.experimental.pallas import tpu_sc as plsc

B, C, H, W = 8, 128, 128, 128
HW = H * W
NC = 2
NS = 16
CH = C // NC
PT = HW // NS
CK = 128
NK = PT // CK
L = 16
PR = HW // 2


def _body(feat_hbm, flow_hbm, out_hbm, accf_sh, dens_sh, ft_v, vals_v,
          accd_v, idx_v, tv_v, w_v, fl_v, rcp_v, iota_v):
    cid = lax.axis_index("c")
    sid = lax.axis_index("s")
    c0 = cid * CH
    p0 = sid * PT
    lanes = lax.iota(jnp.int32, L)
    zf = jnp.zeros((L,), jnp.float32)
    zi = jnp.zeros((L,), jnp.int32)

    def ifill(g, c_):
        iota_v[pl.ds(g * L, L)] = g * L + lanes
        return c_
    lax.fori_loop(0, CK // L, ifill, 0)

    def batch_body(b, carry):
        def zfill(r, c_):
            for j in range(CK // L):
                vals_v[r, pl.ds(j * L, L)] = zf
                accd_v[r, pl.ds(j * L, L)] = zf
            return c_
        lax.fori_loop(0, CK, zfill, 0)

        def zslice(k, c_):
            pltpu.sync_copy(vals_v,
                            accf_sh.at[pl.ds(p0 // 2 + k * CK, CK), :])
            return c_
        lax.fori_loop(0, PT // 2 // CK, zslice, 0)
        pltpu.sync_copy(vals_v.at[pl.ds(0, CK // L), :],
                        dens_sh.at[pl.ds(sid * (CK // L), CK // L), :])

        p0a = pl.multiple_of(p0, PT)
        pltpu.sync_copy(flow_hbm.at[b, 0, pl.ds(p0a, PT)], fl_v.at[0])
        pltpu.sync_copy(flow_hbm.at[b, 1, pl.ds(p0a, PT)], fl_v.at[1])

        def iw(i, c_):
            p = p0 + i * L + lanes
            xs = (p & (W - 1)).astype(jnp.float32)
            ys = (p >> 7).astype(jnp.float32)
            fltX = xs + fl_v[0, pl.ds(i * L, L)]
            fltY = ys + fl_v[1, pl.ds(i * L, L)]
            x0 = fltX.astype(jnp.int32)
            x0 = jnp.where(x0.astype(jnp.float32) > fltX, x0 - 1, x0)
            y0 = fltY.astype(jnp.int32)
            y0 = jnp.where(y0.astype(jnp.float32) > fltY, y0 - 1, y0)
            dx = fltX - x0.astype(jnp.float32)
            dy = fltY - y0.astype(jnp.float32)
            corners = ((x0, y0, (1.0 - dx) * (1.0 - dy)),
                       (x0 + 1, y0, dx * (1.0 - dy)),
                       (x0, y0 + 1, (1.0 - dx) * dy),
                       (x0 + 1, y0 + 1, dx * dy))
            k = i >> 3
            o = (i & 7) * L
            for ci, (xi, yi, wc) in enumerate(corners):
                valid = (xi >= 0) & (xi < W) & (yi >= 0) & (yi < H)
                t = jnp.where(valid, yi * W + xi, 0)
                tv_v[ci, pl.ds(i * L, L)] = t
                idx_v[ci * NK + k, pl.ds(o, L)] = t >> 1
                w_v[ci, pl.ds(i * L, L)] = jnp.where(valid, wc, 0.0)
            return c_
        lax.fori_loop(0, PT // L, iw, 0)

        plsc.subcore_barrier()

        def block(q, c_):
            pltpu.sync_copy(
                feat_hbm.at[b, pl.ds(pl.multiple_of(p0 + q * CK, CK), CK), :],
                ft_v)
            for ci in range(4):
                def rowb(r4, cc_, ci=ci):
                    civ = zi + ci
                    for u in range(4):
                        r = r4 * 4 + u
                        pixg = zi + (q * CK + r)
                        wv = plsc.load_gather(w_v, [civ, pixg])
                        tv = plsc.load_gather(tv_v, [civ, pixg])
                        colb = (tv & 1) * CH
                        colz = CH - colb
                        rv = zi + r
                        for cc in range(CH // L):
                            s = ft_v[r, pl.ds(c0 + cc * L, L)]
                            plsc.store_scatter(
                                vals_v, [rv, colb + (cc * L + lanes)], s * wv)
                            plsc.store_scatter(
                                vals_v, [rv, colz + (cc * L + lanes)], zf)
                        plsc.addupdate_scatter(
                            accd_v, [tv >> 7, tv & (W - 1)], wv,
                            mask=lanes == 0)
                    return cc_
                lax.fori_loop(0, CK // 4, rowb, 0)
                pltpu.sync_copy(vals_v, accf_sh.at[idx_v.at[ci * NK + q]],
                                add=True)
            return c_
        lax.fori_loop(0, NK, block, 0)

        pltpu.sync_copy(accd_v, dens_sh.at[iota_v], add=True)

        plsc.subcore_barrier()

        pltpu.sync_copy(dens_sh.at[pl.ds(sid * (CK // L), CK // L), :],
                        accd_v.at[pl.ds(0, CK // L), :])

        def outk(k, c_):
            pltpu.sync_copy(
                accf_sh.at[pl.ds(p0 // 2 + k * (CK // 2), CK // 2), :],
                ft_v.at[pl.ds(0, CK // 2), :])

            def rg(g, c2_):
                den = accd_v[k, pl.ds(g * L, L)]
                rcp_v[pl.ds(g * L, L)] = jnp.where(den == 0.0, 1.0, 1.0 / den)
                return c2_
            lax.fori_loop(0, CK // L, rg, 0)

            def pw(pr, c2_):
                for half in range(2):
                    ploc = 2 * pr + half
                    rc = plsc.load_gather(rcp_v, [zi + ploc])
                    for cc in range(CH // L):
                        sl = pl.ds(half * CH + cc * L, L)
                        ft_v[pr, sl] = ft_v[pr, sl] * rc
                return c2_
            lax.fori_loop(0, CK // 2, pw, 0)
            pltpu.sync_copy(ft_v.at[pl.ds(0, CK // 2), :],
                            out_hbm.at[b, cid,
                                       pl.ds(pl.multiple_of(
                                           p0 // 2 + k * (CK // 2), CK // 2),
                                           CK // 2), :])
            return c_
        lax.fori_loop(0, NK, outk, 0)
        return carry
    lax.fori_loop(0, B, batch_body, 0)


_splat_call = pl.kernel(
    _body,
    out_type=jax.ShapeDtypeStruct((B, NC, PR, C), jnp.float32),
    mesh=plsc.VectorSubcoreMesh(core_axis_name="c", subcore_axis_name="s"),
    compiler_params=pltpu.CompilerParams(needs_layout_passes=False),
    scratch_types=[
        pltpu.VMEM_SHARED((PR, CK), jnp.float32),
        pltpu.VMEM_SHARED((CK, CK), jnp.float32),
        pltpu.VMEM((CK, C), jnp.float32),
        pltpu.VMEM((CK, CK), jnp.float32),
        pltpu.VMEM((CK, CK), jnp.float32),
        pltpu.VMEM((4 * NK, CK), jnp.int32),
        pltpu.VMEM((4, PT), jnp.int32),
        pltpu.VMEM((4, PT), jnp.float32),
        pltpu.VMEM((2, PT), jnp.float32),
        pltpu.VMEM((CK,), jnp.float32),
        pltpu.VMEM((CK,), jnp.int32),
    ],
)


def kernel(feat_ref, flow):
    b, c, h, w = feat_ref.shape
    featT = feat_ref.reshape(b, c, h * w).transpose(0, 2, 1)
    outT = _splat_call(featT, flow.reshape(b, 2, h * w))
    out = outT.reshape(b, NC, PR, 2, CH).transpose(0, 1, 4, 2, 3)
    return out.reshape(b, c, h, w)

# --- scband reference (transcript-rebuilt; emitter-appended) ---
"""Pipeline reference for scband-feature-warper-softsplat-13975823581673 (READ-ONLY COPY).

The authoritative reference and input builder live on the scoring server;
editing this copy changes nothing except your own understanding.
"""

import jax, jax.numpy as jnp
import numpy as np


def setup_inputs(seed: int = 0) -> dict:
    key = jax.random.key(seed)
    k1, k2 = jax.random.split(key)
    feat_ref = jax.random.normal(k1, (8, 128, 128, 128), dtype=jnp.float32)
    flow = jax.random.normal(k2, (8, 2, 128, 128), dtype=jnp.float32) * 4.0
    return {"feat_ref": feat_ref, "flow": flow}


def _splat(tenIn, tenFlow):
    # forward bilinear splatting (summation of tenIn into flow-displaced targets)
    B, C, H, W = tenIn.shape
    gx = jnp.arange(W, dtype=jnp.float32)[None, None, :]
    gy = jnp.arange(H, dtype=jnp.float32)[None, :, None]
    fltX = gx + tenFlow[:, 0]  # [B, H, W]
    fltY = gy + tenFlow[:, 1]
    x0 = jnp.floor(fltX)
    y0 = jnp.floor(fltY)
    x1 = x0 + 1.0
    y1 = y0 + 1.0
    corners = [
        (x0, y0, (x1 - fltX) * (y1 - fltY)),  # NW
        (x1, y0, (fltX - x0) * (y1 - fltY)),  # NE
        (x0, y1, (x1 - fltX) * (fltY - y0)),  # SW
        (x1, y1, (fltX - x0) * (fltY - y0)),  # SE
    ]
    flat = tenIn.reshape(B, C, H * W)

    def splat_one(flat_b, idx_b, w_b):
        contrib = flat_b * w_b[None, :]
        return jnp.zeros((C, H * W), dtype=flat_b.dtype).at[:, idx_b].add(contrib)

    out = jnp.zeros((B, C, H * W), dtype=tenIn.dtype)
    for cx, cy, cw in corners:
        xi = cx.astype(jnp.int32)
        yi = cy.astype(jnp.int32)
        valid = (xi >= 0) & (xi < W) & (yi >= 0) & (yi < H)
        idx = jnp.where(valid, yi * W + xi, 0).reshape(B, H * W)
        w = jnp.where(valid, cw, 0.0).reshape(B, H * W)
        out = out + jax.vmap(splat_one)(flat, idx, w)
    return out.reshape(B, C, H, W)


def reference(feat_ref, flow):
    # with_learnable_metric=False -> metric = ones_like(flow[:, :1])
    metric = jnp.ones_like(flow[:, :1])
    exp_m = jnp.exp(metric)
    # soft mode: splat [feat * exp(metric), exp(metric)], then normalize
    tenIn = jnp.concatenate([feat_ref * exp_m, exp_m], axis=1)
    tenOut = _splat(tenIn, flow)
    norm = tenOut[:, -1:]
    norm = jnp.where(norm == 0.0, 1.0, norm)
    return tenOut[:, :-1] / norm

if __name__ == "__main__":
    import jax
    _d = setup_inputs()
    print(jax.jit(kernel)(*tuple(_d.values())))

</pallas_src>

<mosaic_0001>
#map = affine_map<(d0, d1) -> (0, 0, 0)>
#map1 = affine_map<(d0, d1) -> (0, 0, 0, 0)>
module attributes {stable_mosaic.version = 14 : i64} {
  func.func @_body(%arg0: i32, %arg1: i32, %arg2: memref<8x16384x128xf32, #tpu.memory_space<hbm>>, %arg3: memref<8x2x16384xf32, #tpu.memory_space<hbm>>, %arg4: memref<8x2x8192x128xf32, #tpu.memory_space<hbm>>, %arg5: memref<8192x128xf32, #tpu.memory_space<vmem_shared>>, %arg6: memref<128x128xf32, #tpu.memory_space<vmem_shared>>, %arg7: memref<128x128xf32, #tpu.memory_space<vmem>>, %arg8: memref<128x128xf32, #tpu.memory_space<vmem>>, %arg9: memref<128x128xf32, #tpu.memory_space<vmem>>, %arg10: memref<32x128xi32, #tpu.memory_space<vmem>>, %arg11: memref<4x1024xi32, #tpu.memory_space<vmem>>, %arg12: memref<4x1024xf32, #tpu.memory_space<vmem>>, %arg13: memref<2x1024xf32, #tpu.memory_space<vmem>>, %arg14: memref<128xf32, #tpu.memory_space<vmem>>, %arg15: memref<128xi32, #tpu.memory_space<vmem>>) attributes {dimension_semantics = [#tpu.dimension_semantics<core_parallel>, #tpu.dimension_semantics<subcore_parallel>], iteration_bounds = array<i64: 2, 16>, scalar_prefetch = 0 : i64, scratch_operands = 11 : i64, tpu.core_type = #tpu.core_type<sc_vector_subcore>, window_params = [{transform_indices = #map}, {transform_indices = #map}, {transform_indices = #map1}]} {
    %mul3A = arith.constant 64 : i32
    %mul3A_0 = arith.muli %arg0, %mul3A : i32
    %mul3A_1 = arith.constant 1024 : i32
    %mul3A_2 = arith.muli %arg1, %mul3A_1 : i32
    %iota3A = tpu.iota {dimensions = array<i32: 0>} : vector<16xi32>
    %broadcast_in_dim3A = arith.constant 0.000000e+00 : f32
    %broadcast_in_dim3A_3 = vector.broadcast %broadcast_in_dim3A : f32 to vector<16xf32>
    %broadcast_in_dim3A_4 = arith.constant 0 : i32
    %broadcast_in_dim3A_5 = vector.broadcast %broadcast_in_dim3A_4 : i32 to vector<16xi32>
    %scan3A = arith.constant 0 : i32
    %scan3A_6 = arith.constant 0 : i32
    %scan3A_7 = arith.constant 8 : i32
    %scan3A_8 = arith.addi %scan3A_6, %scan3A_7 : i32
    %scan3A_9 = arith.constant 1 : i32
    scf.for %scan3A_17 = %scan3A_6 to %scan3A_8 step %scan3A_9  : i32 {
      %mul3A_18 = arith.constant 16 : i32
      %mul3A_19 = arith.muli %scan3A_17, %mul3A_18 : i32
      %add3A = vector.broadcast %mul3A_19 : i32 to vector<16xi32>
      %add3A_20 = arith.addi %add3A, %iota3A : vector<16xi32>
      %mul3A_21 = arith.constant 16 : i32
      %mul3A_22 = arith.muli %scan3A_17, %mul3A_21 : i32
      %swap3A = arith.index_cast %mul3A_22 : i32 to index
      %swap3A_23 = tpu.vector_load %arg15[%swap3A] {strides = array<i32>} : memref<128xi32, #tpu.memory_space<vmem>>, vector<16xi32>,
      tpu.vector_store %arg15[%swap3A], %add3A_20 {strides = array<i32>} : memref<128xi32, #tpu.memory_space<vmem>>, vector<16xi32>,
    }
    %scan3A_10 = arith.constant 8 : i32
    %scan3A_11 = arith.constant 0 : i32
    %scan3A_12 = arith.constant 0 : i32
    %scan3A_13 = arith.constant 8 : i32
    %scan3A_14 = arith.addi %scan3A_12, %scan3A_13 : i32
    %scan3A_15 = arith.constant 1 : i32
    scf.for %scan3A_17 = %scan3A_12 to %scan3A_14 step %scan3A_15  : i32 {
      %scan3A_18 = arith.constant 0 : i32
      %scan3A_19 = arith.constant 0 : i32
      %scan3A_20 = arith.constant 128 : i32
      %scan3A_21 = arith.addi %scan3A_19, %scan3A_20 : i32
      %scan3A_22 = arith.constant 1 : i32
      scf.for %scan3A_56 = %scan3A_19 to %scan3A_21 step %scan3A_22  : i32 {
        %swap3A = arith.index_cast %scan3A_56 : i32 to index
        %swap3A_57 = arith.constant 0 : index
        %swap3A_58 = tpu.vector_load %arg8[%swap3A, %swap3A_57] {strides = array<i32>} : memref<128x128xf32, #tpu.memory_space<vmem>>, vector<16xf32>,
        tpu.vector_store %arg8[%swap3A, %swap3A_57], %broadcast_in_dim3A_3 {strides = array<i32>} : memref<128x128xf32, #tpu.memory_space<vmem>>, vector<16xf32>,
        %swap3A_59 = arith.index_cast %scan3A_56 : i32 to index
        %swap3A_60 = arith.constant 0 : index
        %swap3A_61 = tpu.vector_load %arg9[%swap3A_59, %swap3A_60] {strides = array<i32>} : memref<128x128xf32, #tpu.memory_space<vmem>>, vector<16xf32>,
        tpu.vector_store %arg9[%swap3A_59, %swap3A_60], %broadcast_in_dim3A_3 {strides = array<i32>} : memref<128x128xf32, #tpu.memory_space<vmem>>, vector<16xf32>,
        %swap3A_62 = arith.index_cast %scan3A_56 : i32 to index
        %swap3A_63 = arith.constant 16 : index
        %swap3A_64 = tpu.vector_load %arg8[%swap3A_62, %swap3A_63] {strides = array<i32>} : memref<128x128xf32, #tpu.memory_space<vmem>>, vector<16xf32>,
        tpu.vector_store %arg8[%swap3A_62, %swap3A_63], %broadcast_in_dim3A_3 {strides = array<i32>} : memref<128x128xf32, #tpu.memory_space<vmem>>, vector<16xf32>,
        %swap3A_65 = arith.index_cast %scan3A_56 : i32 to index
        %swap3A_66 = arith.constant 16 : index
        %swap3A_67 = tpu.vector_load %arg9[%swap3A_65, %swap3A_66] {strides = array<i32>} : memref<128x128xf32, #tpu.memory_space<vmem>>, vector<16xf32>,
        tpu.vector_store %arg9[%swap3A_65, %swap3A_66], %broadcast_in_dim3A_3 {strides = array<i32>} : memref<128x128xf32, #tpu.memory_space<vmem>>, vector<16xf32>,
        %swap3A_68 = arith.index_cast %scan3A_56 : i32 to index
        %swap3A_69 = arith.constant 32 : index
        %swap3A_70 = tpu.vector_load %arg8[%swap3A_68, %swap3A_69] {strides = array<i32>} : memref<128x128xf32, #tpu.memory_space<vmem>>, vector<16xf32>,
        tpu.vector_store %arg8[%swap3A_68, %swap3A_69], %broadcast_in_dim3A_3 {strides = array<i32>} : memref<128x128xf32, #tpu.memory_space<vmem>>, vector<16xf32>,
        %swap3A_71 = arith.index_cast %scan3A_56 : i32 to index
        %swap3A_72 = arith.constant 32 : index
        %swap3A_73 = tpu.vector_load %arg9[%swap3A_71, %swap3A_72] {strides = array<i32>} : memref<128x128xf32, #tpu.memory_space<vmem>>, vector<16xf32>,
        tpu.vector_store %arg9[%swap3A_71, %swap3A_72], %broadcast_in_dim3A_3 {strides = array<i32>} : memref<128x128xf32, #tpu.memory_space<vmem>>, vector<16xf32>,
        %swap3A_74 = arith.index_cast %scan3A_56 : i32 to index
        %swap3A_75 = arith.constant 48 : index
        %swap3A_76 = tpu.vector_load %arg8[%swap3A_74, %swap3A_75] {strides = array<i32>} : memref<128x128xf32, #tpu.memory_space<vmem>>, vector<16xf32>,
        tpu.vector_store %arg8[%swap3A_74, %swap3A_75], %broadcast_in_dim3A_3 {strides = array<i32>} : memref<128x128xf32, #tpu.memory_space<vmem>>, vector<16xf32>,
        %swap3A_77 = arith.index_cast %scan3A_56 : i32 to index
        %swap3A_78 = arith.constant 48 : index
        %swap3A_79 = tpu.vector_load %arg9[%swap3A_77, %swap3A_78] {strides = array<i32>} : memref<128x128xf32, #tpu.memory_space<vmem>>, vector<16xf32>,
        tpu.vector_store %arg9[%swap3A_77, %swap3A_78], %broadcast_in_dim3A_3 {strides = array<i32>} : memref<128x128xf32, #tpu.memory_space<vmem>>, vector<16xf32>,
        %swap3A_80 = arith.index_cast %scan3A_56 : i32 to index
        %swap3A_81 = arith.constant 64 : index
        %swap3A_82 = tpu.vector_load %arg8[%swap3A_80, %swap3A_81] {strides = array<i32>} : memref<128x128xf32, #tpu.memory_space<vmem>>, vector<16xf32>,
        tpu.vector_store %arg8[%swap3A_80, %swap3A_81], %broadcast_in_dim3A_3 {strides = array<i32>} : memref<128x128xf32, #tpu.memory_space<vmem>>, vector<16xf32>,
        %swap3A_83 = arith.index_cast %scan3A_56 : i32 to index
        %swap3A_84 = arith.constant 64 : index
        %swap3A_85 = tpu.vector_load %arg9[%swap3A_83, %swap3A_84] {strides = array<i32>} : memref<128x128xf32, #tpu.memory_space<vmem>>, vector<16xf32>,
        tpu.vector_store %arg9[%swap3A_83, %swap3A_84], %broadcast_in_dim3A_3 {strides = array<i32>} : memref<128x128xf32, #tpu.memory_space<vmem>>, vector<16xf32>,
        %swap3A_86 = arith.index_cast %scan3A_56 : i32 to index
        %swap3A_87 = arith.constant 80 : index
        %swap3A_88 = tpu.vector_load %arg8[%swap3A_86, %swap3A_87] {strides = array<i32>} : memref<128x128xf32, #tpu.memory_space<vmem>>, vector<16xf32>,
        tpu.vector_store %arg8[%swap3A_86, %swap3A_87], %broadcast_in_dim3A_3 {strides = array<i32>} : memref<128x128xf32, #tpu.memory_space<vmem>>, vector<16xf32>,
        %swap3A_89 = arith.index_cast %scan3A_56 : i32 to index
        %swap3A_90 = arith.constant 80 : index
        %swap3A_91 = tpu.vector_load %arg9[%swap3A_89, %swap3A_90] {strides = array<i32>} : memref<128x128xf32, #tpu.memory_space<vmem>>, vector<16xf32>,
        tpu.vector_store %arg9[%swap3A_89, %swap3A_90], %broadcast_in_dim3A_3 {strides = array<i32>} : memref<128x128xf32, #tpu.memory_space<vmem>>, vector<16xf32>,
        %swap3A_92 = arith.index_cast %scan3A_56 : i32 to index
        %swap3A_93 = arith.constant 96 : index
        %swap3A_94 = tpu.vector_load %arg8[%swap3A_92, %swap3A_93] {strides = array<i32>} : memref<128x128xf32, #tpu.memory_space<vmem>>, vector<16xf32>,
        tpu.vector_store %arg8[%swap3A_92, %swap3A_93], %broadcast_in_dim3A_3 {strides = array<i32>} : memref<128x128xf32, #tpu.memory_space<vmem>>, vector<16xf32>,
        %swap3A_95 = arith.index_cast %scan3A_56 : i32 to index
        %swap3A_96 = arith.constant 96 : index
        %swap3A_97 = tpu.vector_load %arg9[%swap3A_95, %swap3A_96] {strides = array<i32>} : memref<128x128xf32, #tpu.memory_space<vmem>>, vector<16xf32>,
        tpu.vector_store %arg9[%swap3A_95, %swap3A_96], %broadcast_in_dim3A_3 {strides = array<i32>} : memref<128x128xf32, #tpu.memory_space<vmem>>, vector<16xf32>,
        %swap3A_98 = arith.index_cast %scan3A_56 : i32 to index
        %swap3A_99 = arith.constant 112 : index
        %swap3A_100 = tpu.vector_load %arg8[%swap3A_98, %swap3A_99] {strides = array<i32>} : memref<128x128xf32, #tpu.memory_space<vmem>>, vector<16xf32>,
        tpu.vector_store %arg8[%swap3A_98, %swap3A_99], %broadcast_in_dim3A_3 {strides = array<i32>} : memref<128x128xf32, #tpu.memory_space<vmem>>, vector<16xf32>,
        %swap3A_101 = arith.index_cast %scan3A_56 : i32 to index
        %swap3A_102 = arith.constant 112 : index
        %swap3A_103 = tpu.vector_load %arg9[%swap3A_101, %swap3A_102] {strides = array<i32>} : memref<128x128xf32, #tpu.memory_space<vmem>>, vector<16xf32>,
        tpu.vector_store %arg9[%swap3A_101, %swap3A_102], %broadcast_in_dim3A_3 {strides = array<i32>} : memref<128x128xf32, #tpu.memory_space<vmem>>, vector<16xf32>,
      }
      %scan3A_23 = arith.constant 128 : i32
      %scan3A_24 = arith.constant 0 : i32
      %scan3A_25 = arith.constant 0 : i32
      %scan3A_26 = arith.constant 4 : i32
      %scan3A_27 = arith.addi %scan3A_25, %scan3A_26 : i32
      %scan3A_28 = arith.constant 1 : i32
      scf.for %scan3A_56 = %scan3A_25 to %scan3A_27 step %scan3A_28  : i32 {
        %jit3A = arith.constant 2 : i32
        %div3A = arith.divsi %mul3A_2, %jit3A : i32
        %sign3A = arith.constant 0 : i32
        %sign3A_57 = arith.cmpi sgt, %mul3A_2, %sign3A : i32
        %sign3A_58 = arith.extui %sign3A_57 : i1 to i32
        %sign3A_59 = arith.constant 0 : i32
        %sign3A_60 = arith.cmpi slt, %mul3A_2, %sign3A_59 : i32
        %sign3A_61 = arith.extui %sign3A_60 : i1 to i32
        %sign3A_62 = arith.subi %sign3A_58, %sign3A_61 : i32
        %sign3A_63 = arith.constant 0 : i32
        %sign3A_64 = arith.cmpi sgt, %jit3A, %sign3A_63 : i32
        %sign3A_65 = arith.extui %sign3A_64 : i1 to i32
        %sign3A_66 = arith.constant 0 : i32
        %sign3A_67 = arith.cmpi slt, %jit3A, %sign3A_66 : i32
        %sign3A_68 = arith.extui %sign3A_67 : i1 to i32
        %sign3A_69 = arith.subi %sign3A_65, %sign3A_68 : i32
        %ne3A = arith.cmpi ne, %sign3A_62, %sign3A_69 : i32
        %rem3A = arith.remsi %mul3A_2, %jit3A : i32
        %ne3A_70 = arith.constant 0 : i32
        %ne3A_71 = arith.cmpi ne, %rem3A, %ne3A_70 : i32
        %and3A = arith.andi %ne3A, %ne3A_71 : i1
        %sub3A = arith.constant 1 : i32
        %sub3A_72 = arith.subi %div3A, %sub3A : i32
        %select_n3A = arith.select %and3A, %sub3A_72, %div3A : i32
        %mul3A_73 = arith.constant 128 : i32
        %mul3A_74 = arith.muli %scan3A_56, %mul3A_73 : i32
        %add3A = arith.addi %select_n3A, %mul3A_74 : i32
        "tpu.region"() ({
          %run_scoped3A_75 = tpu.sem_alloc : memref<!tpu.dma_semaphore, #tpu.memory_space<semaphore_mem>>
          %dma_start3A = arith.constant 0 : i32
          %dma_start3A_76 = tpu.memref_slice %arg5[%add3A, %dma_start3A] : memref<8192x128xf32, #tpu.memory_space<vmem_shared>> -> memref<128x128xf32, #tpu.memory_space<vmem_shared>>
          %dma_start3A_77 = arith.constant 0 : i32
          %dma_start3A_78 = tpu.memref_slice %arg5[%add3A, %dma_start3A_77] : memref<8192x128xf32, #tpu.memory_space<vmem_shared>> -> memref<128x128xf32, #tpu.memory_space<vmem_shared>>
          tpu.enqueue_dma source(%arg8 : memref<128x128xf32, #tpu.memory_space<vmem>>) target(%dma_start3A_78 : memref<128x128xf32, #tpu.memory_space<vmem_shared>>) target_semaphore(%run_scoped3A_75 : memref<!tpu.dma_semaphore, #tpu.memory_space<semaphore_mem>>)
          %dma_wait3A = arith.constant 0 : i32
          %dma_wait3A_79 = tpu.memref_slice %arg5[%add3A, %dma_wait3A] : memref<8192x128xf32, #tpu.memory_space<vmem_shared>> -> memref<128x128xf32, #tpu.memory_space<vmem_shared>>
          %dma_wait3A_80 = arith.constant 0 : i32
          %dma_wait3A_81 = tpu.memref_slice %arg5[%add3A, %dma_wait3A_80] : memref<8192x128xf32, #tpu.memory_space<vmem_shared>> -> memref<128x128xf32, #tpu.memory_space<vmem_shared>>
          tpu.wait_dma2 semaphore(%run_scoped3A_75 : memref<!tpu.dma_semaphore, #tpu.memory_space<semaphore_mem>>) src(%arg8 : memref<128x128xf32, #tpu.memory_space<vmem>>) dst(%dma_wait3A_81 : memref<128x128xf32, #tpu.memory_space<vmem_shared>>)
          tpu.yield
        }) : () -> ()
      }
      %scan3A_29 = arith.constant 4 : i32
      %mul3A_30 = arith.constant 8 : i32
      %mul3A_31 = arith.muli %arg1, %mul3A_30 : i32
      "tpu.region"() ({
        %run_scoped3A_56 = tpu.sem_alloc : memref<!tpu.dma_semaphore, #tpu.memory_space<semaphore_mem>>
        %dma_start3A = arith.constant 0 : i32
        %dma_start3A_57 = arith.constant 0 : i32
        %dma_start3A_58 = tpu.memref_slice %arg8[%dma_start3A, %dma_start3A_57] : memref<128x128xf32, #tpu.memory_space<vmem>> -> memref<8x128xf32, #tpu.memory_space<vmem>>
        %dma_start3A_59 = arith.constant 0 : i32
        %dma_start3A_60 = tpu.memref_slice %arg6[%mul3A_31, %dma_start3A_59] : memref<128x128xf32, #tpu.memory_space<vmem_shared>> -> memref<8x128xf32, #tpu.memory_space<vmem_shared>>
        %dma_start3A_61 = arith.constant 0 : i32
        %dma_start3A_62 = tpu.memref_slice %arg6[%mul3A_31, %dma_start3A_61] : memref<128x128xf32, #tpu.memory_space<vmem_shared>> -> memref<8x128xf32, #tpu.memory_space<vmem_shared>>
        %dma_start3A_63 = arith.constant 0 : i32
        %dma_start3A_64 = arith.constant 0 : i32
        %dma_start3A_65 = tpu.memref_slice %arg8[%dma_start3A_63, %dma_start3A_64] : memref<128x128xf32, #tpu.memory_space<vmem>> -> memref<8x128xf32, #tpu.memory_space<vmem>>
        tpu.enqueue_dma source(%dma_start3A_65 : memref<8x128xf32, #tpu.memory_space<vmem>>) target(%dma_start3A_62 : memref<8x128xf32, #tpu.memory_space<vmem_shared>>) target_semaphore(%run_scoped3A_56 : memref<!tpu.dma_semaphore, #tpu.memory_space<semaphore_mem>>)
        %dma_wait3A = arith.constant 0 : i32
        %dma_wait3A_66 = arith.constant 0 : i32
        %dma_wait3A_67 = tpu.memref_slice %arg8[%dma_wait3A, %dma_wait3A_66] : memref<128x128xf32, #tpu.memory_space<vmem>> -> memref<8x128xf32, #tpu.memory_space<vmem>>
        %dma_wait3A_68 = arith.constant 0 : i32
        %dma_wait3A_69 = tpu.memref_slice %arg6[%mul3A_31, %dma_wait3A_68] : memref<128x128xf32, #tpu.memory_space<vmem_shared>> -> memref<8x128xf32, #tpu.memory_space<vmem_shared>>
        %dma_wait3A_70 = arith.constant 0 : i32
        %dma_wait3A_71 = tpu.memref_slice %arg6[%mul3A_31, %dma_wait3A_70] : memref<128x128xf32, #tpu.memory_space<vmem_shared>> -> memref<8x128xf32, #tpu.memory_space<vmem_shared>>
        %dma_wait3A_72 = arith.constant 0 : i32
        %dma_wait3A_73 = arith.constant 0 : i32
        %dma_wait3A_74 = tpu.memref_slice %arg8[%dma_wait3A_72, %dma_wait3A_73] : memref<128x128xf32, #tpu.memory_space<vmem>> -> memref<8x128xf32, #tpu.memory_space<vmem>>
        tpu.wait_dma2 semaphore(%run_scoped3A_56 : memref<!tpu.dma_semaphore, #tpu.memory_space<semaphore_mem>>) src(%dma_wait3A_74 : memref<8x128xf32, #tpu.memory_space<vmem>>) dst(%dma_wait3A_71 : memref<8x128xf32, #tpu.memory_space<vmem_shared>>)
        tpu.yield
      }) : () -> ()
      %multiple_of3A = tpu.assume_multiple %mul3A_2, 1024 : i32
      %run_scoped3A = arith.constant 0 : i32
      %run_scoped3A_32 = arith.constant 0 : i32
      "tpu.region"() ({
        %run_scoped3A_56 = tpu.sem_alloc : memref<!tpu.dma_semaphore, #tpu.memory_space<semaphore_mem>>
        %dma_start3A = arith.constant 0 : i32
        %dma_start3A_57 = tpu.memref_slice %arg13[%run_scoped3A_32, %dma_start3A] : memref<2x1024xf32, #tpu.memory_space<vmem>> -> memref<1x1024xf32, #tpu.memory_space<vmem>>
        %dma_start3A_58 = tpu.memref_squeeze %dma_start3A_57 : memref<1x1024xf32, #tpu.memory_space<vmem>> -> memref<1024xf32, #tpu.memory_space<vmem>>
        %dma_start3A_59 = tpu.memref_slice %arg3[%scan3A_17, %run_scoped3A, %multiple_of3A] : memref<8x2x16384xf32, #tpu.memory_space<hbm>> -> memref<1x1x1024xf32, #tpu.memory_space<hbm>>
        %dma_start3A_60 = tpu.memref_squeeze %dma_start3A_59 : memref<1x1x1024xf32, #tpu.memory_space<hbm>> -> memref<1024xf32, #tpu.memory_space<hbm>>
        %dma_start3A_61 = arith.constant 0 : i32
        %dma_start3A_62 = tpu.memref_slice %arg13[%run_scoped3A_32, %dma_start3A_61] : memref<2x1024xf32, #tpu.memory_space<vmem>> -> memref<1x1024xf32, #tpu.memory_space<vmem>>
        %dma_start3A_63 = tpu.memref_squeeze %dma_start3A_62 : memref<1x1024xf32, #tpu.memory_space<vmem>> -> memref<1024xf32, #tpu.memory_space<vmem>>
        %dma_start3A_64 = tpu.memref_slice %arg3[%scan3A_17, %run_scoped3A, %multiple_of3A] : memref<8x2x16384xf32, #tpu.memory_space<hbm>> -> memref<1x1x1024xf32, #tpu.memory_space<hbm>>
        %dma_start3A_65 = tpu.memref_squeeze %dma_start3A_64 : memref<1x1x1024xf32, #tpu.memory_space<hbm>> -> memref<1024xf32, #tpu.memory_space<hbm>>
        tpu.enqueue_dma source(%dma_start3A_65 : memref<1024xf32, #tpu.memory_space<hbm>>) target(%dma_start3A_63 : memref<1024xf32, #tpu.memory_space<vmem>>) target_semaphore(%run_scoped3A_56 : memref<!tpu.dma_semaphore, #tpu.memory_space<semaphore_mem>>)
        %dma_wait3A = arith.constant 0 : i32
        %dma_wait3A_66 = tpu.memref_slice %arg13[%run_scoped3A_32, %dma_wait3A] : memref<2x1024xf32, #tpu.memory_space<vmem>> -> memref<1x1024xf32, #tpu.memory_space<vmem>>
        %dma_wait3A_67 = tpu.memref_squeeze %dma_wait3A_66 : memref<1x1024xf32, #tpu.memory_space<vmem>> -> memref<1024xf32, #tpu.memory_space<vmem>>
        %dma_wait3A_68 = tpu.memref_slice %arg3[%scan3A_17, %run_scoped3A, %multiple_of3A] : memref<8x2x16384xf32, #tpu.memory_space<hbm>> -> memref<1x1x1024xf32, #tpu.memory_space<hbm>>
        %dma_wait3A_69 = tpu.memref_squeeze %dma_wait3A_68 : memref<1x1x1024xf32, #tpu.memory_space<hbm>> -> memref<1024xf32, #tpu.memory_space<hbm>>
        %dma_wait3A_70 = arith.constant 0 : i32
        %dma_wait3A_71 = tpu.memref_slice %arg13[%run_scoped3A_32, %dma_wait3A_70] : memref<2x1024xf32, #tpu.memory_space<vmem>> -> memref<1x1024xf32, #tpu.memory_space<vmem>>
        %dma_wait3A_72 = tpu.memref_squeeze %dma_wait3A_71 : memref<1x1024xf32, #tpu.memory_space<vmem>> -> memref<1024xf32, #tpu.memory_space<vmem>>
        %dma_wait3A_73 = tpu.memref_slice %arg3[%scan3A_17, %run_scoped3A, %multiple_of3A] : memref<8x2x16384xf32, #tpu.memory_space<hbm>> -> memref<1x1x1024xf32, #tpu.memory_space<hbm>>
        %dma_wait3A_74 = tpu.memref_squeeze %dma_wait3A_73 : memref<1x1x1024xf32, #tpu.memory_space<hbm>> -> memref<1024xf32, #tpu.memory_space<hbm>>
        tpu.wait_dma2 semaphore(%run_scoped3A_56 : memref<!tpu.dma_semaphore, #tpu.memory_space<semaphore_mem>>) src(%dma_wait3A_74 : memref<1024xf32, #tpu.memory_space<hbm>>) dst(%dma_wait3A_72 : memref<1024xf32, #tpu.memory_space<vmem>>)
        tpu.yield
      }) : () -> ()
      %run_scoped3A_33 = arith.constant 1 : i32
      %run_scoped3A_34 = arith.constant 1 : i32
      "tpu.region"() ({
        %run_scoped3A_56 = tpu.sem_alloc : memref<!tpu.dma_semaphore, #tpu.memory_space<semaphore_mem>>
        %dma_start3A = arith.constant 0 : i32
        %dma_start3A_57 = tpu.memref_slice %arg13[%run_scoped3A_34, %dma_start3A] : memref<2x1024xf32, #tpu.memory_space<vmem>> -> memref<1x1024xf32, #tpu.memory_space<vmem>>
        %dma_start3A_58 = tpu.memref_squeeze %dma_start3A_57 : memref<1x1024xf32, #tpu.memory_space<vmem>> -> memref<1024xf32, #tpu.memory_space<vmem>>
        %dma_start3A_59 = tpu.memref_slice %arg3[%scan3A_17, %run_scoped3A_33, %multiple_of3A] : memref<8x2x16384xf32, #tpu.memory_space<hbm>> -> memref<1x1x1024xf32, #tpu.memory_space<hbm>>
        %dma_start3A_60 = tpu.memref_squeeze %dma_start3A_59 : memref<1x1x1024xf32, #tpu.memory_space<hbm>> -> memref<1024xf32, #tpu.memory_space<hbm>>
        %dma_start3A_61 = arith.constant 0 : i32
        %dma_start3A_62 = tpu.memref_slice %arg13[%run_scoped3A_34, %dma_start3A_61] : memref<2x1024xf32, #tpu.memory_space<vmem>> -> memref<1x1024xf32, #tpu.memory_space<vmem>>
        %dma_start3A_63 = tpu.memref_squeeze %dma_start3A_62 : memref<1x1024xf32, #tpu.memory_space<vmem>> -> memref<1024xf32, #tpu.memory_space<vmem>>
        %dma_start3A_64 = tpu.memref_slice %arg3[%scan3A_17, %run_scoped3A_33, %multiple_of3A] : memref<8x2x16384xf32, #tpu.memory_space<hbm>> -> memref<1x1x1024xf32, #tpu.memory_space<hbm>>
        %dma_start3A_65 = tpu.memref_squeeze %dma_start3A_64 : memref<1x1x1024xf32, #tpu.memory_space<hbm>> -> memref<1024xf32, #tpu.memory_space<hbm>>
        tpu.enqueue_dma source(%dma_start3A_65 : memref<1024xf32, #tpu.memory_space<hbm>>) target(%dma_start3A_63 : memref<1024xf32, #tpu.memory_space<vmem>>) target_semaphore(%run_scoped3A_56 : memref<!tpu.dma_semaphore, #tpu.memory_space<semaphore_mem>>)
        %dma_wait3A = arith.constant 0 : i32
        %dma_wait3A_66 = tpu.memref_slice %arg13[%run_scoped3A_34, %dma_wait3A] : memref<2x1024xf32, #tpu.memory_space<vmem>> -> memref<1x1024xf32, #tpu.memory_space<vmem>>
        %dma_wait3A_67 = tpu.memref_squeeze %dma_wait3A_66 : memref<1x1024xf32, #tpu.memory_space<vmem>> -> memref<1024xf32, #tpu.memory_space<vmem>>
        %dma_wait3A_68 = tpu.memref_slice %arg3[%scan3A_17, %run_scoped3A_33, %multiple_of3A] : memref<8x2x16384xf32, #tpu.memory_space<hbm>> -> memref<1x1x1024xf32, #tpu.memory_space<hbm>>
        %dma_wait3A_69 = tpu.memref_squeeze %dma_wait3A_68 : memref<1x1x1024xf32, #tpu.memory_space<hbm>> -> memref<1024xf32, #tpu.memory_space<hbm>>
        %dma_wait3A_70 = arith.constant 0 : i32
        %dma_wait3A_71 = tpu.memref_slice %arg13[%run_scoped3A_34, %dma_wait3A_70] : memref<2x1024xf32, #tpu.memory_space<vmem>> -> memref<1x1024xf32, #tpu.memory_space<vmem>>
        %dma_wait3A_72 = tpu.memref_squeeze %dma_wait3A_71 : memref<1x1024xf32, #tpu.memory_space<vmem>> -> memref<1024xf32, #tpu.memory_space<vmem>>
        %dma_wait3A_73 = tpu.memref_slice %arg3[%scan3A_17, %run_scoped3A_33, %multiple_of3A] : memref<8x2x16384xf32, #tpu.memory_space<hbm>> -> memref<1x1x1024xf32, #tpu.memory_space<hbm>>
        %dma_wait3A_74 = tpu.memref_squeeze %dma_wait3A_73 : memref<1x1x1024xf32, #tpu.memory_space<hbm>> -> memref<1024xf32, #tpu.memory_space<hbm>>
        tpu.wait_dma2 semaphore(%run_scoped3A_56 : memref<!tpu.dma_semaphore, #tpu.memory_space<semaphore_mem>>) src(%dma_wait3A_74 : memref<1024xf32, #tpu.memory_space<hbm>>) dst(%dma_wait3A_72 : memref<1024xf32, #tpu.memory_space<vmem>>)
        tpu.yield
      }) : () -> ()
      %scan3A_35 = arith.constant 0 : i32
      %scan3A_36 = arith.constant 0 : i32
      %scan3A_37 = arith.constant 64 : i32
      %scan3A_38 = arith.addi %scan3A_36, %scan3A_37 : i32
      %scan3A_39 = arith.constant 1 : i32
      scf.for %scan3A_56 = %scan3A_36 to %scan3A_38 step %scan3A_39  : i32 {
        %mul3A_57 = arith.constant 16 : i32
        %mul3A_58 = arith.muli %scan3A_56, %mul3A_57 : i32
        %add3A = arith.addi %mul3A_2, %mul3A_58 : i32
        %add3A_59 = vector.broadcast %add3A : i32 to vector<16xi32>
        %add3A_60 = arith.addi %add3A_59, %iota3A : vector<16xi32>
        %and3A = arith.constant 127 : i32
        %and3A_61 = vector.broadcast %and3A : i32 to vector<16xi32>
        %and3A_62 = arith.andi %add3A_60, %and3A_61 : vector<16xi32>
        %convert_element_type3A = arith.sitofp %and3A_62 : vector<16xi32> to vector<16xf32>
        %shift_right_arithmetic3A = arith.constant 7 : i32
        %shift_right_arithmetic3A_63 = vector.broadcast %shift_right_arithmetic3A : i32 to vector<16xi32>
        %shift_right_arithmetic3A_64 = arith.shrsi %add3A_60, %shift_right_arithmetic3A_63 : vector<16xi32>
        %convert_element_type3A_65 = arith.sitofp %shift_right_arithmetic3A_64 : vector<16xi32> to vector<16xf32>
        %mul3A_66 = arith.constant 16 : i32
        %mul3A_67 = arith.muli %scan3A_56, %mul3A_66 : i32
        %get3A = arith.constant 0 : i32
        %get3A_68 = arith.index_cast %get3A : i32 to index
        %get3A_69 = arith.index_cast %mul3A_67 : i32 to index
        %get3A_70 = tpu.vector_load %arg13[%get3A_68, %get3A_69] {strides = array<i32>} : memref<2x1024xf32, #tpu.memory_space<vmem>>, vector<16xf32>,
        %add3A_71 = arith.addf %convert_element_type3A, %get3A_70 : vector<16xf32>
        %mul3A_72 = arith.constant 16 : i32
        %mul3A_73 = arith.muli %scan3A_56, %mul3A_72 : i32
        %get3A_74 = arith.constant 1 : i32
        %get3A_75 = arith.index_cast %get3A_74 : i32 to index
        %get3A_76 = arith.index_cast %mul3A_73 : i32 to index
        %get3A_77 = tpu.vector_load %arg13[%get3A_75, %get3A_76] {strides = array<i32>} : memref<2x1024xf32, #tpu.memory_space<vmem>>, vector<16xf32>,
        %add3A_78 = arith.addf %convert_element_type3A_65, %get3A_77 : vector<16xf32>
        %convert_element_type3A_79 = arith.fptosi %add3A_71 : vector<16xf32> to vector<16xi32>
        %convert_element_type3A_80 = arith.sitofp %convert_element_type3A_79 : vector<16xi32> to vector<16xf32>
        %gt3A = arith.cmpf ogt, %convert_element_type3A_80, %add3A_71 : vector<16xf32>
        %sub3A = arith.constant 1 : i32
        %sub3A_81 = vector.broadcast %sub3A : i32 to vector<16xi32>
        %sub3A_82 = arith.subi %convert_element_type3A_79, %sub3A_81 : vector<16xi32>
        %select_n3A = arith.select %gt3A, %sub3A_82, %convert_element_type3A_79 : vector<16xi1>, vector<16xi32>
        %convert_element_type3A_83 = arith.fptosi %add3A_78 : vector<16xf32> to vector<16xi32>
        %convert_element_type3A_84 = arith.sitofp %convert_element_type3A_83 : vector<16xi32> to vector<16xf32>
        %gt3A_85 = arith.cmpf ogt, %convert_element_type3A_84, %add3A_78 : vector<16xf32>
        %sub3A_86 = arith.constant 1 : i32
        %sub3A_87 = vector.broadcast %sub3A_86 : i32 to vector<16xi32>
        %sub3A_88 = arith.subi %convert_element_type3A_83, %sub3A_87 : vector<16xi32>
        %select_n3A_89 = arith.select %gt3A_85, %sub3A_88, %convert_element_type3A_83 : vector<16xi1>, vector<16xi32>
        %convert_element_type3A_90 = arith.sitofp %select_n3A : vector<16xi32> to vector<16xf32>
        %sub3A_91 = arith.subf %add3A_71, %convert_element_type3A_90 : vector<16xf32>
        %convert_element_type3A_92 = arith.sitofp %select_n3A_89 : vector<16xi32> to vector<16xf32>
        %sub3A_93 = arith.subf %add3A_78, %convert_element_type3A_92 : vector<16xf32>
        %sub3A_94 = arith.constant 1.000000e+00 : f32
        %sub3A_95 = vector.broadcast %sub3A_94 : f32 to vector<16xf32>
        %sub3A_96 = arith.subf %sub3A_95, %sub3A_91 : vector<16xf32>
        %sub3A_97 = arith.constant 1.000000e+00 : f32
        %sub3A_98 = vector.broadcast %sub3A_97 : f32 to vector<16xf32>
        %sub3A_99 = arith.subf %sub3A_98, %sub3A_93 : vector<16xf32>
        %mul3A_100 = arith.mulf %sub3A_96, %sub3A_99 : vector<16xf32>
        %add3A_101 = arith.constant 1 : i32
        %add3A_102 = vector.broadcast %add3A_101 : i32 to vector<16xi32>
        %add3A_103 = arith.addi %select_n3A, %add3A_102 : vector<16xi32>
        %sub3A_104 = arith.constant 1.000000e+00 : f32
        %sub3A_105 = vector.broadcast %sub3A_104 : f32 to vector<16xf32>
        %sub3A_106 = arith.subf %sub3A_105, %sub3A_93 : vector<16xf32>
        %mul3A_107 = arith.mulf %sub3A_91, %sub3A_106 : vector<16xf32>
        %add3A_108 = arith.constant 1 : i32
        %add3A_109 = vector.broadcast %add3A_108 : i32 to vector<16xi32>
        %add3A_110 = arith.addi %select_n3A_89, %add3A_109 : vector<16xi32>
        %sub3A_111 = arith.constant 1.000000e+00 : f32
        %sub3A_112 = vector.broadcast %sub3A_111 : f32 to vector<16xf32>
        %sub3A_113 = arith.subf %sub3A_112, %sub3A_91 : vector<16xf32>
        %mul3A_114 = arith.mulf %sub3A_113, %sub3A_93 : vector<16xf32>
        %add3A_115 = arith.constant 1 : i32
        %add3A_116 = vector.broadcast %add3A_115 : i32 to vector<16xi32>
        %add3A_117 = arith.addi %select_n3A, %add3A_116 : vector<16xi32>
        %add3A_118 = arith.constant 1 : i32
        %add3A_119 = vector.broadcast %add3A_118 : i32 to vector<16xi32>
        %add3A_120 = arith.addi %select_n3A_89, %add3A_119 : vector<16xi32>
        %mul3A_121 = arith.mulf %sub3A_91, %sub3A_93 : vector<16xf32>
        %shift_right_arithmetic3A_122 = arith.constant 3 : i32
        %shift_right_arithmetic3A_123 = arith.shrsi %scan3A_56, %shift_right_arithmetic3A_122 : i32
        %and3A_124 = arith.constant 7 : i32
        %and3A_125 = arith.andi %scan3A_56, %and3A_124 : i32
        %mul3A_126 = arith.constant 16 : i32
        %mul3A_127 = arith.muli %and3A_125, %mul3A_126 : i32
        %ge3A = arith.constant 0 : i32
        %ge3A_128 = vector.broadcast %ge3A : i32 to vector<16xi32>
        %ge3A_129 = arith.cmpi sge, %select_n3A, %ge3A_128 : vector<16xi32>
        %lt3A = arith.constant 128 : i32
        %lt3A_130 = vector.broadcast %lt3A : i32 to vector<16xi32>
        %lt3A_131 = arith.cmpi slt, %select_n3A, %lt3A_130 : vector<16xi32>
        %and3A_132 = arith.andi %ge3A_129, %lt3A_131 : vector<16xi1>
        %ge3A_133 = arith.constant 0 : i32
        %ge3A_134 = vector.broadcast %ge3A_133 : i32 to vector<16xi32>
        %ge3A_135 = arith.cmpi sge, %select_n3A_89, %ge3A_134 : vector<16xi32>
        %and3A_136 = arith.andi %and3A_132, %ge3A_135 : vector<16xi1>
        %lt3A_137 = arith.constant 128 : i32
        %lt3A_138 = vector.broadcast %lt3A_137 : i32 to vector<16xi32>
        %lt3A_139 = arith.cmpi slt, %select_n3A_89, %lt3A_138 : vector<16xi32>
        %and3A_140 = arith.andi %and3A_136, %lt3A_139 : vector<16xi1>
        %mul3A_141 = arith.constant 128 : i32
        %mul3A_142 = vector.broadcast %mul3A_141 : i32 to vector<16xi32>
        %mul3A_143 = arith.muli %select_n3A_89, %mul3A_142 : vector<16xi32>
        %add3A_144 = arith.addi %mul3A_143, %select_n3A : vector<16xi32>
        %jit3A = arith.constant 0 : i32
        %broadcast_in_dim3A_145 = vector.broadcast %jit3A : i32 to vector<16xi32>
        %select_n3A_146 = arith.select %and3A_140, %add3A_144, %broadcast_in_dim3A_145 : vector<16xi1>, vector<16xi32>
        %mul3A_147 = arith.constant 16 : i32
        %mul3A_148 = arith.muli %scan3A_56, %mul3A_147 : i32
        %swap3A = arith.constant 0 : i32
        %swap3A_149 = arith.index_cast %swap3A : i32 to index
        %swap3A_150 = arith.index_cast %mul3A_148 : i32 to index
        %swap3A_151 = tpu.vector_load %arg11[%swap3A_149, %swap3A_150] {strides = array<i32>} : memref<4x1024xi32, #tpu.memory_space<vmem>>, vector<16xi32>,
        tpu.vector_store %arg11[%swap3A_149, %swap3A_150], %select_n3A_146 {strides = array<i32>} : memref<4x1024xi32, #tpu.memory_space<vmem>>, vector<16xi32>,
        %shift_right_arithmetic3A_152 = arith.constant 1 : i32
        %shift_right_arithmetic3A_153 = vector.broadcast %shift_right_arithmetic3A_152 : i32 to vector<16xi32>
        %shift_right_arithmetic3A_154 = arith.shrsi %select_n3A_146, %shift_right_arithmetic3A_153 : vector<16xi32>
        %add3A_155 = arith.constant 0 : i32
        %add3A_156 = arith.addi %add3A_155, %shift_right_arithmetic3A_123 : i32
        %swap3A_157 = arith.index_cast %add3A_156 : i32 to index
        %swap3A_158 = arith.index_cast %mul3A_127 : i32 to index
        %swap3A_159 = tpu.vector_load %arg10[%swap3A_157, %swap3A_158] {strides = array<i32>} : memref<32x128xi32, #tpu.memory_space<vmem>>, vector<16xi32>,
        tpu.vector_store %arg10[%swap3A_157, %swap3A_158], %shift_right_arithmetic3A_154 {strides = array<i32>} : memref<32x128xi32, #tpu.memory_space<vmem>>, vector<16xi32>,
        %jit3A_160 = arith.constant 0.000000e+00 : f32
        %broadcast_in_dim3A_161 = vector.broadcast %jit3A_160 : f32 to vector<16xf32>
        %select_n3A_162 = arith.select %and3A_140, %mul3A_100, %broadcast_in_dim3A_161 : vector<16xi1>, vector<16xf32>
        %mul3A_163 = arith.constant 16 : i32
        %mul3A_164 = arith.muli %scan3A_56, %mul3A_163 : i32
        %swap3A_165 = arith.constant 0 : i32
        %swap3A_166 = arith.index_cast %swap3A_165 : i32 to index
        %swap3A_167 = arith.index_cast %mul3A_164 : i32 to index
        %swap3A_168 = tpu.vector_load %arg12[%swap3A_166, %swap3A_167] {strides = array<i32>} : memref<4x1024xf32, #tpu.memory_space<vmem>>, vector<16xf32>,
        tpu.vector_store %arg12[%swap3A_166, %swap3A_167], %select_n3A_162 {strides = array<i32>} : memref<4x1024xf32, #tpu.memory_space<vmem>>, vector<16xf32>,
        %ge3A_169 = arith.constant 0 : i32
        %ge3A_170 = vector.broadcast %ge3A_169 : i32 to vector<16xi32>
        %ge3A_171 = arith.cmpi sge, %add3A_103, %ge3A_170 : vector<16xi32>
        %lt3A_172 = arith.constant 128 : i32
        %lt3A_173 = vector.broadcast %lt3A_172 : i32 to vector<16xi32>
        %lt3A_174 = arith.cmpi slt, %add3A_103, %lt3A_173 : vector<16xi32>
        %and3A_175 = arith.andi %ge3A_171, %lt3A_174 : vector<16xi1>
        %ge3A_176 = arith.constant 0 : i32
        %ge3A_177 = vector.broadcast %ge3A_176 : i32 to vector<16xi32>
        %ge3A_178 = arith.cmpi sge, %select_n3A_89, %ge3A_177 : vector<16xi32>
        %and3A_179 = arith.andi %and3A_175, %ge3A_178 : vector<16xi1>
        %lt3A_180 = arith.constant 128 : i32
        %lt3A_181 = vector.broadcast %lt3A_180 : i32 to vector<16xi32>
        %lt3A_182 = arith.cmpi slt, %select_n3A_89, %lt3A_181 : vector<16xi32>
        %and3A_183 = arith.andi %and3A_179, %lt3A_182 : vector<16xi1>
        %mul3A_184 = arith.constant 128 : i32
        %mul3A_185 = vector.broadcast %mul3A_184 : i32 to vector<16xi32>
        %mul3A_186 = arith.muli %select_n3A_89, %mul3A_185 : vector<16xi32>
        %add3A_187 = arith.addi %mul3A_186, %add3A_103 : vector<16xi32>
        %jit3A_188 = arith.constant 0 : i32
        %broadcast_in_dim3A_189 = vector.broadcast %jit3A_188 : i32 to vector<16xi32>
        %select_n3A_190 = arith.select %and3A_183, %add3A_187, %broadcast_in_dim3A_189 : vector<16xi1>, vector<16xi32>
        %mul3A_191 = arith.constant 16 : i32
        %mul3A_192 = arith.muli %scan3A_56, %mul3A_191 : i32
        %swap3A_193 = arith.constant 1 : i32
        %swap3A_194 = arith.index_cast %swap3A_193 : i32 to index
        %swap3A_195 = arith.index_cast %mul3A_192 : i32 to index
        %swap3A_196 = tpu.vector_load %arg11[%swap3A_194, %swap3A_195] {strides = array<i32>} : memref<4x1024xi32, #tpu.memory_space<vmem>>, vector<16xi32>,
        tpu.vector_store %arg11[%swap3A_194, %swap3A_195], %select_n3A_190 {strides = array<i32>} : memref<4x1024xi32, #tpu.memory_space<vmem>>, vector<16xi32>,
        %shift_right_arithmetic3A_197 = arith.constant 1 : i32
        %shift_right_arithmetic3A_198 = vector.broadcast %shift_right_arithmetic3A_197 : i32 to vector<16xi32>
        %shift_right_arithmetic3A_199 = arith.shrsi %select_n3A_190, %shift_right_arithmetic3A_198 : vector<16xi32>
        %add3A_200 = arith.constant 8 : i32
        %add3A_201 = arith.addi %add3A_200, %shift_right_arithmetic3A_123 : i32
        %swap3A_202 = arith.index_cast %add3A_201 : i32 to index
        %swap3A_203 = arith.index_cast %mul3A_127 : i32 to index
        %swap3A_204 = tpu.vector_load %arg10[%swap3A_202, %swap3A_203] {strides = array<i32>} : memref<32x128xi32, #tpu.memory_space<vmem>>, vector<16xi32>,
        tpu.vector_store %arg10[%swap3A_202, %swap3A_203], %shift_right_arithmetic3A_199 {strides = array<i32>} : memref<32x128xi32, #tpu.memory_space<vmem>>, vector<16xi32>,
        %jit3A_205 = arith.constant 0.000000e+00 : f32
        %broadcast_in_dim3A_206 = vector.broadcast %jit3A_205 : f32 to vector<16xf32>
        %select_n3A_207 = arith.select %and3A_183, %mul3A_107, %broadcast_in_dim3A_206 : vector<16xi1>, vector<16xf32>
        %mul3A_208 = arith.constant 16 : i32
        %mul3A_209 = arith.muli %scan3A_56, %mul3A_208 : i32
        %swap3A_210 = arith.constant 1 : i32
        %swap3A_211 = arith.index_cast %swap3A_210 : i32 to index
        %swap3A_212 = arith.index_cast %mul3A_209 : i32 to index
        %swap3A_213 = tpu.vector_load %arg12[%swap3A_211, %swap3A_212] {strides = array<i32>} : memref<4x1024xf32, #tpu.memory_space<vmem>>, vector<16xf32>,
        tpu.vector_store %arg12[%swap3A_211, %swap3A_212], %select_n3A_207 {strides = array<i32>} : memref<4x1024xf32, #tpu.memory_space<vmem>>, vector<16xf32>,
        %ge3A_214 = arith.constant 0 : i32
        %ge3A_215 = vector.broadcast %ge3A_214 : i32 to vector<16xi32>
        %ge3A_216 = arith.cmpi sge, %select_n3A, %ge3A_215 : vector<16xi32>
        %lt3A_217 = arith.constant 128 : i32
        %lt3A_218 = vector.broadcast %lt3A_217 : i32 to vector<16xi32>
        %lt3A_219 = arith.cmpi slt, %select_n3A, %lt3A_218 : vector<16xi32>
        %and3A_220 = arith.andi %ge3A_216, %lt3A_219 : vector<16xi1>
        %ge3A_221 = arith.constant 0 : i32
        %ge3A_222 = vector.broadcast %ge3A_221 : i32 to vector<16xi32>
        %ge3A_223 = arith.cmpi sge, %add3A_110, %ge3A_222 : vector<16xi32>
        %and3A_224 = arith.andi %and3A_220, %ge3A_223 : vector<16xi1>
        %lt3A_225 = arith.constant 128 : i32
        %lt3A_226 = vector.broadcast %lt3A_225 : i32 to vector<16xi32>
        %lt3A_227 = arith.cmpi slt, %add3A_110, %lt3A_226 : vector<16xi32>
        %and3A_228 = arith.andi %and3A_224, %lt3A_227 : vector<16xi1>
        %mul3A_229 = arith.constant 128 : i32
        %mul3A_230 = vector.broadcast %mul3A_229 : i32 to vector<16xi32>
        %mul3A_231 = arith.muli %add3A_110, %mul3A_230 : vector<16xi32>
        %add3A_232 = arith.addi %mul3A_231, %select_n3A : vector<16xi32>
        %jit3A_233 = arith.constant 0 : i32
        %broadcast_in_dim3A_234 = vector.broadcast %jit3A_233 : i32 to vector<16xi32>
        %select_n3A_235 = arith.select %and3A_228, %add3A_232, %broadcast_in_dim3A_234 : vector<16xi1>, vector<16xi32>
        %mul3A_236 = arith.constant 16 : i32
        %mul3A_237 = arith.muli %scan3A_56, %mul3A_236 : i32
        %swap3A_238 = arith.constant 2 : i32
        %swap3A_239 = arith.index_cast %swap3A_238 : i32 to index
        %swap3A_240 = arith.index_cast %mul3A_237 : i32 to index
        %swap3A_241 = tpu.vector_load %arg11[%swap3A_239, %swap3A_240] {strides = array<i32>} : memref<4x1024xi32, #tpu.memory_space<vmem>>, vector<16xi32>,
        tpu.vector_store %arg11[%swap3A_239, %swap3A_240], %select_n3A_235 {strides = array<i32>} : memref<4x1024xi32, #tpu.memory_space<vmem>>, vector<16xi32>,
        %shift_right_arithmetic3A_242 = arith.constant 1 : i32
        %shift_right_arithmetic3A_243 = vector.broadcast %shift_right_arithmetic3A_242 : i32 to vector<16xi32>
        %shift_right_arithmetic3A_244 = arith.shrsi %select_n3A_235, %shift_right_arithmetic3A_243 : vector<16xi32>
        %add3A_245 = arith.constant 16 : i32
        %add3A_246 = arith.addi %add3A_245, %shift_right_arithmetic3A_123 : i32
        %swap3A_247 = arith.index_cast %add3A_246 : i32 to index
        %swap3A_248 = arith.index_cast %mul3A_127 : i32 to index
        %swap3A_249 = tpu.vector_load %arg10[%swap3A_247, %swap3A_248] {strides = array<i32>} : memref<32x128xi32, #tpu.memory_space<vmem>>, vector<16xi32>,
        tpu.vector_store %arg10[%swap3A_247, %swap3A_248], %shift_right_arithmetic3A_244 {strides = array<i32>} : memref<32x128xi32, #tpu.memory_space<vmem>>, vector<16xi32>,
        %jit3A_250 = arith.constant 0.000000e+00 : f32
        %broadcast_in_dim3A_251 = vector.broadcast %jit3A_250 : f32 to vector<16xf32>
        %select_n3A_252 = arith.select %and3A_228, %mul3A_114, %broadcast_in_dim3A_251 : vector<16xi1>, vector<16xf32>
        %mul3A_253 = arith.constant 16 : i32
        %mul3A_254 = arith.muli %scan3A_56, %mul3A_253 : i32
        %swap3A_255 = arith.constant 2 : i32
        %swap3A_256 = arith.index_cast %swap3A_255 : i32 to index
        %swap3A_257 = arith.index_cast %mul3A_254 : i32 to index
        %swap3A_258 = tpu.vector_load %arg12[%swap3A_256, %swap3A_257] {strides = array<i32>} : memref<4x1024xf32, #tpu.memory_space<vmem>>, vector<16xf32>,
        tpu.vector_store %arg12[%swap3A_256, %swap3A_257], %select_n3A_252 {strides = array<i32>} : memref<4x1024xf32, #tpu.memory_space<vmem>>, vector<16xf32>,
        %ge3A_259 = arith.constant 0 : i32
        %ge3A_260 = vector.broadcast %ge3A_259 : i32 to vector<16xi32>
        %ge3A_261 = arith.cmpi sge, %add3A_117, %ge3A_260 : vector<16xi32>
        %lt3A_262 = arith.constant 128 : i32
        %lt3A_263 = vector.broadcast %lt3A_262 : i32 to vector<16xi32>
        %lt3A_264 = arith.cmpi slt, %add3A_117, %lt3A_263 : vector<16xi32>
        %and3A_265 = arith.andi %ge3A_261, %lt3A_264 : vector<16xi1>
        %ge3A_266 = arith.constant 0 : i32
        %ge3A_267 = vector.broadcast %ge3A_266 : i32 to vector<16xi32>
        %ge3A_268 = arith.cmpi sge, %add3A_120, %ge3A_267 : vector<16xi32>
        %and3A_269 = arith.andi %and3A_265, %ge3A_268 : vector<16xi1>
        %lt3A_270 = arith.constant 128 : i32
        %lt3A_271 = vector.broadcast %lt3A_270 : i32 to vector<16xi32>
        %lt3A_272 = arith.cmpi slt, %add3A_120, %lt3A_271 : vector<16xi32>
        %and3A_273 = arith.andi %and3A_269, %lt3A_272 : vector<16xi1>
        %mul3A_274 = arith.constant 128 : i32
        %mul3A_275 = vector.broadcast %mul3A_274 : i32 to vector<16xi32>
        %mul3A_276 = arith.muli %add3A_120, %mul3A_275 : vector<16xi32>
        %add3A_277 = arith.addi %mul3A_276, %add3A_117 : vector<16xi32>
        %jit3A_278 = arith.constant 0 : i32
        %broadcast_in_dim3A_279 = vector.broadcast %jit3A_278 : i32 to vector<16xi32>
        %select_n3A_280 = arith.select %and3A_273, %add3A_277, %broadcast_in_dim3A_279 : vector<16xi1>, vector<16xi32>
        %mul3A_281 = arith.constant 16 : i32
        %mul3A_282 = arith.muli %scan3A_56, %mul3A_281 : i32
        %swap3A_283 = arith.constant 3 : i32
        %swap3A_284 = arith.index_cast %swap3A_283 : i32 to index
        %swap3A_285 = arith.index_cast %mul3A_282 : i32 to index
        %swap3A_286 = tpu.vector_load %arg11[%swap3A_284, %swap3A_285] {strides = array<i32>} : memref<4x1024xi32, #tpu.memory_space<vmem>>, vector<16xi32>,
        tpu.vector_store %arg11[%swap3A_284, %swap3A_285], %select_n3A_280 {strides = array<i32>} : memref<4x1024xi32, #tpu.memory_space<vmem>>, vector<16xi32>,
        %shift_right_arithmetic3A_287 = arith.constant 1 : i32
        %shift_right_arithmetic3A_288 = vector.broadcast %shift_right_arithmetic3A_287 : i32 to vector<16xi32>
        %shift_right_arithmetic3A_289 = arith.shrsi %select_n3A_280, %shift_right_arithmetic3A_288 : vector<16xi32>
        %add3A_290 = arith.constant 24 : i32
        %add3A_291 = arith.addi %add3A_290, %shift_right_arithmetic3A_123 : i32
        %swap3A_292 = arith.index_cast %add3A_291 : i32 to index
        %swap3A_293 = arith.index_cast %mul3A_127 : i32 to index
        %swap3A_294 = tpu.vector_load %arg10[%swap3A_292, %swap3A_293] {strides = array<i32>} : memref<32x128xi32, #tpu.memory_space<vmem>>, vector<16xi32>,
        tpu.vector_store %arg10[%swap3A_292, %swap3A_293], %shift_right_arithmetic3A_289 {strides = array<i32>} : memref<32x128xi32, #tpu.memory_space<vmem>>, vector<16xi32>,
        %jit3A_295 = arith.constant 0.000000e+00 : f32
        %broadcast_in_dim3A_296 = vector.broadcast %jit3A_295 : f32 to vector<16xf32>
        %select_n3A_297 = arith.select %and3A_273, %mul3A_121, %broadcast_in_dim3A_296 : vector<16xi1>, vector<16xf32>
        %mul3A_298 = arith.constant 16 : i32
        %mul3A_299 = arith.muli %scan3A_56, %mul3A_298 : i32
        %swap3A_300 = arith.constant 3 : i32
        %swap3A_301 = arith.index_cast %swap3A_300 : i32 to index
        %swap3A_302 = arith.index_cast %mul3A_299 : i32 to index
        %swap3A_303 = tpu.vector_load %arg12[%swap3A_301, %swap3A_302] {strides = array<i32>} : memref<4x1024xf32, #tpu.memory_space<vmem>>, vector<16xf32>,
        tpu.vector_store %arg12[%swap3A_301, %swap3A_302], %select_n3A_297 {strides = array<i32>} : memref<4x1024xf32, #tpu.memory_space<vmem>>, vector<16xf32>,
      }
      %scan3A_40 = arith.constant 64 : i32
      %barrier3A = arith.constant 0 : index
      tpu.barrier barrier_id(%barrier3A)
      %scan3A_41 = arith.constant 0 : i32
      %scan3A_42 = arith.constant 0 : i32
      %scan3A_43 = arith.constant 8 : i32
      %scan3A_44 = arith.addi %scan3A_42, %scan3A_43 : i32
      %scan3A_45 = arith.constant 1 : i32
      scf.for %scan3A_56 = %scan3A_42 to %scan3A_44 step %scan3A_45  : i32 {
        %mul3A_57 = arith.constant 128 : i32
        %mul3A_58 = arith.muli %scan3A_56, %mul3A_57 : i32
        %add3A = arith.addi %mul3A_2, %mul3A_58 : i32
        %multiple_of3A_59 = tpu.assume_multiple %add3A, 128 : i32
        "tpu.region"() ({
          %run_scoped3A_92 = tpu.sem_alloc : memref<!tpu.dma_semaphore, #tpu.memory_space<semaphore_mem>>
          %dma_start3A = arith.constant 0 : i32
          %dma_start3A_93 = tpu.memref_slice %arg2[%scan3A_17, %multiple_of3A_59, %dma_start3A] : memref<8x16384x128xf32, #tpu.memory_space<hbm>> -> memref<1x128x128xf32, #tpu.memory_space<hbm>>
          %dma_start3A_94 = tpu.memref_squeeze %dma_start3A_93 : memref<1x128x128xf32, #tpu.memory_space<hbm>> -> memref<128x128xf32, #tpu.memory_space<hbm>>
          %dma_start3A_95 = arith.constant 0 : i32
          %dma_start3A_96 = tpu.memref_slice %arg2[%scan3A_17, %multiple_of3A_59, %dma_start3A_95] : memref<8x16384x128xf32, #tpu.memory_space<hbm>> -> memref<1x128x128xf32, #tpu.memory_space<hbm>>
          %dma_start3A_97 = tpu.memref_squeeze %dma_start3A_96 : memref<1x128x128xf32, #tpu.memory_space<hbm>> -> memref<128x128xf32, #tpu.memory_space<hbm>>
          tpu.enqueue_dma source(%dma_start3A_97 : memref<128x128xf32, #tpu.memory_space<hbm>>) target(%arg7 : memref<128x128xf32, #tpu.memory_space<vmem>>) target_semaphore(%run_scoped3A_92 : memref<!tpu.dma_semaphore, #tpu.memory_space<semaphore_mem>>)
          %dma_wait3A = arith.constant 0 : i32
          %dma_wait3A_98 = tpu.memref_slice %arg2[%scan3A_17, %multiple_of3A_59, %dma_wait3A] : memref<8x16384x128xf32, #tpu.memory_space<hbm>> -> memref<1x128x128xf32, #tpu.memory_space<hbm>>
          %dma_wait3A_99 = tpu.memref_squeeze %dma_wait3A_98 : memref<1x128x128xf32, #tpu.memory_space<hbm>> -> memref<128x128xf32, #tpu.memory_space<hbm>>
          %dma_wait3A_100 = arith.constant 0 : i32
          %dma_wait3A_101 = tpu.memref_slice %arg2[%scan3A_17, %multiple_of3A_59, %dma_wait3A_100] : memref<8x16384x128xf32, #tpu.memory_space<hbm>> -> memref<1x128x128xf32, #tpu.memory_space<hbm>>
          %dma_wait3A_102 = tpu.memref_squeeze %dma_wait3A_101 : memref<1x128x128xf32, #tpu.memory_space<hbm>> -> memref<128x128xf32, #tpu.memory_space<hbm>>
          tpu.wait_dma2 semaphore(%run_scoped3A_92 : memref<!tpu.dma_semaphore, #tpu.memory_space<semaphore_mem>>) src(%dma_wait3A_102 : memref<128x128xf32, #tpu.memory_space<hbm>>) dst(%arg7 : memref<128x128xf32, #tpu.memory_space<vmem>>)
          tpu.yield
        }) : () -> ()
        %scan3A_60 = arith.constant 0 : i32
        %scan3A_61 = arith.constant 0 : i32
        %scan3A_62 = arith.constant 32 : i32
        %scan3A_63 = arith.addi %scan3A_61, %scan3A_62 : i32
        %scan3A_64 = arith.constant 1 : i32
        scf.for %scan3A_92 = %scan3A_61 to %scan3A_63 step %scan3A_64  : i32 {
          %add3A_93 = arith.constant 0 : i32
          %add3A_94 = vector.broadcast %add3A_93 : i32 to vector<16xi32>
          %add3A_95 = arith.addi %broadcast_in_dim3A_5, %add3A_94 : vector<16xi32>
          %mul3A_96 = arith.constant 4 : i32
          %mul3A_97 = arith.muli %scan3A_92, %mul3A_96 : i32
          %add3A_98 = arith.constant 0 : i32
          %add3A_99 = arith.addi %mul3A_97, %add3A_98 : i32
          %mul3A_100 = arith.constant 128 : i32
          %mul3A_101 = arith.muli %scan3A_56, %mul3A_100 : i32
          %add3A_102 = arith.addi %mul3A_101, %add3A_99 : i32
          %add3A_103 = vector.broadcast %add3A_102 : i32 to vector<16xi32>
          %add3A_104 = arith.addi %broadcast_in_dim3A_5, %add3A_103 : vector<16xi32>
          %gather3A = tpu.vector_load_idx %arg12[%add3A_95, %add3A_104] : memref<4x1024xf32, #tpu.memory_space<vmem>>[vector<16xi32>, vector<16xi32>], vector<16xf32>,
          %gather3A_105 = tpu.vector_load_idx %arg11[%add3A_95, %add3A_104] : memref<4x1024xi32, #tpu.memory_space<vmem>>[vector<16xi32>, vector<16xi32>], vector<16xi32>,
          %and3A = arith.constant 1 : i32
          %and3A_106 = vector.broadcast %and3A : i32 to vector<16xi32>
          %and3A_107 = arith.andi %gather3A_105, %and3A_106 : vector<16xi32>
          %mul3A_108 = arith.constant 64 : i32
          %mul3A_109 = vector.broadcast %mul3A_108 : i32 to vector<16xi32>
          %mul3A_110 = arith.muli %and3A_107, %mul3A_109 : vector<16xi32>
          %sub3A = arith.constant 64 : i32
          %sub3A_111 = vector.broadcast %sub3A : i32 to vector<16xi32>
          %sub3A_112 = arith.subi %sub3A_111, %mul3A_110 : vector<16xi32>
          %add3A_113 = vector.broadcast %add3A_99 : i32 to vector<16xi32>
          %add3A_114 = arith.addi %broadcast_in_dim3A_5, %add3A_113 : vector<16xi32>
          %add3A_115 = arith.constant 0 : i32
          %add3A_116 = arith.addi %mul3A_0, %add3A_115 : i32
          %get3A = arith.index_cast %add3A_99 : i32 to index
          %get3A_117 = arith.index_cast %add3A_116 : i32 to index
          %get3A_118 = tpu.vector_load %arg7[%get3A, %get3A_117] {strides = array<i32>} : memref<128x128xf32, #tpu.memory_space<vmem>>, vector<16xf32>,
          %add3A_119 = arith.constant 0 : i32
          %add3A_120 = vector.broadcast %add3A_119 : i32 to vector<16xi32>
          %add3A_121 = arith.addi %add3A_120, %iota3A : vector<16xi32>
          %add3A_122 = arith.addi %mul3A_110, %add3A_121 : vector<16xi32>
          %mul3A_123 = arith.mulf %get3A_118, %gather3A : vector<16xf32>
          tpu.vector_store_idx %arg8[%add3A_114, %add3A_122], %mul3A_123 : memref<128x128xf32, #tpu.memory_space<vmem>>[vector<16xi32>, vector<16xi32>], vector<16xf32>,
          %add3A_124 = arith.constant 0 : i32
          %add3A_125 = vector.broadcast %add3A_124 : i32 to vector<16xi32>
          %add3A_126 = arith.addi %add3A_125, %iota3A : vector<16xi32>
          %add3A_127 = arith.addi %sub3A_112, %add3A_126 : vector<16xi32>
          tpu.vector_store_idx %arg8[%add3A_114, %add3A_127], %broadcast_in_dim3A_3 : memref<128x128xf32, #tpu.memory_space<vmem>>[vector<16xi32>, vector<16xi32>], vector<16xf32>,
          %add3A_128 = arith.constant 16 : i32
          %add3A_129 = arith.addi %mul3A_0, %add3A_128 : i32
          %get3A_130 = arith.index_cast %add3A_99 : i32 to index
          %get3A_131 = arith.index_cast %add3A_129 : i32 to index
          %get3A_132 = tpu.vector_load %arg7[%get3A_130, %get3A_131] {strides = array<i32>} : memref<128x128xf32, #tpu.memory_space<vmem>>, vector<16xf32>,
          %add3A_133 = arith.constant 16 : i32
          %add3A_134 = vector.broadcast %add3A_133 : i32 to vector<16xi32>
          %add3A_135 = arith.addi %add3A_134, %iota3A : vector<16xi32>
          %add3A_136 = arith.addi %mul3A_110, %add3A_135 : vector<16xi32>
          %mul3A_137 = arith.mulf %get3A_132, %gather3A : vector<16xf32>
          tpu.vector_store_idx %arg8[%add3A_114, %add3A_136], %mul3A_137 : memref<128x128xf32, #tpu.memory_space<vmem>>[vector<16xi32>, vector<16xi32>], vector<16xf32>,
          %add3A_138 = arith.constant 16 : i32
          %add3A_139 = vector.broadcast %add3A_138 : i32 to vector<16xi32>
          %add3A_140 = arith.addi %add3A_139, %iota3A : vector<16xi32>
          %add3A_141 = arith.addi %sub3A_112, %add3A_140 : vector<16xi32>
          tpu.vector_store_idx %arg8[%add3A_114, %add3A_141], %broadcast_in_dim3A_3 : memref<128x128xf32, #tpu.memory_space<vmem>>[vector<16xi32>, vector<16xi32>], vector<16xf32>,
          %add3A_142 = arith.constant 32 : i32
          %add3A_143 = arith.addi %mul3A_0, %add3A_142 : i32
          %get3A_144 = arith.index_cast %add3A_99 : i32 to index
          %get3A_145 = arith.index_cast %add3A_143 : i32 to index
          %get3A_146 = tpu.vector_load %arg7[%get3A_144, %get3A_145] {strides = array<i32>} : memref<128x128xf32, #tpu.memory_space<vmem>>, vector<16xf32>,
          %add3A_147 = arith.constant 32 : i32
          %add3A_148 = vector.broadcast %add3A_147 : i32 to vector<16xi32>
          %add3A_149 = arith.addi %add3A_148, %iota3A : vector<16xi32>
          %add3A_150 = arith.addi %mul3A_110, %add3A_149 : vector<16xi32>
          %mul3A_151 = arith.mulf %get3A_146, %gather3A : vector<16xf32>
          tpu.vector_store_idx %arg8[%add3A_114, %add3A_150], %mul3A_151 : memref<128x128xf32, #tpu.memory_space<vmem>>[vector<16xi32>, vector<16xi32>], vector<16xf32>,
          %add3A_152 = arith.constant 32 : i32
          %add3A_153 = vector.broadcast %add3A_152 : i32 to vector<16xi32>
          %add3A_154 = arith.addi %add3A_153, %iota3A : vector<16xi32>
          %add3A_155 = arith.addi %sub3A_112, %add3A_154 : vector<16xi32>
          tpu.vector_store_idx %arg8[%add3A_114, %add3A_155], %broadcast_in_dim3A_3 : memref<128x128xf32, #tpu.memory_space<vmem>>[vector<16xi32>, vector<16xi32>], vector<16xf32>,
          %add3A_156 = arith.constant 48 : i32
          %add3A_157 = arith.addi %mul3A_0, %add3A_156 : i32
          %get3A_158 = arith.index_cast %add3A_99 : i32 to index
          %get3A_159 = arith.index_cast %add3A_157 : i32 to index
          %get3A_160 = tpu.vector_load %arg7[%get3A_158, %get3A_159] {strides = array<i32>} : memref<128x128xf32, #tpu.memory_space<vmem>>, vector<16xf32>,
          %add3A_161 = arith.constant 48 : i32
          %add3A_162 = vector.broadcast %add3A_161 : i32 to vector<16xi32>
          %add3A_163 = arith.addi %add3A_162, %iota3A : vector<16xi32>
          %add3A_164 = arith.addi %mul3A_110, %add3A_163 : vector<16xi32>
          %mul3A_165 = arith.mulf %get3A_160, %gather3A : vector<16xf32>
          tpu.vector_store_idx %arg8[%add3A_114, %add3A_164], %mul3A_165 : memref<128x128xf32, #tpu.memory_space<vmem>>[vector<16xi32>, vector<16xi32>], vector<16xf32>,
          %add3A_166 = arith.constant 48 : i32
          %add3A_167 = vector.broadcast %add3A_166 : i32 to vector<16xi32>
          %add3A_168 = arith.addi %add3A_167, %iota3A : vector<16xi32>
          %add3A_169 = arith.addi %sub3A_112, %add3A_168 : vector<16xi32>
          tpu.vector_store_idx %arg8[%add3A_114, %add3A_169], %broadcast_in_dim3A_3 : memref<128x128xf32, #tpu.memory_space<vmem>>[vector<16xi32>, vector<16xi32>], vector<16xf32>,
          %shift_right_arithmetic3A = arith.constant 7 : i32
          %shift_right_arithmetic3A_170 = vector.broadcast %shift_right_arithmetic3A : i32 to vector<16xi32>
          %shift_right_arithmetic3A_171 = arith.shrsi %gather3A_105, %shift_right_arithmetic3A_170 : vector<16xi32>
          %and3A_172 = arith.constant 127 : i32
          %and3A_173 = vector.broadcast %and3A_172 : i32 to vector<16xi32>
          %and3A_174 = arith.andi %gather3A_105, %and3A_173 : vector<16xi32>
          %eq3A = arith.constant 0 : i32
          %eq3A_175 = vector.broadcast %eq3A : i32 to vector<16xi32>
          %eq3A_176 = arith.cmpi eq, %iota3A, %eq3A_175 : vector<16xi32>
          tpu.vector_store_idx %arg9[%shift_right_arithmetic3A_171, %and3A_174], %gather3A masked %eq3A_176 {add = true} : memref<128x128xf32, #tpu.memory_space<vmem>>[vector<16xi32>, vector<16xi32>], vector<16xf32>, vector<16xi1>
          %mul3A_177 = arith.constant 4 : i32
          %mul3A_178 = arith.muli %scan3A_92, %mul3A_177 : i32
          %add3A_179 = arith.constant 1 : i32
          %add3A_180 = arith.addi %mul3A_178, %add3A_179 : i32
          %mul3A_181 = arith.constant 128 : i32
          %mul3A_182 = arith.muli %scan3A_56, %mul3A_181 : i32
          %add3A_183 = arith.addi %mul3A_182, %add3A_180 : i32
          %add3A_184 = vector.broadcast %add3A_183 : i32 to vector<16xi32>
          %add3A_185 = arith.addi %broadcast_in_dim3A_5, %add3A_184 : vector<16xi32>
          %gather3A_186 = tpu.vector_load_idx %arg12[%add3A_95, %add3A_185] : memref<4x1024xf32, #tpu.memory_space<vmem>>[vector<16xi32>, vector<16xi32>], vector<16xf32>,
          %gather3A_187 = tpu.vector_load_idx %arg11[%add3A_95, %add3A_185] : memref<4x1024xi32, #tpu.memory_space<vmem>>[vector<16xi32>, vector<16xi32>], vector<16xi32>,
          %and3A_188 = arith.constant 1 : i32
          %and3A_189 = vector.broadcast %and3A_188 : i32 to vector<16xi32>
          %and3A_190 = arith.andi %gather3A_187, %and3A_189 : vector<16xi32>
          %mul3A_191 = arith.constant 64 : i32
          %mul3A_192 = vector.broadcast %mul3A_191 : i32 to vector<16xi32>
          %mul3A_193 = arith.muli %and3A_190, %mul3A_192 : vector<16xi32>
          %sub3A_194 = arith.constant 64 : i32
          %sub3A_195 = vector.broadcast %sub3A_194 : i32 to vector<16xi32>
          %sub3A_196 = arith.subi %sub3A_195, %mul3A_193 : vector<16xi32>
          %add3A_197 = vector.broadcast %add3A_180 : i32 to vector<16xi32>
          %add3A_198 = arith.addi %broadcast_in_dim3A_5, %add3A_197 : vector<16xi32>
          %add3A_199 = arith.constant 0 : i32
          %add3A_200 = arith.addi %mul3A_0, %add3A_199 : i32
          %get3A_201 = arith.index_cast %add3A_180 : i32 to index
          %get3A_202 = arith.index_cast %add3A_200 : i32 to index
          %get3A_203 = tpu.vector_load %arg7[%get3A_201, %get3A_202] {strides = array<i32>} : memref<128x128xf32, #tpu.memory_space<vmem>>, vector<16xf32>,
          %add3A_204 = arith.constant 0 : i32
          %add3A_205 = vector.broadcast %add3A_204 : i32 to vector<16xi32>
          %add3A_206 = arith.addi %add3A_205, %iota3A : vector<16xi32>
          %add3A_207 = arith.addi %mul3A_193, %add3A_206 : vector<16xi32>
          %mul3A_208 = arith.mulf %get3A_203, %gather3A_186 : vector<16xf32>
          tpu.vector_store_idx %arg8[%add3A_198, %add3A_207], %mul3A_208 : memref<128x128xf32, #tpu.memory_space<vmem>>[vector<16xi32>, vector<16xi32>], vector<16xf32>,
          %add3A_209 = arith.constant 0 : i32
          %add3A_210 = vector.broadcast %add3A_209 : i32 to vector<16xi32>
          %add3A_211 = arith.addi %add3A_210, %iota3A : vector<16xi32>
          %add3A_212 = arith.addi %sub3A_196, %add3A_211 : vector<16xi32>
          tpu.vector_store_idx %arg8[%add3A_198, %add3A_212], %broadcast_in_dim3A_3 : memref<128x128xf32, #tpu.memory_space<vmem>>[vector<16xi32>, vector<16xi32>], vector<16xf32>,
          %add3A_213 = arith.constant 16 : i32
          %add3A_214 = arith.addi %mul3A_0, %add3A_213 : i32
          %get3A_215 = arith.index_cast %add3A_180 : i32 to index
          %get3A_216 = arith.index_cast %add3A_214 : i32 to index
          %get3A_217 = tpu.vector_load %arg7[%get3A_215, %get3A_216] {strides = array<i32>} : memref<128x128xf32, #tpu.memory_space<vmem>>, vector<16xf32>,
          %add3A_218 = arith.constant 16 : i32
          %add3A_219 = vector.broadcast %add3A_218 : i32 to vector<16xi32>
          %add3A_220 = arith.addi %add3A_219, %iota3A : vector<16xi32>
          %add3A_221 = arith.addi %mul3A_193, %add3A_220 : vector<16xi32>
          %mul3A_222 = arith.mulf %get3A_217, %gather3A_186 : vector<16xf32>
          tpu.vector_store_idx %arg8[%add3A_198, %add3A_221], %mul3A_222 : memref<128x128xf32, #tpu.memory_space<vmem>>[vector<16xi32>, vector<16xi32>], vector<16xf32>,
          %add3A_223 = arith.constant 16 : i32
          %add3A_224 = vector.broadcast %add3A_223 : i32 to vector<16xi32>
          %add3A_225 = arith.addi %add3A_224, %iota3A : vector<16xi32>
          %add3A_226 = arith.addi %sub3A_196, %add3A_225 : vector<16xi32>
          tpu.vector_store_idx %arg8[%add3A_198, %add3A_226], %broadcast_in_dim3A_3 : memref<128x128xf32, #tpu.memory_space<vmem>>[vector<16xi32>, vector<16xi32>], vector<16xf32>,
          %add3A_227 = arith.constant 32 : i32
          %add3A_228 = arith.addi %mul3A_0, %add3A_227 : i32
          %get3A_229 = arith.index_cast %add3A_180 : i32 to index
          %get3A_230 = arith.index_cast %add3A_228 : i32 to index
          %get3A_231 = tpu.vector_load %arg7[%get3A_229, %get3A_230] {strides = array<i32>} : memref<128x128xf32, #tpu.memory_space<vmem>>, vector<16xf32>,
          %add3A_232 = arith.constant 32 : i32
          %add3A_233 = vector.broadcast %add3A_232 : i32 to vector<16xi32>
          %add3A_234 = arith.addi %add3A_233, %iota3A : vector<16xi32>
          %add3A_235 = arith.addi %mul3A_193, %add3A_234 : vector<16xi32>
          %mul3A_236 = arith.mulf %get3A_231, %gather3A_186 : vector<16xf32>
          tpu.vector_store_idx %arg8[%add3A_198, %add3A_235], %mul3A_236 : memref<128x128xf32, #tpu.memory_space<vmem>>[vector<16xi32>, vector<16xi32>], vector<16xf32>,
          %add3A_237 = arith.constant 32 : i32
          %add3A_238 = vector.broadcast %add3A_237 : i32 to vector<16xi32>
          %add3A_239 = arith.addi %add3A_238, %iota3A : vector<16xi32>
          %add3A_240 = arith.addi %sub3A_196, %add3A_239 : vector<16xi32>
          tpu.vector_store_idx %arg8[%add3A_198, %add3A_240], %broadcast_in_dim3A_3 : memref<128x128xf32, #tpu.memory_space<vmem>>[vector<16xi32>, vector<16xi32>], vector<16xf32>,
          %add3A_241 = arith.constant 48 : i32
          %add3A_242 = arith.addi %mul3A_0, %add3A_241 : i32
          %get3A_243 = arith.index_cast %add3A_180 : i32 to index
          %get3A_244 = arith.index_cast %add3A_242 : i32 to index
          %get3A_245 = tpu.vector_load %arg7[%get3A_243, %get3A_244] {strides = array<i32>} : memref<128x128xf32, #tpu.memory_space<vmem>>, vector<16xf32>,
          %add3A_246 = arith.constant 48 : i32
          %add3A_247 = vector.broadcast %add3A_246 : i32 to vector<16xi32>
          %add3A_248 = arith.addi %add3A_247, %iota3A : vector<16xi32>
          %add3A_249 = arith.addi %mul3A_193, %add3A_248 : vector<16xi32>
          %mul3A_250 = arith.mulf %get3A_245, %gather3A_186 : vector<16xf32>
          tpu.vector_store_idx %arg8[%add3A_198, %add3A_249], %mul3A_250 : memref<128x128xf32, #tpu.memory_space<vmem>>[vector<16xi32>, vector<16xi32>], vector<16xf32>,
          %add3A_251 = arith.constant 48 : i32
          %add3A_252 = vector.broadcast %add3A_251 : i32 to vector<16xi32>
          %add3A_253 = arith.addi %add3A_252, %iota3A : vector<16xi32>
          %add3A_254 = arith.addi %sub3A_196, %add3A_253 : vector<16xi32>
          tpu.vector_store_idx %arg8[%add3A_198, %add3A_254], %broadcast_in_dim3A_3 : memref<128x128xf32, #tpu.memory_space<vmem>>[vector<16xi32>, vector<16xi32>], vector<16xf32>,
          %shift_right_arithmetic3A_255 = arith.constant 7 : i32
          %shift_right_arithmetic3A_256 = vector.broadcast %shift_right_arithmetic3A_255 : i32 to vector<16xi32>
          %shift_right_arithmetic3A_257 = arith.shrsi %gather3A_187, %shift_right_arithmetic3A_256 : vector<16xi32>
          %and3A_258 = arith.constant 127 : i32
          %and3A_259 = vector.broadcast %and3A_258 : i32 to vector<16xi32>
          %and3A_260 = arith.andi %gather3A_187, %and3A_259 : vector<16xi32>
          %eq3A_261 = arith.constant 0 : i32
          %eq3A_262 = vector.broadcast %eq3A_261 : i32 to vector<16xi32>
          %eq3A_263 = arith.cmpi eq, %iota3A, %eq3A_262 : vector<16xi32>
          tpu.vector_store_idx %arg9[%shift_right_arithmetic3A_257, %and3A_260], %gather3A_186 masked %eq3A_263 {add = true} : memref<128x128xf32, #tpu.memory_space<vmem>>[vector<16xi32>, vector<16xi32>], vector<16xf32>, vector<16xi1>
          %mul3A_264 = arith.constant 4 : i32
          %mul3A_265 = arith.muli %scan3A_92, %mul3A_264 : i32
          %add3A_266 = arith.constant 2 : i32
          %add3A_267 = arith.addi %mul3A_265, %add3A_266 : i32
          %mul3A_268 = arith.constant 128 : i32
          %mul3A_269 = arith.muli %scan3A_56, %mul3A_268 : i32
          %add3A_270 = arith.addi %mul3A_269, %add3A_267 : i32
          %add3A_271 = vector.broadcast %add3A_270 : i32 to vector<16xi32>
          %add3A_272 = arith.addi %broadcast_in_dim3A_5, %add3A_271 : vector<16xi32>
          %gather3A_273 = tpu.vector_load_idx %arg12[%add3A_95, %add3A_272] : memref<4x1024xf32, #tpu.memory_space<vmem>>[vector<16xi32>, vector<16xi32>], vector<16xf32>,
          %gather3A_274 = tpu.vector_load_idx %arg11[%add3A_95, %add3A_272] : memref<4x1024xi32, #tpu.memory_space<vmem>>[vector<16xi32>, vector<16xi32>], vector<16xi32>,
          %and3A_275 = arith.constant 1 : i32
          %and3A_276 = vector.broadcast %and3A_275 : i32 to vector<16xi32>
          %and3A_277 = arith.andi %gather3A_274, %and3A_276 : vector<16xi32>
          %mul3A_278 = arith.constant 64 : i32
          %mul3A_279 = vector.broadcast %mul3A_278 : i32 to vector<16xi32>
          %mul3A_280 = arith.muli %and3A_277, %mul3A_279 : vector<16xi32>
          %sub3A_281 = arith.constant 64 : i32
          %sub3A_282 = vector.broadcast %sub3A_281 : i32 to vector<16xi32>
          %sub3A_283 = arith.subi %sub3A_282, %mul3A_280 : vector<16xi32>
          %add3A_284 = vector.broadcast %add3A_267 : i32 to vector<16xi32>
          %add3A_285 = arith.addi %broadcast_in_dim3A_5, %add3A_284 : vector<16xi32>
          %add3A_286 = arith.constant 0 : i32
          %add3A_287 = arith.addi %mul3A_0, %add3A_286 : i32
          %get3A_288 = arith.index_cast %add3A_267 : i32 to index
          %get3A_289 = arith.index_cast %add3A_287 : i32 to index
          %get3A_290 = tpu.vector_load %arg7[%get3A_288, %get3A_289] {strides = array<i32>} : memref<128x128xf32, #tpu.memory_space<vmem>>, vector<16xf32>,
          %add3A_291 = arith.constant 0 : i32
          %add3A_292 = vector.broadcast %add3A_291 : i32 to vector<16xi32>
          %add3A_293 = arith.addi %add3A_292, %iota3A : vector<16xi32>
          %add3A_294 = arith.addi %mul3A_280, %add3A_293 : vector<16xi32>
          %mul3A_295 = arith.mulf %get3A_290, %gather3A_273 : vector<16xf32>
          tpu.vector_store_idx %arg8[%add3A_285, %add3A_294], %mul3A_295 : memref<128x128xf32, #tpu.memory_space<vmem>>[vector<16xi32>, vector<16xi32>], vector<16xf32>,
          %add3A_296 = arith.constant 0 : i32
          %add3A_297 = vector.broadcast %add3A_296 : i32 to vector<16xi32>
          %add3A_298 = arith.addi %add3A_297, %iota3A : vector<16xi32>
          %add3A_299 = arith.addi %sub3A_283, %add3A_298 : vector<16xi32>
          tpu.vector_store_idx %arg8[%add3A_285, %add3A_299], %broadcast_in_dim3A_3 : memref<128x128xf32, #tpu.memory_space<vmem>>[vector<16xi32>, vector<16xi32>], vector<16xf32>,
          %add3A_300 = arith.constant 16 : i32
          %add3A_301 = arith.addi %mul3A_0, %add3A_300 : i32
          %get3A_302 = arith.index_cast %add3A_267 : i32 to index
          %get3A_303 = arith.index_cast %add3A_301 : i32 to index
          %get3A_304 = tpu.vector_load %arg7[%get3A_302, %get3A_303] {strides = array<i32>} : memref<128x128xf32, #tpu.memory_space<vmem>>, vector<16xf32>,
          %add3A_305 = arith.constant 16 : i32
          %add3A_306 = vector.broadcast %add3A_305 : i32 to vector<16xi32>
          %add3A_307 = arith.addi %add3A_306, %iota3A : vector<16xi32>
          %add3A_308 = arith.addi %mul3A_280, %add3A_307 : vector<16xi32>
          %mul3A_309 = arith.mulf %get3A_304, %gather3A_273 : vector<16xf32>
          tpu.vector_store_idx %arg8[%add3A_285, %add3A_308], %mul3A_309 : memref<128x128xf32, #tpu.memory_space<vmem>>[vector<16xi32>, vector<16xi32>], vector<16xf32>,
          %add3A_310 = arith.constant 16 : i32
          %add3A_311 = vector.broadcast %add3A_310 : i32 to vector<16xi32>
          %add3A_312 = arith.addi %add3A_311, %iota3A : vector<16xi32>
          %add3A_313 = arith.addi %sub3A_283, %add3A_312 : vector<16xi32>
          tpu.vector_store_idx %arg8[%add3A_285, %add3A_313], %broadcast_in_dim3A_3 : memref<128x128xf32, #tpu.memory_space<vmem>>[vector<16xi32>, vector<16xi32>], vector<16xf32>,
          %add3A_314 = arith.constant 32 : i32
          %add3A_315 = arith.addi %mul3A_0, %add3A_314 : i32
          %get3A_316 = arith.index_cast %add3A_267 : i32 to index
          %get3A_317 = arith.index_cast %add3A_315 : i32 to index
          %get3A_318 = tpu.vector_load %arg7[%get3A_316, %get3A_317] {strides = array<i32>} : memref<128x128xf32, #tpu.memory_space<vmem>>, vector<16xf32>,
          %add3A_319 = arith.constant 32 : i32
          %add3A_320 = vector.broadcast %add3A_319 : i32 to vector<16xi32>
          %add3A_321 = arith.addi %add3A_320, %iota3A : vector<16xi32>
          %add3A_322 = arith.addi %mul3A_280, %add3A_321 : vector<16xi32>
          %mul3A_323 = arith.mulf %get3A_318, %gather3A_273 : vector<16xf32>
          tpu.vector_store_idx %arg8[%add3A_285, %add3A_322], %mul3A_323 : memref<128x128xf32, #tpu.memory_space<vmem>>[vector<16xi32>, vector<16xi32>], vector<16xf32>,
          %add3A_324 = arith.constant 32 : i32
          %add3A_325 = vector.broadcast %add3A_324 : i32 to vector<16xi32>
          %add3A_326 = arith.addi %add3A_325, %iota3A : vector<16xi32>
          %add3A_327 = arith.addi %sub3A_283, %add3A_326 : vector<16xi32>
          tpu.vector_store_idx %arg8[%add3A_285, %add3A_327], %broadcast_in_dim3A_3 : memref<128x128xf32, #tpu.memory_space<vmem>>[vector<16xi32>, vector<16xi32>], vector<16xf32>,
          %add3A_328 = arith.constant 48 : i32
          %add3A_329 = arith.addi %mul3A_0, %add3A_328 : i32
          %get3A_330 = arith.index_cast %add3A_267 : i32 to index
          %get3A_331 = arith.index_cast %add3A_329 : i32 to index
          %get3A_332 = tpu.vector_load %arg7[%get3A_330, %get3A_331] {strides = array<i32>} : memref<128x128xf32, #tpu.memory_space<vmem>>, vector<16xf32>,
          %add3A_333 = arith.constant 48 : i32
          %add3A_334 = vector.broadcast %add3A_333 : i32 to vector<16xi32>
          %add3A_335 = arith.addi %add3A_334, %iota3A : vector<16xi32>
          %add3A_336 = arith.addi %mul3A_280, %add3A_335 : vector<16xi32>
          %mul3A_337 = arith.mulf %get3A_332, %gather3A_273 : vector<16xf32>
          tpu.vector_store_idx %arg8[%add3A_285, %add3A_336], %mul3A_337 : memref<128x128xf32, #tpu.memory_space<vmem>>[vector<16xi32>, vector<16xi32>], vector<16xf32>,
          %add3A_338 = arith.constant 48 : i32
          %add3A_339 = vector.broadcast %add3A_338 : i32 to vector<16xi32>
          %add3A_340 = arith.addi %add3A_339, %iota3A : vector<16xi32>
          %add3A_341 = arith.addi %sub3A_283, %add3A_340 : vector<16xi32>
          tpu.vector_store_idx %arg8[%add3A_285, %add3A_341], %broadcast_in_dim3A_3 : memref<128x128xf32, #tpu.memory_space<vmem>>[vector<16xi32>, vector<16xi32>], vector<16xf32>,
          %shift_right_arithmetic3A_342 = arith.constant 7 : i32
          %shift_right_arithmetic3A_343 = vector.broadcast %shift_right_arithmetic3A_342 : i32 to vector<16xi32>
          %shift_right_arithmetic3A_344 = arith.shrsi %gather3A_274, %shift_right_arithmetic3A_343 : vector<16xi32>
          %and3A_345 = arith.constant 127 : i32
          %and3A_346 = vector.broadcast %and3A_345 : i32 to vector<16xi32>
          %and3A_347 = arith.andi %gather3A_274, %and3A_346 : vector<16xi32>
          %eq3A_348 = arith.constant 0 : i32
          %eq3A_349 = vector.broadcast %eq3A_348 : i32 to vector<16xi32>
          %eq3A_350 = arith.cmpi eq, %iota3A, %eq3A_349 : vector<16xi32>
          tpu.vector_store_idx %arg9[%shift_right_arithmetic3A_344, %and3A_347], %gather3A_273 masked %eq3A_350 {add = true} : memref<128x128xf32, #tpu.memory_space<vmem>>[vector<16xi32>, vector<16xi32>], vector<16xf32>, vector<16xi1>
          %mul3A_351 = arith.constant 4 : i32
          %mul3A_352 = arith.muli %scan3A_92, %mul3A_351 : i32
          %add3A_353 = arith.constant 3 : i32
          %add3A_354 = arith.addi %mul3A_352, %add3A_353 : i32
          %mul3A_355 = arith.constant 128 : i32
          %mul3A_356 = arith.muli %scan3A_56, %mul3A_355 : i32
          %add3A_357 = arith.addi %mul3A_356, %add3A_354 : i32
          %add3A_358 = vector.broadcast %add3A_357 : i32 to vector<16xi32>
          %add3A_359 = arith.addi %broadcast_in_dim3A_5, %add3A_358 : vector<16xi32>
          %gather3A_360 = tpu.vector_load_idx %arg12[%add3A_95, %add3A_359] : memref<4x1024xf32, #tpu.memory_space<vmem>>[vector<16xi32>, vector<16xi32>], vector<16xf32>,
          %gather3A_361 = tpu.vector_load_idx %arg11[%add3A_95, %add3A_359] : memref<4x1024xi32, #tpu.memory_space<vmem>>[vector<16xi32>, vector<16xi32>], vector<16xi32>,
          %and3A_362 = arith.constant 1 : i32
          %and3A_363 = vector.broadcast %and3A_362 : i32 to vector<16xi32>
          %and3A_364 = arith.andi %gather3A_361, %and3A_363 : vector<16xi32>
          %mul3A_365 = arith.constant 64 : i32
          %mul3A_366 = vector.broadcast %mul3A_365 : i32 to vector<16xi32>
          %mul3A_367 = arith.muli %and3A_364, %mul3A_366 : vector<16xi32>
          %sub3A_368 = arith.constant 64 : i32
          %sub3A_369 = vector.broadcast %sub3A_368 : i32 to vector<16xi32>
          %sub3A_370 = arith.subi %sub3A_369, %mul3A_367 : vector<16xi32>
          %add3A_371 = vector.broadcast %add3A_354 : i32 to vector<16xi32>
          %add3A_372 = arith.addi %broadcast_in_dim3A_5, %add3A_371 : vector<16xi32>
          %add3A_373 = arith.constant 0 : i32
          %add3A_374 = arith.addi %mul3A_0, %add3A_373 : i32
          %get3A_375 = arith.index_cast %add3A_354 : i32 to index
          %get3A_376 = arith.index_cast %add3A_374 : i32 to index
          %get3A_377 = tpu.vector_load %arg7[%get3A_375, %get3A_376] {strides = array<i32>} : memref<128x128xf32, #tpu.memory_space<vmem>>, vector<16xf32>,
          %add3A_378 = arith.constant 0 : i32
          %add3A_379 = vector.broadcast %add3A_378 : i32 to vector<16xi32>
          %add3A_380 = arith.addi %add3A_379, %iota3A : vector<16xi32>
          %add3A_381 = arith.addi %mul3A_367, %add3A_380 : vector<16xi32>
          %mul3A_382 = arith.mulf %get3A_377, %gather3A_360 : vector<16xf32>
          tpu.vector_store_idx %arg8[%add3A_372, %add3A_381], %mul3A_382 : memref<128x128xf32, #tpu.memory_space<vmem>>[vector<16xi32>, vector<16xi32>], vector<16xf32>,
          %add3A_383 = arith.constant 0 : i32
          %add3A_384 = vector.broadcast %add3A_383 : i32 to vector<16xi32>
          %add3A_385 = arith.addi %add3A_384, %iota3A : vector<16xi32>
          %add3A_386 = arith.addi %sub3A_370, %add3A_385 : vector<16xi32>
          tpu.vector_store_idx %arg8[%add3A_372, %add3A_386], %broadcast_in_dim3A_3 : memref<128x128xf32, #tpu.memory_space<vmem>>[vector<16xi32>, vector<16xi32>], vector<16xf32>,
          %add3A_387 = arith.constant 16 : i32
          %add3A_388 = arith.addi %mul3A_0, %add3A_387 : i32
          %get3A_389 = arith.index_cast %add3A_354 : i32 to index
          %get3A_390 = arith.index_cast %add3A_388 : i32 to index
          %get3A_391 = tpu.vector_load %arg7[%get3A_389, %get3A_390] {strides = array<i32>} : memref<128x128xf32, #tpu.memory_space<vmem>>, vector<16xf32>,
          %add3A_392 = arith.constant 16 : i32
          %add3A_393 = vector.broadcast %add3A_392 : i32 to vector<16xi32>
          %add3A_394 = arith.addi %add3A_393, %iota3A : vector<16xi32>
          %add3A_395 = arith.addi %mul3A_367, %add3A_394 : vector<16xi32>
          %mul3A_396 = arith.mulf %get3A_391, %gather3A_360 : vector<16xf32>
          tpu.vector_store_idx %arg8[%add3A_372, %add3A_395], %mul3A_396 : memref<128x128xf32, #tpu.memory_space<vmem>>[vector<16xi32>, vector<16xi32>], vector<16xf32>,
          %add3A_397 = arith.constant 16 : i32
          %add3A_398 = vector.broadcast %add3A_397 : i32 to vector<16xi32>
          %add3A_399 = arith.addi %add3A_398, %iota3A : vector<16xi32>
          %add3A_400 = arith.addi %sub3A_370, %add3A_399 : vector<16xi32>
          tpu.vector_store_idx %arg8[%add3A_372, %add3A_400], %broadcast_in_dim3A_3 : memref<128x128xf32, #tpu.memory_space<vmem>>[vector<16xi32>, vector<16xi32>], vector<16xf32>,
          %add3A_401 = arith.constant 32 : i32
          %add3A_402 = arith.addi %mul3A_0, %add3A_401 : i32
          %get3A_403 = arith.index_cast %add3A_354 : i32 to index
          %get3A_404 = arith.index_cast %add3A_402 : i32 to index
          %get3A_405 = tpu.vector_load %arg7[%get3A_403, %get3A_404] {strides = array<i32>} : memref<128x128xf32, #tpu.memory_space<vmem>>, vector<16xf32>,
          %add3A_406 = arith.constant 32 : i32
          %add3A_407 = vector.broadcast %add3A_406 : i32 to vector<16xi32>
          %add3A_408 = arith.addi %add3A_407, %iota3A : vector<16xi32>
          %add3A_409 = arith.addi %mul3A_367, %add3A_408 : vector<16xi32>
          %mul3A_410 = arith.mulf %get3A_405, %gather3A_360 : vector<16xf32>
          tpu.vector_store_idx %arg8[%add3A_372, %add3A_409], %mul3A_410 : memref<128x128xf32, #tpu.memory_space<vmem>>[vector<16xi32>, vector<16xi32>], vector<16xf32>,
          %add3A_411 = arith.constant 32 : i32
          %add3A_412 = vector.broadcast %add3A_411 : i32 to vector<16xi32>
          %add3A_413 = arith.addi %add3A_412, %iota3A : vector<16xi32>
          %add3A_414 = arith.addi %sub3A_370, %add3A_413 : vector<16xi32>
          tpu.vector_store_idx %arg8[%add3A_372, %add3A_414], %broadcast_in_dim3A_3 : memref<128x128xf32, #tpu.memory_space<vmem>>[vector<16xi32>, vector<16xi32>], vector<16xf32>,
          %add3A_415 = arith.constant 48 : i32
          %add3A_416 = arith.addi %mul3A_0, %add3A_415 : i32
          %get3A_417 = arith.index_cast %add3A_354 : i32 to index
          %get3A_418 = arith.index_cast %add3A_416 : i32 to index
          %get3A_419 = tpu.vector_load %arg7[%get3A_417, %get3A_418] {strides = array<i32>} : memref<128x128xf32, #tpu.memory_space<vmem>>, vector<16xf32>,
          %add3A_420 = arith.constant 48 : i32
          %add3A_421 = vector.broadcast %add3A_420 : i32 to vector<16xi32>
          %add3A_422 = arith.addi %add3A_421, %iota3A : vector<16xi32>
          %add3A_423 = arith.addi %mul3A_367, %add3A_422 : vector<16xi32>
          %mul3A_424 = arith.mulf %get3A_419, %gather3A_360 : vector<16xf32>
          tpu.vector_store_idx %arg8[%add3A_372, %add3A_423], %mul3A_424 : memref<128x128xf32, #tpu.memory_space<vmem>>[vector<16xi32>, vector<16xi32>], vector<16xf32>,
          %add3A_425 = arith.constant 48 : i32
          %add3A_426 = vector.broadcast %add3A_425 : i32 to vector<16xi32>
          %add3A_427 = arith.addi %add3A_426, %iota3A : vector<16xi32>
          %add3A_428 = arith.addi %sub3A_370, %add3A_427 : vector<16xi32>
          tpu.vector_store_idx %arg8[%add3A_372, %add3A_428], %broadcast_in_dim3A_3 : memref<128x128xf32, #tpu.memory_space<vmem>>[vector<16xi32>, vector<16xi32>], vector<16xf32>,
          %shift_right_arithmetic3A_429 = arith.constant 7 : i32
          %shift_right_arithmetic3A_430 = vector.broadcast %shift_right_arithmetic3A_429 : i32 to vector<16xi32>
          %shift_right_arithmetic3A_431 = arith.shrsi %gather3A_361, %shift_right_arithmetic3A_430 : vector<16xi32>
          %and3A_432 = arith.constant 127 : i32
          %and3A_433 = vector.broadcast %and3A_432 : i32 to vector<16xi32>
          %and3A_434 = arith.andi %gather3A_361, %and3A_433 : vector<16xi32>
          %eq3A_435 = arith.constant 0 : i32
          %eq3A_436 = vector.broadcast %eq3A_435 : i32 to vector<16xi32>
          %eq3A_437 = arith.cmpi eq, %iota3A, %eq3A_436 : vector<16xi32>
          tpu.vector_store_idx %arg9[%shift_right_arithmetic3A_431, %and3A_434], %gather3A_360 masked %eq3A_437 {add = true} : memref<128x128xf32, #tpu.memory_space<vmem>>[vector<16xi32>, vector<16xi32>], vector<16xf32>, vector<16xi1>
        }
        %scan3A_65 = arith.constant 32 : i32
        %add3A_66 = arith.constant 0 : i32
        %add3A_67 = arith.addi %add3A_66, %scan3A_56 : i32
        "tpu.region"() ({
          %run_scoped3A_92 = tpu.sem_alloc : memref<!tpu.dma_semaphore, #tpu.memory_space<semaphore_mem>>
          %dma_start3A = arith.constant 0 : i32
          %dma_start3A_93 = tpu.memref_slice %arg10[%add3A_67, %dma_start3A] : memref<32x128xi32, #tpu.memory_space<vmem>> -> memref<1x128xi32, #tpu.memory_space<vmem>>
          %dma_start3A_94 = tpu.memref_squeeze %dma_start3A_93 : memref<1x128xi32, #tpu.memory_space<vmem>> -> memref<128xi32, #tpu.memory_space<vmem>>
          %dma_start3A_95 = arith.constant 0 : i32
          %dma_start3A_96 = arith.constant 0 : i32
          %dma_start3A_97 = tpu.memref_slice %arg5[%dma_start3A_95, %dma_start3A_96] : memref<8192x128xf32, #tpu.memory_space<vmem_shared>> -> memref<8192x128xf32, #tpu.memory_space<vmem_shared>>
          tpu.enqueue_indirect_dma source(%arg8 : memref<128x128xf32, #tpu.memory_space<vmem>>) target(%dma_start3A_97 : memref<8192x128xf32, #tpu.memory_space<vmem_shared>>) offsets(%dma_start3A_94 : memref<128xi32, #tpu.memory_space<vmem>>) semaphore(%run_scoped3A_92 : memref<!tpu.dma_semaphore, #tpu.memory_space<semaphore_mem>>) {add = true}
          %dma_wait3A = arith.constant 0 : i32
          %dma_wait3A_98 = tpu.memref_slice %arg10[%add3A_67, %dma_wait3A] : memref<32x128xi32, #tpu.memory_space<vmem>> -> memref<1x128xi32, #tpu.memory_space<vmem>>
          %dma_wait3A_99 = tpu.memref_squeeze %dma_wait3A_98 : memref<1x128xi32, #tpu.memory_space<vmem>> -> memref<128xi32, #tpu.memory_space<vmem>>
          %dma_wait3A_100 = arith.constant 0 : i32
          %dma_wait3A_101 = arith.constant 0 : i32
          %dma_wait3A_102 = tpu.memref_slice %arg5[%dma_wait3A_100, %dma_wait3A_101] : memref<8192x128xf32, #tpu.memory_space<vmem_shared>> -> memref<8192x128xf32, #tpu.memory_space<vmem_shared>>
          tpu.wait_indirect_dma semaphore(%run_scoped3A_92 : memref<!tpu.dma_semaphore, #tpu.memory_space<semaphore_mem>>) src(%arg8 : memref<128x128xf32, #tpu.memory_space<vmem>>) dst(%dma_wait3A_102 : memref<8192x128xf32, #tpu.memory_space<vmem_shared>>)
          tpu.yield
        }) : () -> ()
        %scan3A_68 = arith.constant 0 : i32
        %scan3A_69 = arith.constant 0 : i32
        %scan3A_70 = arith.constant 32 : i32
        %scan3A_71 = arith.addi %scan3A_69, %scan3A_70 : i32
        %scan3A_72 = arith.constant 1 : i32
        scf.for %scan3A_92 = %scan3A_69 to %scan3A_71 step %scan3A_72  : i32 {
          %add3A_93 = arith.constant 1 : i32
          %add3A_94 = vector.broadcast %add3A_93 : i32 to vector<16xi32>
          %add3A_95 = arith.addi %broadcast_in_dim3A_5, %add3A_94 : vector<16xi32>
          %mul3A_96 = arith.constant 4 : i32
          %mul3A_97 = arith.muli %scan3A_92, %mul3A_96 : i32
          %add3A_98 = arith.constant 0 : i32
          %add3A_99 = arith.addi %mul3A_97, %add3A_98 : i32
          %mul3A_100 = arith.constant 128 : i32
          %mul3A_101 = arith.muli %scan3A_56, %mul3A_100 : i32
          %add3A_102 = arith.addi %mul3A_101, %add3A_99 : i32
          %add3A_103 = vector.broadcast %add3A_102 : i32 to vector<16xi32>
          %add3A_104 = arith.addi %broadcast_in_dim3A_5, %add3A_103 : vector<16xi32>
          %gather3A = tpu.vector_load_idx %arg12[%add3A_95, %add3A_104] : memref<4x1024xf32, #tpu.memory_space<vmem>>[vector<16xi32>, vector<16xi32>], vector<16xf32>,
          %gather3A_105 = tpu.vector_load_idx %arg11[%add3A_95, %add3A_104] : memref<4x1024xi32, #tpu.memory_space<vmem>>[vector<16xi32>, vector<16xi32>], vector<16xi32>,
          %and3A = arith.constant 1 : i32
          %and3A_106 = vector.broadcast %and3A : i32 to vector<16xi32>
          %and3A_107 = arith.andi %gather3A_105, %and3A_106 : vector<16xi32>
          %mul3A_108 = arith.constant 64 : i32
          %mul3A_109 = vector.broadcast %mul3A_108 : i32 to vector<16xi32>
          %mul3A_110 = arith.muli %and3A_107, %mul3A_109 : vector<16xi32>
          %sub3A = arith.constant 64 : i32
          %sub3A_111 = vector.broadcast %sub3A : i32 to vector<16xi32>
          %sub3A_112 = arith.subi %sub3A_111, %mul3A_110 : vector<16xi32>
          %add3A_113 = vector.broadcast %add3A_99 : i32 to vector<16xi32>
          %add3A_114 = arith.addi %broadcast_in_dim3A_5, %add3A_113 : vector<16xi32>
          %add3A_115 = arith.constant 0 : i32
          %add3A_116 = arith.addi %mul3A_0, %add3A_115 : i32
          %get3A = arith.index_cast %add3A_99 : i32 to index
          %get3A_117 = arith.index_cast %add3A_116 : i32 to index
          %get3A_118 = tpu.vector_load %arg7[%get3A, %get3A_117] {strides = array<i32>} : memref<128x128xf32, #tpu.memory_space<vmem>>, vector<16xf32>,
          %add3A_119 = arith.constant 0 : i32
          %add3A_120 = vector.broadcast %add3A_119 : i32 to vector<16xi32>
          %add3A_121 = arith.addi %add3A_120, %iota3A : vector<16xi32>
          %add3A_122 = arith.addi %mul3A_110, %add3A_121 : vector<16xi32>
          %mul3A_123 = arith.mulf %get3A_118, %gather3A : vector<16xf32>
          tpu.vector_store_idx %arg8[%add3A_114, %add3A_122], %mul3A_123 : memref<128x128xf32, #tpu.memory_space<vmem>>[vector<16xi32>, vector<16xi32>], vector<16xf32>,
          %add3A_124 = arith.constant 0 : i32
          %add3A_125 = vector.broadcast %add3A_124 : i32 to vector<16xi32>
          %add3A_126 = arith.addi %add3A_125, %iota3A : vector<16xi32>
          %add3A_127 = arith.addi %sub3A_112, %add3A_126 : vector<16xi32>
          tpu.vector_store_idx %arg8[%add3A_114, %add3A_127], %broadcast_in_dim3A_3 : memref<128x128xf32, #tpu.memory_space<vmem>>[vector<16xi32>, vector<16xi32>], vector<16xf32>,
          %add3A_128 = arith.constant 16 : i32
          %add3A_129 = arith.addi %mul3A_0, %add3A_128 : i32
          %get3A_130 = arith.index_cast %add3A_99 : i32 to index
          %get3A_131 = arith.index_cast %add3A_129 : i32 to index
          %get3A_132 = tpu.vector_load %arg7[%get3A_130, %get3A_131] {strides = array<i32>} : memref<128x128xf32, #tpu.memory_space<vmem>>, vector<16xf32>,
          %add3A_133 = arith.constant 16 : i32
          %add3A_134 = vector.broadcast %add3A_133 : i32 to vector<16xi32>
          %add3A_135 = arith.addi %add3A_134, %iota3A : vector<16xi32>
          %add3A_136 = arith.addi %mul3A_110, %add3A_135 : vector<16xi32>
          %mul3A_137 = arith.mulf %get3A_132, %gather3A : vector<16xf32>
          tpu.vector_store_idx %arg8[%add3A_114, %add3A_136], %mul3A_137 : memref<128x128xf32, #tpu.memory_space<vmem>>[vector<16xi32>, vector<16xi32>], vector<16xf32>,
          %add3A_138 = arith.constant 16 : i32
          %add3A_139 = vector.broadcast %add3A_138 : i32 to vector<16xi32>
          %add3A_140 = arith.addi %add3A_139, %iota3A : vector<16xi32>
          %add3A_141 = arith.addi %sub3A_112, %add3A_140 : vector<16xi32>
          tpu.vector_store_idx %arg8[%add3A_114, %add3A_141], %broadcast_in_dim3A_3 : memref<128x128xf32, #tpu.memory_space<vmem>>[vector<16xi32>, vector<16xi32>], vector<16xf32>,
          %add3A_142 = arith.constant 32 : i32
          %add3A_143 = arith.addi %mul3A_0, %add3A_142 : i32
          %get3A_144 = arith.index_cast %add3A_99 : i32 to index
          %get3A_145 = arith.index_cast %add3A_143 : i32 to index
          %get3A_146 = tpu.vector_load %arg7[%get3A_144, %get3A_145] {strides = array<i32>} : memref<128x128xf32, #tpu.memory_space<vmem>>, vector<16xf32>,
          %add3A_147 = arith.constant 32 : i32
          %add3A_148 = vector.broadcast %add3A_147 : i32 to vector<16xi32>
          %add3A_149 = arith.addi %add3A_148, %iota3A : vector<16xi32>
          %add3A_150 = arith.addi %mul3A_110, %add3A_149 : vector<16xi32>
          %mul3A_151 = arith.mulf %get3A_146, %gather3A : vector<16xf32>
          tpu.vector_store_idx %arg8[%add3A_114, %add3A_150], %mul3A_151 : memref<128x128xf32, #tpu.memory_space<vmem>>[vector<16xi32>, vector<16xi32>], vector<16xf32>,
          %add3A_152 = arith.constant 32 : i32
          %add3A_153 = vector.broadcast %add3A_152 : i32 to vector<16xi32>
          %add3A_154 = arith.addi %add3A_153, %iota3A : vector<16xi32>
          %add3A_155 = arith.addi %sub3A_112, %add3A_154 : vector<16xi32>
          tpu.vector_store_idx %arg8[%add3A_114, %add3A_155], %broadcast_in_dim3A_3 : memref<128x128xf32, #tpu.memory_space<vmem>>[vector<16xi32>, vector<16xi32>], vector<16xf32>,
          %add3A_156 = arith.constant 48 : i32
          %add3A_157 = arith.addi %mul3A_0, %add3A_156 : i32
          %get3A_158 = arith.index_cast %add3A_99 : i32 to index
          %get3A_159 = arith.index_cast %add3A_157 : i32 to index
          %get3A_160 = tpu.vector_load %arg7[%get3A_158, %get3A_159] {strides = array<i32>} : memref<128x128xf32, #tpu.memory_space<vmem>>, vector<16xf32>,
          %add3A_161 = arith.constant 48 : i32
          %add3A_162 = vector.broadcast %add3A_161 : i32 to vector<16xi32>
          %add3A_163 = arith.addi %add3A_162, %iota3A : vector<16xi32>
          %add3A_164 = arith.addi %mul3A_110, %add3A_163 : vector<16xi32>
          %mul3A_165 = arith.mulf %get3A_160, %gather3A : vector<16xf32>
          tpu.vector_store_idx %arg8[%add3A_114, %add3A_164], %mul3A_165 : memref<128x128xf32, #tpu.memory_space<vmem>>[vector<16xi32>, vector<16xi32>], vector<16xf32>,
          %add3A_166 = arith.constant 48 : i32
          %add3A_167 = vector.broadcast %add3A_166 : i32 to vector<16xi32>
          %add3A_168 = arith.addi %add3A_167, %iota3A : vector<16xi32>
          %add3A_169 = arith.addi %sub3A_112, %add3A_168 : vector<16xi32>
          tpu.vector_store_idx %arg8[%add3A_114, %add3A_169], %broadcast_in_dim3A_3 : memref<128x128xf32, #tpu.memory_space<vmem>>[vector<16xi32>, vector<16xi32>], vector<16xf32>,
          %shift_right_arithmetic3A = arith.constant 7 : i32
          %shift_right_arithmetic3A_170 = vector.broadcast %shift_right_arithmetic3A : i32 to vector<16xi32>
          %shift_right_arithmetic3A_171 = arith.shrsi %gather3A_105, %shift_right_arithmetic3A_170 : vector<16xi32>
          %and3A_172 = arith.constant 127 : i32
          %and3A_173 = vector.broadcast %and3A_172 : i32 to vector<16xi32>
          %and3A_174 = arith.andi %gather3A_105, %and3A_173 : vector<16xi32>
          %eq3A = arith.constant 0 : i32
          %eq3A_175 = vector.broadcast %eq3A : i32 to vector<16xi32>
          %eq3A_176 = arith.cmpi eq, %iota3A, %eq3A_175 : vector<16xi32>
          tpu.vector_store_idx %arg9[%shift_right_arithmetic3A_171, %and3A_174], %gather3A masked %eq3A_176 {add = true} : memref<128x128xf32, #tpu.memory_space<vmem>>[vector<16xi32>, vector<16xi32>], vector<16xf32>, vector<16xi1>
          %mul3A_177 = arith.constant 4 : i32
          %mul3A_178 = arith.muli %scan3A_92, %mul3A_177 : i32
          %add3A_179 = arith.constant 1 : i32
          %add3A_180 = arith.addi %mul3A_178, %add3A_179 : i32
          %mul3A_181 = arith.constant 128 : i32
          %mul3A_182 = arith.muli %scan3A_56, %mul3A_181 : i32
          %add3A_183 = arith.addi %mul3A_182, %add3A_180 : i32
          %add3A_184 = vector.broadcast %add3A_183 : i32 to vector<16xi32>
          %add3A_185 = arith.addi %broadcast_in_dim3A_5, %add3A_184 : vector<16xi32>
          %gather3A_186 = tpu.vector_load_idx %arg12[%add3A_95, %add3A_185] : memref<4x1024xf32, #tpu.memory_space<vmem>>[vector<16xi32>, vector<16xi32>], vector<16xf32>,
          %gather3A_187 = tpu.vector_load_idx %arg11[%add3A_95, %add3A_185] : memref<4x1024xi32, #tpu.memory_space<vmem>>[vector<16xi32>, vector<16xi32>], vector<16xi32>,
          %and3A_188 = arith.constant 1 : i32
          %and3A_189 = vector.broadcast %and3A_188 : i32 to vector<16xi32>
          %and3A_190 = arith.andi %gather3A_187, %and3A_189 : vector<16xi32>
          %mul3A_191 = arith.constant 64 : i32
          %mul3A_192 = vector.broadcast %mul3A_191 : i32 to vector<16xi32>
          %mul3A_193 = arith.muli %and3A_190, %mul3A_192 : vector<16xi32>
          %sub3A_194 = arith.constant 64 : i32
          %sub3A_195 = vector.broadcast %sub3A_194 : i32 to vector<16xi32>
          %sub3A_196 = arith.subi %sub3A_195, %mul3A_193 : vector<16xi32>
          %add3A_197 = vector.broadcast %add3A_180 : i32 to vector<16xi32>
          %add3A_198 = arith.addi %broadcast_in_dim3A_5, %add3A_197 : vector<16xi32>
          %add3A_199 = arith.constant 0 : i32
          %add3A_200 = arith.addi %mul3A_0, %add3A_199 : i32
          %get3A_201 = arith.index_cast %add3A_180 : i32 to index
          %get3A_202 = arith.index_cast %add3A_200 : i32 to index
          %get3A_203 = tpu.vector_load %arg7[%get3A_201, %get3A_202] {strides = array<i32>} : memref<128x128xf32, #tpu.memory_space<vmem>>, vector<16xf32>,
          %add3A_204 = arith.constant 0 : i32
          %add3A_205 = vector.broadcast %add3A_204 : i32 to vector<16xi32>
          %add3A_206 = arith.addi %add3A_205, %iota3A : vector<16xi32>
          %add3A_207 = arith.addi %mul3A_193, %add3A_206 : vector<16xi32>
          %mul3A_208 = arith.mulf %get3A_203, %gather3A_186 : vector<16xf32>
          tpu.vector_store_idx %arg8[%add3A_198, %add3A_207], %mul3A_208 : memref<128x128xf32, #tpu.memory_space<vmem>>[vector<16xi32>, vector<16xi32>], vector<16xf32>,
          %add3A_209 = arith.constant 0 : i32
          %add3A_210 = vector.broadcast %add3A_209 : i32 to vector<16xi32>
          %add3A_211 = arith.addi %add3A_210, %iota3A : vector<16xi32>
          %add3A_212 = arith.addi %sub3A_196, %add3A_211 : vector<16xi32>
          tpu.vector_store_idx %arg8[%add3A_198, %add3A_212], %broadcast_in_dim3A_3 : memref<128x128xf32, #tpu.memory_space<vmem>>[vector<16xi32>, vector<16xi32>], vector<16xf32>,
          %add3A_213 = arith.constant 16 : i32
          %add3A_214 = arith.addi %mul3A_0, %add3A_213 : i32
          %get3A_215 = arith.index_cast %add3A_180 : i32 to index
          %get3A_216 = arith.index_cast %add3A_214 : i32 to index
          %get3A_217 = tpu.vector_load %arg7[%get3A_215, %get3A_216] {strides = array<i32>} : memref<128x128xf32, #tpu.memory_space<vmem>>, vector<16xf32>,
          %add3A_218 = arith.constant 16 : i32
          %add3A_219 = vector.broadcast %add3A_218 : i32 to vector<16xi32>
          %add3A_220 = arith.addi %add3A_219, %iota3A : vector<16xi32>
          %add3A_221 = arith.addi %mul3A_193, %add3A_220 : vector<16xi32>
          %mul3A_222 = arith.mulf %get3A_217, %gather3A_186 : vector<16xf32>
          tpu.vector_store_idx %arg8[%add3A_198, %add3A_221], %mul3A_222 : memref<128x128xf32, #tpu.memory_space<vmem>>[vector<16xi32>, vector<16xi32>], vector<16xf32>,
          %add3A_223 = arith.constant 16 : i32
          %add3A_224 = vector.broadcast %add3A_223 : i32 to vector<16xi32>
          %add3A_225 = arith.addi %add3A_224, %iota3A : vector<16xi32>
          %add3A_226 = arith.addi %sub3A_196, %add3A_225 : vector<16xi32>
          tpu.vector_store_idx %arg8[%add3A_198, %add3A_226], %broadcast_in_dim3A_3 : memref<128x128xf32, #tpu.memory_space<vmem>>[vector<16xi32>, vector<16xi32>], vector<16xf32>,
          %add3A_227 = arith.constant 32 : i32
          %add3A_228 = arith.addi %mul3A_0, %add3A_227 : i32
          %get3A_229 = arith.index_cast %add3A_180 : i32 to index
          %get3A_230 = arith.index_cast %add3A_228 : i32 to index
          %get3A_231 = tpu.vector_load %arg7[%get3A_229, %get3A_230] {strides = array<i32>} : memref<128x128xf32, #tpu.memory_space<vmem>>, vector<16xf32>,
          %add3A_232 = arith.constant 32 : i32
          %add3A_233 = vector.broadcast %add3A_232 : i32 to vector<16xi32>
          %add3A_234 = arith.addi %add3A_233, %iota3A : vector<16xi32>
          %add3A_235 = arith.addi %mul3A_193, %add3A_234 : vector<16xi32>
          %mul3A_236 = arith.mulf %get3A_231, %gather3A_186 : vector<16xf32>
          tpu.vector_store_idx %arg8[%add3A_198, %add3A_235], %mul3A_236 : memref<128x128xf32, #tpu.memory_space<vmem>>[vector<16xi32>, vector<16xi32>], vector<16xf32>,
          %add3A_237 = arith.constant 32 : i32
          %add3A_238 = vector.broadcast %add3A_237 : i32 to vector<16xi32>
          %add3A_239 = arith.addi %add3A_238, %iota3A : vector<16xi32>
          %add3A_240 = arith.addi %sub3A_196, %add3A_239 : vector<16xi32>
          tpu.vector_store_idx %arg8[%add3A_198, %add3A_240], %broadcast_in_dim3A_3 : memref<128x128xf32, #tpu.memory_space<vmem>>[vector<16xi32>, vector<16xi32>], vector<16xf32>,
          %add3A_241 = arith.constant 48 : i32
          %add3A_242 = arith.addi %mul3A_0, %add3A_241 : i32
          %get3A_243 = arith.index_cast %add3A_180 : i32 to index
          %get3A_244 = arith.index_cast %add3A_242 : i32 to index
          %get3A_245 = tpu.vector_load %arg7[%get3A_243, %get3A_244] {strides = array<i32>} : memref<128x128xf32, #tpu.memory_space<vmem>>, vector<16xf32>,
          %add3A_246 = arith.constant 48 : i32
          %add3A_247 = vector.broadcast %add3A_246 : i32 to vector<16xi32>
          %add3A_248 = arith.addi %add3A_247, %iota3A : vector<16xi32>
          %add3A_249 = arith.addi %mul3A_193, %add3A_248 : vector<16xi32>
          %mul3A_250 = arith.mulf %get3A_245, %gather3A_186 : vector<16xf32>
          tpu.vector_store_idx %arg8[%add3A_198, %add3A_249], %mul3A_250 : memref<128x128xf32, #tpu.memory_space<vmem>>[vector<16xi32>, vector<16xi32>], vector<16xf32>,
          %add3A_251 = arith.constant 48 : i32
          %add3A_252 = vector.broadcast %add3A_251 : i32 to vector<16xi32>
          %add3A_253 = arith.addi %add3A_252, %iota3A : vector<16xi32>
          %add3A_254 = arith.addi %sub3A_196, %add3A_253 : vector<16xi32>
          tpu.vector_store_idx %arg8[%add3A_198, %add3A_254], %broadcast_in_dim3A_3 : memref<128x128xf32, #tpu.memory_space<vmem>>[vector<16xi32>, vector<16xi32>], vector<16xf32>,
          %shift_right_arithmetic3A_255 = arith.constant 7 : i32
          %shift_right_arithmetic3A_256 = vector.broadcast %shift_right_arithmetic3A_255 : i32 to vector<16xi32>
          %shift_right_arithmetic3A_257 = arith.shrsi %gather3A_187, %shift_right_arithmetic3A_256 : vector<16xi32>
          %and3A_258 = arith.constant 127 : i32
          %and3A_259 = vector.broadcast %and3A_258 : i32 to vector<16xi32>
          %and3A_260 = arith.andi %gather3A_187, %and3A_259 : vector<16xi32>
          %eq3A_261 = arith.constant 0 : i32
          %eq3A_262 = vector.broadcast %eq3A_261 : i32 to vector<16xi32>
          %eq3A_263 = arith.cmpi eq, %iota3A, %eq3A_262 : vector<16xi32>
          tpu.vector_store_idx %arg9[%shift_right_arithmetic3A_257, %and3A_260], %gather3A_186 masked %eq3A_263 {add = true} : memref<128x128xf32, #tpu.memory_space<vmem>>[vector<16xi32>, vector<16xi32>], vector<16xf32>, vector<16xi1>
          %mul3A_264 = arith.constant 4 : i32
          %mul3A_265 = arith.muli %scan3A_92, %mul3A_264 : i32
          %add3A_266 = arith.constant 2 : i32
          %add3A_267 = arith.addi %mul3A_265, %add3A_266 : i32
          %mul3A_268 = arith.constant 128 : i32
          %mul3A_269 = arith.muli %scan3A_56, %mul3A_268 : i32
          %add3A_270 = arith.addi %mul3A_269, %add3A_267 : i32
          %add3A_271 = vector.broadcast %add3A_270 : i32 to vector<16xi32>
          %add3A_272 = arith.addi %broadcast_in_dim3A_5, %add3A_271 : vector<16xi32>
          %gather3A_273 = tpu.vector_load_idx %arg12[%add3A_95, %add3A_272] : memref<4x1024xf32, #tpu.memory_space<vmem>>[vector<16xi32>, vector<16xi32>], vector<16xf32>,
          %gather3A_274 = tpu.vector_load_idx %arg11[%add3A_95, %add3A_272] : memref<4x1024xi32, #tpu.memory_space<vmem>>[vector<16xi32>, vector<16xi32>], vector<16xi32>,
          %and3A_275 = arith.constant 1 : i32
          %and3A_276 = vector.broadcast %and3A_275 : i32 to vector<16xi32>
          %and3A_277 = arith.andi %gather3A_274, %and3A_276 : vector<16xi32>
          %mul3A_278 = arith.constant 64 : i32
          %mul3A_279 = vector.broadcast %mul3A_278 : i32 to vector<16xi32>
          %mul3A_280 = arith.muli %and3A_277, %mul3A_279 : vector<16xi32>
          %sub3A_281 = arith.constant 64 : i32
          %sub3A_282 = vector.broadcast %sub3A_281 : i32 to vector<16xi32>
          %sub3A_283 = arith.subi %sub3A_282, %mul3A_280 : vector<16xi32>
          %add3A_284 = vector.broadcast %add3A_267 : i32 to vector<16xi32>
          %add3A_285 = arith.addi %broadcast_in_dim3A_5, %add3A_284 : vector<16xi32>
          %add3A_286 = arith.constant 0 : i32
          %add3A_287 = arith.addi %mul3A_0, %add3A_286 : i32
          %get3A_288 = arith.index_cast %add3A_267 : i32 to index
          %get3A_289 = arith.index_cast %add3A_287 : i32 to index
          %get3A_290 = tpu.vector_load %arg7[%get3A_288, %get3A_289] {strides = array<i32>} : memref<128x128xf32, #tpu.memory_space<vmem>>, vector<16xf32>,
          %add3A_291 = arith.constant 0 : i32
          %add3A_292 = vector.broadcast %add3A_291 : i32 to vector<16xi32>
          %add3A_293 = arith.addi %add3A_292, %iota3A : vector<16xi32>
          %add3A_294 = arith.addi %mul3A_280, %add3A_293 : vector<16xi32>
          %mul3A_295 = arith.mulf %get3A_290, %gather3A_273 : vector<16xf32>
          tpu.vector_store_idx %arg8[%add3A_285, %add3A_294], %mul3A_295 : memref<128x128xf32, #tpu.memory_space<vmem>>[vector<16xi32>, vector<16xi32>], vector<16xf32>,
          %add3A_296 = arith.constant 0 : i32
          %add3A_297 = vector.broadcast %add3A_296 : i32 to vector<16xi32>
          %add3A_298 = arith.addi %add3A_297, %iota3A : vector<16xi32>
          %add3A_299 = arith.addi %sub3A_283, %add3A_298 : vector<16xi32>
          tpu.vector_store_idx %arg8[%add3A_285, %add3A_299], %broadcast_in_dim3A_3 : memref<128x128xf32, #tpu.memory_space<vmem>>[vector<16xi32>, vector<16xi32>], vector<16xf32>,
          %add3A_300 = arith.constant 16 : i32
          %add3A_301 = arith.addi %mul3A_0, %add3A_300 : i32
          %get3A_302 = arith.index_cast %add3A_267 : i32 to index
          %get3A_303 = arith.index_cast %add3A_301 : i32 to index
          %get3A_304 = tpu.vector_load %arg7[%get3A_302, %get3A_303] {strides = array<i32>} : memref<128x128xf32, #tpu.memory_space<vmem>>, vector<16xf32>,
          %add3A_305 = arith.constant 16 : i32
          %add3A_306 = vector.broadcast %add3A_305 : i32 to vector<16xi32>
          %add3A_307 = arith.addi %add3A_306, %iota3A : vector<16xi32>
          %add3A_308 = arith.addi %mul3A_280, %add3A_307 : vector<16xi32>
          %mul3A_309 = arith.mulf %get3A_304, %gather3A_273 : vector<16xf32>
          tpu.vector_store_idx %arg8[%add3A_285, %add3A_308], %mul3A_309 : memref<128x128xf32, #tpu.memory_space<vmem>>[vector<16xi32>, vector<16xi32>], vector<16xf32>,
          %add3A_310 = arith.constant 16 : i32
          %add3A_311 = vector.broadcast %add3A_310 : i32 to vector<16xi32>
          %add3A_312 = arith.addi %add3A_311, %iota3A : vector<16xi32>
          %add3A_313 = arith.addi %sub3A_283, %add3A_312 : vector<16xi32>
          tpu.vector_store_idx %arg8[%add3A_285, %add3A_313], %broadcast_in_dim3A_3 : memref<128x128xf32, #tpu.memory_space<vmem>>[vector<16xi32>, vector<16xi32>], vector<16xf32>,
          %add3A_314 = arith.constant 32 : i32
          %add3A_315 = arith.addi %mul3A_0, %add3A_314 : i32
          %get3A_316 = arith.index_cast %add3A_267 : i32 to index
          %get3A_317 = arith.index_cast %add3A_315 : i32 to index
          %get3A_318 = tpu.vector_load %arg7[%get3A_316, %get3A_317] {strides = array<i32>} : memref<128x128xf32, #tpu.memory_space<vmem>>, vector<16xf32>,
          %add3A_319 = arith.constant 32 : i32
          %add3A_320 = vector.broadcast %add3A_319 : i32 to vector<16xi32>
          %add3A_321 = arith.addi %add3A_320, %iota3A : vector<16xi32>
          %add3A_322 = arith.addi %mul3A_280, %add3A_321 : vector<16xi32>
          %mul3A_323 = arith.mulf %get3A_318, %gather3A_273 : vector<16xf32>
          tpu.vector_store_idx %arg8[%add3A_285, %add3A_322], %mul3A_323 : memref<128x128xf32, #tpu.memory_space<vmem>>[vector<16xi32>, vector<16xi32>], vector<16xf32>,
          %add3A_324 = arith.constant 32 : i32
          %add3A_325 = vector.broadcast %add3A_324 : i32 to vector<16xi32>
          %add3A_326 = arith.addi %add3A_325, %iota3A : vector<16xi32>
          %add3A_327 = arith.addi %sub3A_283, %add3A_326 : vector<16xi32>
          tpu.vector_store_idx %arg8[%add3A_285, %add3A_327], %broadcast_in_dim3A_3 : memref<128x128xf32, #tpu.memory_space<vmem>>[vector<16xi32>, vector<16xi32>], vector<16xf32>,
          %add3A_328 = arith.constant 48 : i32
          %add3A_329 = arith.addi %mul3A_0, %add3A_328 : i32
          %get3A_330 = arith.index_cast %add3A_267 : i32 to index
          %get3A_331 = arith.index_cast %add3A_329 : i32 to index
          %get3A_332 = tpu.vector_load %arg7[%get3A_330, %get3A_331] {strides = array<i32>} : memref<128x128xf32, #tpu.memory_space<vmem>>, vector<16xf32>,
          %add3A_333 = arith.constant 48 : i32
          %add3A_334 = vector.broadcast %add3A_333 : i32 to vector<16xi32>
          %add3A_335 = arith.addi %add3A_334, %iota3A : vector<16xi32>
          %add3A_336 = arith.addi %mul3A_280, %add3A_335 : vector<16xi32>
          %mul3A_337 = arith.mulf %get3A_332, %gather3A_273 : vector<16xf32>
          tpu.vector_store_idx %arg8[%add3A_285, %add3A_336], %mul3A_337 : memref<128x128xf32, #tpu.memory_space<vmem>>[vector<16xi32>, vector<16xi32>], vector<16xf32>,
          %add3A_338 = arith.constant 48 : i32
          %add3A_339 = vector.broadcast %add3A_338 : i32 to vector<16xi32>
          %add3A_340 = arith.addi %add3A_339, %iota3A : vector<16xi32>
          %add3A_341 = arith.addi %sub3A_283, %add3A_340 : vector<16xi32>
          tpu.vector_store_idx %arg8[%add3A_285, %add3A_341], %broadcast_in_dim3A_3 : memref<128x128xf32, #tpu.memory_space<vmem>>[vector<16xi32>, vector<16xi32>], vector<16xf32>,
          %shift_right_arithmetic3A_342 = arith.constant 7 : i32
          %shift_right_arithmetic3A_343 = vector.broadcast %shift_right_arithmetic3A_342 : i32 to vector<16xi32>
          %shift_right_arithmetic3A_344 = arith.shrsi %gather3A_274, %shift_right_arithmetic3A_343 : vector<16xi32>
          %and3A_345 = arith.constant 127 : i32
          %and3A_346 = vector.broadcast %and3A_345 : i32 to vector<16xi32>
          %and3A_347 = arith.andi %gather3A_274, %and3A_346 : vector<16xi32>
          %eq3A_348 = arith.constant 0 : i32
          %eq3A_349 = vector.broadcast %eq3A_348 : i32 to vector<16xi32>
          %eq3A_350 = arith.cmpi eq, %iota3A, %eq3A_349 : vector<16xi32>
          tpu.vector_store_idx %arg9[%shift_right_arithmetic3A_344, %and3A_347], %gather3A_273 masked %eq3A_350 {add = true} : memref<128x128xf32, #tpu.memory_space<vmem>>[vector<16xi32>, vector<16xi32>], vector<16xf32>, vector<16xi1>
          %mul3A_351 = arith.constant 4 : i32
          %mul3A_352 = arith.muli %scan3A_92, %mul3A_351 : i32
          %add3A_353 = arith.constant 3 : i32
          %add3A_354 = arith.addi %mul3A_352, %add3A_353 : i32
          %mul3A_355 = arith.constant 128 : i32
          %mul3A_356 = arith.muli %scan3A_56, %mul3A_355 : i32
          %add3A_357 = arith.addi %mul3A_356, %add3A_354 : i32
          %add3A_358 = vector.broadcast %add3A_357 : i32 to vector<16xi32>
          %add3A_359 = arith.addi %broadcast_in_dim3A_5, %add3A_358 : vector<16xi32>
          %gather3A_360 = tpu.vector_load_idx %arg12[%add3A_95, %add3A_359] : memref<4x1024xf32, #tpu.memory_space<vmem>>[vector<16xi32>, vector<16xi32>], vector<16xf32>,
          %gather3A_361 = tpu.vector_load_idx %arg11[%add3A_95, %add3A_359] : memref<4x1024xi32, #tpu.memory_space<vmem>>[vector<16xi32>, vector<16xi32>], vector<16xi32>,
          %and3A_362 = arith.constant 1 : i32
          %and3A_363 = vector.broadcast %and3A_362 : i32 to vector<16xi32>
          %and3A_364 = arith.andi %gather3A_361, %and3A_363 : vector<16xi32>
          %mul3A_365 = arith.constant 64 : i32
          %mul3A_366 = vector.broadcast %mul3A_365 : i32 to vector<16xi32>
          %mul3A_367 = arith.muli %and3A_364, %mul3A_366 : vector<16xi32>
          %sub3A_368 = arith.constant 64 : i32
          %sub3A_369 = vector.broadcast %sub3A_368 : i32 to vector<16xi32>
          %sub3A_370 = arith.subi %sub3A_369, %mul3A_367 : vector<16xi32>
          %add3A_371 = vector.broadcast %add3A_354 : i32 to vector<16xi32>
          %add3A_372 = arith.addi %broadcast_in_dim3A_5, %add3A_371 : vector<16xi32>
          %add3A_373 = arith.constant 0 : i32
          %add3A_374 = arith.addi %mul3A_0, %add3A_373 : i32
          %get3A_375 = arith.index_cast %add3A_354 : i32 to index
          %get3A_376 = arith.index_cast %add3A_374 : i32 to index
          %get3A_377 = tpu.vector_load %arg7[%get3A_375, %get3A_376] {strides = array<i32>} : memref<128x128xf32, #tpu.memory_space<vmem>>, vector<16xf32>,
          %add3A_378 = arith.constant 0 : i32
          %add3A_379 = vector.broadcast %add3A_378 : i32 to vector<16xi32>
          %add3A_380 = arith.addi %add3A_379, %iota3A : vector<16xi32>
          %add3A_381 = arith.addi %mul3A_367, %add3A_380 : vector<16xi32>
          %mul3A_382 = arith.mulf %get3A_377, %gather3A_360 : vector<16xf32>
          tpu.vector_store_idx %arg8[%add3A_372, %add3A_381], %mul3A_382 : memref<128x128xf32, #tpu.memory_space<vmem>>[vector<16xi32>, vector<16xi32>], vector<16xf32>,
          %add3A_383 = arith.constant 0 : i32
          %add3A_384 = vector.broadcast %add3A_383 : i32 to vector<16xi32>
          %add3A_385 = arith.addi %add3A_384, %iota3A : vector<16xi32>
          %add3A_386 = arith.addi %sub3A_370, %add3A_385 : vector<16xi32>
          tpu.vector_store_idx %arg8[%add3A_372, %add3A_386], %broadcast_in_dim3A_3 : memref<128x128xf32, #tpu.memory_space<vmem>>[vector<16xi32>, vector<16xi32>], vector<16xf32>,
          %add3A_387 = arith.constant 16 : i32
          %add3A_388 = arith.addi %mul3A_0, %add3A_387 : i32
          %get3A_389 = arith.index_cast %add3A_354 : i32 to index
          %get3A_390 = arith.index_cast %add3A_388 : i32 to index
          %get3A_391 = tpu.vector_load %arg7[%get3A_389, %get3A_390] {strides = array<i32>} : memref<128x128xf32, #tpu.memory_space<vmem>>, vector<16xf32>,
          %add3A_392 = arith.constant 16 : i32
          %add3A_393 = vector.broadcast %add3A_392 : i32 to vector<16xi32>
          %add3A_394 = arith.addi %add3A_393, %iota3A : vector<16xi32>
          %add3A_395 = arith.addi %mul3A_367, %add3A_394 : vector<16xi32>
          %mul3A_396 = arith.mulf %get3A_391, %gather3A_360 : vector<16xf32>
          tpu.vector_store_idx %arg8[%add3A_372, %add3A_395], %mul3A_396 : memref<128x128xf32, #tpu.memory_space<vmem>>[vector<16xi32>, vector<16xi32>], vector<16xf32>,
          %add3A_397 = arith.constant 16 : i32
          %add3A_398 = vector.broadcast %add3A_397 : i32 to vector<16xi32>
          %add3A_399 = arith.addi %add3A_398, %iota3A : vector<16xi32>
          %add3A_400 = arith.addi %sub3A_370, %add3A_399 : vector<16xi32>
          tpu.vector_store_idx %arg8[%add3A_372, %add3A_400], %broadcast_in_dim3A_3 : memref<128x128xf32, #tpu.memory_space<vmem>>[vector<16xi32>, vector<16xi32>], vector<16xf32>,
          %add3A_401 = arith.constant 32 : i32
          %add3A_402 = arith.addi %mul3A_0, %add3A_401 : i32
          %get3A_403 = arith.index_cast %add3A_354 : i32 to index
          %get3A_404 = arith.index_cast %add3A_402 : i32 to index
          %get3A_405 = tpu.vector_load %arg7[%get3A_403, %get3A_404] {strides = array<i32>} : memref<128x128xf32, #tpu.memory_space<vmem>>, vector<16xf32>,
          %add3A_406 = arith.constant 32 : i32
          %add3A_407 = vector.broadcast %add3A_406 : i32 to vector<16xi32>
          %add3A_408 = arith.addi %add3A_407, %iota3A : vector<16xi32>
          %add3A_409 = arith.addi %mul3A_367, %add3A_408 : vector<16xi32>
          %mul3A_410 = arith.mulf %get3A_405, %gather3A_360 : vector<16xf32>
          tpu.vector_store_idx %arg8[%add3A_372, %add3A_409], %mul3A_410 : memref<128x128xf32, #tpu.memory_space<vmem>>[vector<16xi32>, vector<16xi32>], vector<16xf32>,
          %add3A_411 = arith.constant 32 : i32
          %add3A_412 = vector.broadcast %add3A_411 : i32 to vector<16xi32>
          %add3A_413 = arith.addi %add3A_412, %iota3A : vector<16xi32>
          %add3A_414 = arith.addi %sub3A_370, %add3A_413 : vector<16xi32>
          tpu.vector_store_idx %arg8[%add3A_372, %add3A_414], %broadcast_in_dim3A_3 : memref<128x128xf32, #tpu.memory_space<vmem>>[vector<16xi32>, vector<16xi32>], vector<16xf32>,
          %add3A_415 = arith.constant 48 : i32
          %add3A_416 = arith.addi %mul3A_0, %add3A_415 : i32
          %get3A_417 = arith.index_cast %add3A_354 : i32 to index
          %get3A_418 = arith.index_cast %add3A_416 : i32 to index
          %get3A_419 = tpu.vector_load %arg7[%get3A_417, %get3A_418] {strides = array<i32>} : memref<128x128xf32, #tpu.memory_space<vmem>>, vector<16xf32>,
          %add3A_420 = arith.constant 48 : i32
          %add3A_421 = vector.broadcast %add3A_420 : i32 to vector<16xi32>
          %add3A_422 = arith.addi %add3A_421, %iota3A : vector<16xi32>
          %add3A_423 = arith.addi %mul3A_367, %add3A_422 : vector<16xi32>
          %mul3A_424 = arith.mulf %get3A_419, %gather3A_360 : vector<16xf32>
          tpu.vector_store_idx %arg8[%add3A_372, %add3A_423], %mul3A_424 : memref<128x128xf32, #tpu.memory_space<vmem>>[vector<16xi32>, vector<16xi32>], vector<16xf32>,
          %add3A_425 = arith.constant 48 : i32
          %add3A_426 = vector.broadcast %add3A_425 : i32 to vector<16xi32>
          %add3A_427 = arith.addi %add3A_426, %iota3A : vector<16xi32>
          %add3A_428 = arith.addi %sub3A_370, %add3A_427 : vector<16xi32>
          tpu.vector_store_idx %arg8[%add3A_372, %add3A_428], %broadcast_in_dim3A_3 : memref<128x128xf32, #tpu.memory_space<vmem>>[vector<16xi32>, vector<16xi32>], vector<16xf32>,
          %shift_right_arithmetic3A_429 = arith.constant 7 : i32
          %shift_right_arithmetic3A_430 = vector.broadcast %shift_right_arithmetic3A_429 : i32 to vector<16xi32>
          %shift_right_arithmetic3A_431 = arith.shrsi %gather3A_361, %shift_right_arithmetic3A_430 : vector<16xi32>
          %and3A_432 = arith.constant 127 : i32
          %and3A_433 = vector.broadcast %and3A_432 : i32 to vector<16xi32>
          %and3A_434 = arith.andi %gather3A_361, %and3A_433 : vector<16xi32>
          %eq3A_435 = arith.constant 0 : i32
          %eq3A_436 = vector.broadcast %eq3A_435 : i32 to vector<16xi32>
          %eq3A_437 = arith.cmpi eq, %iota3A, %eq3A_436 : vector<16xi32>
          tpu.vector_store_idx %arg9[%shift_right_arithmetic3A_431, %and3A_434], %gather3A_360 masked %eq3A_437 {add = true} : memref<128x128xf32, #tpu.memory_space<vmem>>[vector<16xi32>, vector<16xi32>], vector<16xf32>, vector<16xi1>
        }
        %scan3A_73 = arith.constant 32 : i32
        %add3A_74 = arith.constant 8 : i32
        %add3A_75 = arith.addi %add3A_74, %scan3A_56 : i32
        "tpu.region"() ({
          %run_scoped3A_92 = tpu.sem_alloc : memref<!tpu.dma_semaphore, #tpu.memory_space<semaphore_mem>>
          %dma_start3A = arith.constant 0 : i32
          %dma_start3A_93 = tpu.memref_slice %arg10[%add3A_75, %dma_start3A] : memref<32x128xi32, #tpu.memory_space<vmem>> -> memref<1x128xi32, #tpu.memory_space<vmem>>
          %dma_start3A_94 = tpu.memref_squeeze %dma_start3A_93 : memref<1x128xi32, #tpu.memory_space<vmem>> -> memref<128xi32, #tpu.memory_space<vmem>>
          %dma_start3A_95 = arith.constant 0 : i32
          %dma_start3A_96 = arith.constant 0 : i32
          %dma_start3A_97 = tpu.memref_slice %arg5[%dma_start3A_95, %dma_start3A_96] : memref<8192x128xf32, #tpu.memory_space<vmem_shared>> -> memref<8192x128xf32, #tpu.memory_space<vmem_shared>>
          tpu.enqueue_indirect_dma source(%arg8 : memref<128x128xf32, #tpu.memory_space<vmem>>) target(%dma_start3A_97 : memref<8192x128xf32, #tpu.memory_space<vmem_shared>>) offsets(%dma_start3A_94 : memref<128xi32, #tpu.memory_space<vmem>>) semaphore(%run_scoped3A_92 : memref<!tpu.dma_semaphore, #tpu.memory_space<semaphore_mem>>) {add = true}
          %dma_wait3A = arith.constant 0 : i32
          %dma_wait3A_98 = tpu.memref_slice %arg10[%add3A_75, %dma_wait3A] : memref<32x128xi32, #tpu.memory_space<vmem>> -> memref<1x128xi32, #tpu.memory_space<vmem>>
          %dma_wait3A_99 = tpu.memref_squeeze %dma_wait3A_98 : memref<1x128xi32, #tpu.memory_space<vmem>> -> memref<128xi32, #tpu.memory_space<vmem>>
          %dma_wait3A_100 = arith.constant 0 : i32
          %dma_wait3A_101 = arith.constant 0 : i32
          %dma_wait3A_102 = tpu.memref_slice %arg5[%dma_wait3A_100, %dma_wait3A_101] : memref<8192x128xf32, #tpu.memory_space<vmem_shared>> -> memref<8192x128xf32, #tpu.memory_space<vmem_shared>>
          tpu.wait_indirect_dma semaphore(%run_scoped3A_92 : memref<!tpu.dma_semaphore, #tpu.memory_space<semaphore_mem>>) src(%arg8 : memref<128x128xf32, #tpu.memory_space<vmem>>) dst(%dma_wait3A_102 : memref<8192x128xf32, #tpu.memory_space<vmem_shared>>)
          tpu.yield
        }) : () -> ()
        %scan3A_76 = arith.constant 0 : i32
        %scan3A_77 = arith.constant 0 : i32
        %scan3A_78 = arith.constant 32 : i32
        %scan3A_79 = arith.addi %scan3A_77, %scan3A_78 : i32
        %scan3A_80 = arith.constant 1 : i32
        scf.for %scan3A_92 = %scan3A_77 to %scan3A_79 step %scan3A_80  : i32 {
          %add3A_93 = arith.constant 2 : i32
          %add3A_94 = vector.broadcast %add3A_93 : i32 to vector<16xi32>
          %add3A_95 = arith.addi %broadcast_in_dim3A_5, %add3A_94 : vector<16xi32>
          %mul3A_96 = arith.constant 4 : i32
          %mul3A_97 = arith.muli %scan3A_92, %mul3A_96 : i32
          %add3A_98 = arith.constant 0 : i32
          %add3A_99 = arith.addi %mul3A_97, %add3A_98 : i32
          %mul3A_100 = arith.constant 128 : i32
          %mul3A_101 = arith.muli %scan3A_56, %mul3A_100 : i32
          %add3A_102 = arith.addi %mul3A_101, %add3A_99 : i32
          %add3A_103 = vector.broadcast %add3A_102 : i32 to vector<16xi32>
          %add3A_104 = arith.addi %broadcast_in_dim3A_5, %add3A_103 : vector<16xi32>
          %gather3A = tpu.vector_load_idx %arg12[%add3A_95, %add3A_104] : memref<4x1024xf32, #tpu.memory_space<vmem>>[vector<16xi32>, vector<16xi32>], vector<16xf32>,
          %gather3A_105 = tpu.vector_load_idx %arg11[%add3A_95, %add3A_104] : memref<4x1024xi32, #tpu.memory_space<vmem>>[vector<16xi32>, vector<16xi32>], vector<16xi32>,
          %and3A = arith.constant 1 : i32
          %and3A_106 = vector.broadcast %and3A : i32 to vector<16xi32>
          %and3A_107 = arith.andi %gather3A_105, %and3A_106 : vector<16xi32>
          %mul3A_108 = arith.constant 64 : i32
          %mul3A_109 = vector.broadcast %mul3A_108 : i32 to vector<16xi32>
          %mul3A_110 = arith.muli %and3A_107, %mul3A_109 : vector<16xi32>
          %sub3A = arith.constant 64 : i32
          %sub3A_111 = vector.broadcast %sub3A : i32 to vector<16xi32>
          %sub3A_112 = arith.subi %sub3A_111, %mul3A_110 : vector<16xi32>
          %add3A_113 = vector.broadcast %add3A_99 : i32 to vector<16xi32>
          %add3A_114 = arith.addi %broadcast_in_dim3A_5, %add3A_113 : vector<16xi32>
          %add3A_115 = arith.constant 0 : i32
          %add3A_116 = arith.addi %mul3A_0, %add3A_115 : i32
          %get3A = arith.index_cast %add3A_99 : i32 to index
          %get3A_117 = arith.index_cast %add3A_116 : i32 to index
          %get3A_118 = tpu.vector_load %arg7[%get3A, %get3A_117] {strides = array<i32>} : memref<128x128xf32, #tpu.memory_space<vmem>>, vector<16xf32>,
          %add3A_119 = arith.constant 0 : i32
          %add3A_120 = vector.broadcast %add3A_119 : i32 to vector<16xi32>
          %add3A_121 = arith.addi %add3A_120, %iota3A : vector<16xi32>
          %add3A_122 = arith.addi %mul3A_110, %add3A_121 : vector<16xi32>
          %mul3A_123 = arith.mulf %get3A_118, %gather3A : vector<16xf32>
          tpu.vector_store_idx %arg8[%add3A_114, %add3A_122], %mul3A_123 : memref<128x128xf32, #tpu.memory_space<vmem>>[vector<16xi32>, vector<16xi32>], vector<16xf32>,
          %add3A_124 = arith.constant 0 : i32
          %add3A_125 = vector.broadcast %add3A_124 : i32 to vector<16xi32>
          %add3A_126 = arith.addi %add3A_125, %iota3A : vector<16xi32>
          %add3A_127 = arith.addi %sub3A_112, %add3A_126 : vector<16xi32>
          tpu.vector_store_idx %arg8[%add3A_114, %add3A_127], %broadcast_in_dim3A_3 : memref<128x128xf32, #tpu.memory_space<vmem>>[vector<16xi32>, vector<16xi32>], vector<16xf32>,
          %add3A_128 = arith.constant 16 : i32
          %add3A_129 = arith.addi %mul3A_0, %add3A_128 : i32
          %get3A_130 = arith.index_cast %add3A_99 : i32 to index
          %get3A_131 = arith.index_cast %add3A_129 : i32 to index
          %get3A_132 = tpu.vector_load %arg7[%get3A_130, %get3A_131] {strides = array<i32>} : memref<128x128xf32, #tpu.memory_space<vmem>>, vector<16xf32>,
          %add3A_133 = arith.constant 16 : i32
          %add3A_134 = vector.broadcast %add3A_133 : i32 to vector<16xi32>
          %add3A_135 = arith.addi %add3A_134, %iota3A : vector<16xi32>
          %add3A_136 = arith.addi %mul3A_110, %add3A_135 : vector<16xi32>
          %mul3A_137 = arith.mulf %get3A_132, %gather3A : vector<16xf32>
          tpu.vector_store_idx %arg8[%add3A_114, %add3A_136], %mul3A_137 : memref<128x128xf32, #tpu.memory_space<vmem>>[vector<16xi32>, vector<16xi32>], vector<16xf32>,
          %add3A_138 = arith.constant 16 : i32
          %add3A_139 = vector.broadcast %add3A_138 : i32 to vector<16xi32>
          %add3A_140 = arith.addi %add3A_139, %iota3A : vector<16xi32>
          %add3A_141 = arith.addi %sub3A_112, %add3A_140 : vector<16xi32>
          tpu.vector_store_idx %arg8[%add3A_114, %add3A_141], %broadcast_in_dim3A_3 : memref<128x128xf32, #tpu.memory_space<vmem>>[vector<16xi32>, vector<16xi32>], vector<16xf32>,
          %add3A_142 = arith.constant 32 : i32
          %add3A_143 = arith.addi %mul3A_0, %add3A_142 : i32
          %get3A_144 = arith.index_cast %add3A_99 : i32 to index
          %get3A_145 = arith.index_cast %add3A_143 : i32 to index
          %get3A_146 = tpu.vector_load %arg7[%get3A_144, %get3A_145] {strides = array<i32>} : memref<128x128xf32, #tpu.memory_space<vmem>>, vector<16xf32>,
          %add3A_147 = arith.constant 32 : i32
          %add3A_148 = vector.broadcast %add3A_147 : i32 to vector<16xi32>
          %add3A_149 = arith.addi %add3A_148, %iota3A : vector<16xi32>
          %add3A_150 = arith.addi %mul3A_110, %add3A_149 : vector<16xi32>
          %mul3A_151 = arith.mulf %get3A_146, %gather3A : vector<16xf32>
          tpu.vector_store_idx %arg8[%add3A_114, %add3A_150], %mul3A_151 : memref<128x128xf32, #tpu.memory_space<vmem>>[vector<16xi32>, vector<16xi32>], vector<16xf32>,
          %add3A_152 = arith.constant 32 : i32
          %add3A_153 = vector.broadcast %add3A_152 : i32 to vector<16xi32>
          %add3A_154 = arith.addi %add3A_153, %iota3A : vector<16xi32>
          %add3A_155 = arith.addi %sub3A_112, %add3A_154 : vector<16xi32>
          tpu.vector_store_idx %arg8[%add3A_114, %add3A_155], %broadcast_in_dim3A_3 : memref<128x128xf32, #tpu.memory_space<vmem>>[vector<16xi32>, vector<16xi32>], vector<16xf32>,
          %add3A_156 = arith.constant 48 : i32
          %add3A_157 = arith.addi %mul3A_0, %add3A_156 : i32
          %get3A_158 = arith.index_cast %add3A_99 : i32 to index
          %get3A_159 = arith.index_cast %add3A_157 : i32 to index
          %get3A_160 = tpu.vector_load %arg7[%get3A_158, %get3A_159] {strides = array<i32>} : memref<128x128xf32, #tpu.memory_space<vmem>>, vector<16xf32>,
          %add3A_161 = arith.constant 48 : i32
          %add3A_162 = vector.broadcast %add3A_161 : i32 to vector<16xi32>
          %add3A_163 = arith.addi %add3A_162, %iota3A : vector<16xi32>
          %add3A_164 = arith.addi %mul3A_110, %add3A_163 : vector<16xi32>
          %mul3A_165 = arith.mulf %get3A_160, %gather3A : vector<16xf32>
          tpu.vector_store_idx %arg8[%add3A_114, %add3A_164], %mul3A_165 : memref<128x128xf32, #tpu.memory_space<vmem>>[vector<16xi32>, vector<16xi32>], vector<16xf32>,
          %add3A_166 = arith.constant 48 : i32
          %add3A_167 = vector.broadcast %add3A_166 : i32 to vector<16xi32>
          %add3A_168 = arith.addi %add3A_167, %iota3A : vector<16xi32>
          %add3A_169 = arith.addi %sub3A_112, %add3A_168 : vector<16xi32>
          tpu.vector_store_idx %arg8[%add3A_114, %add3A_169], %broadcast_in_dim3A_3 : memref<128x128xf32, #tpu.memory_space<vmem>>[vector<16xi32>, vector<16xi32>], vector<16xf32>,
          %shift_right_arithmetic3A = arith.constant 7 : i32
          %shift_right_arithmetic3A_170 = vector.broadcast %shift_right_arithmetic3A : i32 to vector<16xi32>
          %shift_right_arithmetic3A_171 = arith.shrsi %gather3A_105, %shift_right_arithmetic3A_170 : vector<16xi32>
          %and3A_172 = arith.constant 127 : i32
          %and3A_173 = vector.broadcast %and3A_172 : i32 to vector<16xi32>
          %and3A_174 = arith.andi %gather3A_105, %and3A_173 : vector<16xi32>
          %eq3A = arith.constant 0 : i32
          %eq3A_175 = vector.broadcast %eq3A : i32 to vector<16xi32>
          %eq3A_176 = arith.cmpi eq, %iota3A, %eq3A_175 : vector<16xi32>
          tpu.vector_store_idx %arg9[%shift_right_arithmetic3A_171, %and3A_174], %gather3A masked %eq3A_176 {add = true} : memref<128x128xf32, #tpu.memory_space<vmem>>[vector<16xi32>, vector<16xi32>], vector<16xf32>, vector<16xi1>
          %mul3A_177 = arith.constant 4 : i32
          %mul3A_178 = arith.muli %scan3A_92, %mul3A_177 : i32
          %add3A_179 = arith.constant 1 : i32
          %add3A_180 = arith.addi %mul3A_178, %add3A_179 : i32
          %mul3A_181 = arith.constant 128 : i32
          %mul3A_182 = arith.muli %scan3A_56, %mul3A_181 : i32
          %add3A_183 = arith.addi %mul3A_182, %add3A_180 : i32
          %add3A_184 = vector.broadcast %add3A_183 : i32 to vector<16xi32>
          %add3A_185 = arith.addi %broadcast_in_dim3A_5, %add3A_184 : vector<16xi32>
          %gather3A_186 = tpu.vector_load_idx %arg12[%add3A_95, %add3A_185] : memref<4x1024xf32, #tpu.memory_space<vmem>>[vector<16xi32>, vector<16xi32>], vector<16xf32>,
          %gather3A_187 = tpu.vector_load_idx %arg11[%add3A_95, %add3A_185] : memref<4x1024xi32, #tpu.memory_space<vmem>>[vector<16xi32>, vector<16xi32>], vector<16xi32>,
          %and3A_188 = arith.constant 1 : i32
          %and3A_189 = vector.broadcast %and3A_188 : i32 to vector<16xi32>
          %and3A_190 = arith.andi %gather3A_187, %and3A_189 : vector<16xi32>
          %mul3A_191 = arith.constant 64 : i32
          %mul3A_192 = vector.broadcast %mul3A_191 : i32 to vector<16xi32>
          %mul3A_193 = arith.muli %and3A_190, %mul3A_192 : vector<16xi32>
          %sub3A_194 = arith.constant 64 : i32
          %sub3A_195 = vector.broadcast %sub3A_194 : i32 to vector<16xi32>
          %sub3A_196 = arith.subi %sub3A_195, %mul3A_193 : vector<16xi32>
          %add3A_197 = vector.broadcast %add3A_180 : i32 to vector<16xi32>
          %add3A_198 = arith.addi %broadcast_in_dim3A_5, %add3A_197 : vector<16xi32>
          %add3A_199 = arith.constant 0 : i32
          %add3A_200 = arith.addi %mul3A_0, %add3A_199 : i32
          %get3A_201 = arith.index_cast %add3A_180 : i32 to index
          %get3A_202 = arith.index_cast %add3A_200 : i32 to index
          %get3A_203 = tpu.vector_load %arg7[%get3A_201, %get3A_202] {strides = array<i32>} : memref<128x128xf32, #tpu.memory_space<vmem>>, vector<16xf32>,
          %add3A_204 = arith.constant 0 : i32
          %add3A_205 = vector.broadcast %add3A_204 : i32 to vector<16xi32>
          %add3A_206 = arith.addi %add3A_205, %iota3A : vector<16xi32>
          %add3A_207 = arith.addi %mul3A_193, %add3A_206 : vector<16xi32>
          %mul3A_208 = arith.mulf %get3A_203, %gather3A_186 : vector<16xf32>
          tpu.vector_store_idx %arg8[%add3A_198, %add3A_207], %mul3A_208 : memref<128x128xf32, #tpu.memory_space<vmem>>[vector<16xi32>, vector<16xi32>], vector<16xf32>,
          %add3A_209 = arith.constant 0 : i32
          %add3A_210 = vector.broadcast %add3A_209 : i32 to vector<16xi32>
          %add3A_211 = arith.addi %add3A_210, %iota3A : vector<16xi32>
          %add3A_212 = arith.addi %sub3A_196, %add3A_211 : vector<16xi32>
          tpu.vector_store_idx %arg8[%add3A_198, %add3A_212], %broadcast_in_dim3A_3 : memref<128x128xf32, #tpu.memory_space<vmem>>[vector<16xi32>, vector<16xi32>], vector<16xf32>,
          %add3A_213 = arith.constant 16 : i32
          %add3A_214 = arith.addi %mul3A_0, %add3A_213 : i32
          %get3A_215 = arith.index_cast %add3A_180 : i32 to index
          %get3A_216 = arith.index_cast %add3A_214 : i32 to index
          %get3A_217 = tpu.vector_load %arg7[%get3A_215, %get3A_216] {strides = array<i32>} : memref<128x128xf32, #tpu.memory_space<vmem>>, vector<16xf32>,
          %add3A_218 = arith.constant 16 : i32
          %add3A_219 = vector.broadcast %add3A_218 : i32 to vector<16xi32>
          %add3A_220 = arith.addi %add3A_219, %iota3A : vector<16xi32>
          %add3A_221 = arith.addi %mul3A_193, %add3A_220 : vector<16xi32>
          %mul3A_222 = arith.mulf %get3A_217, %gather3A_186 : vector<16xf32>
          tpu.vector_store_idx %arg8[%add3A_198, %add3A_221], %mul3A_222 : memref<128x128xf32, #tpu.memory_space<vmem>>[vector<16xi32>, vector<16xi32>], vector<16xf32>,
          %add3A_223 = arith.constant 16 : i32
          %add3A_224 = vector.broadcast %add3A_223 : i32 to vector<16xi32>
          %add3A_225 = arith.addi %add3A_224, %iota3A : vector<16xi32>
          %add3A_226 = arith.addi %sub3A_196, %add3A_225 : vector<16xi32>
          tpu.vector_store_idx %arg8[%add3A_198, %add3A_226], %broadcast_in_dim3A_3 : memref<128x128xf32, #tpu.memory_space<vmem>>[vector<16xi32>, vector<16xi32>], vector<16xf32>,
          %add3A_227 = arith.constant 32 : i32
          %add3A_228 = arith.addi %mul3A_0, %add3A_227 : i32
          %get3A_229 = arith.index_cast %add3A_180 : i32 to index
          %get3A_230 = arith.index_cast %add3A_228 : i32 to index
          %get3A_231 = tpu.vector_load %arg7[%get3A_229, %get3A_230] {strides = array<i32>} : memref<128x128xf32, #tpu.memory_space<vmem>>, vector<16xf32>,
          %add3A_232 = arith.constant 32 : i32
          %add3A_233 = vector.broadcast %add3A_232 : i32 to vector<16xi32>
          %add3A_234 = arith.addi %add3A_233, %iota3A : vector<16xi32>
          %add3A_235 = arith.addi %mul3A_193, %add3A_234 : vector<16xi32>
          %mul3A_236 = arith.mulf %get3A_231, %gather3A_186 : vector<16xf32>
          tpu.vector_store_idx %arg8[%add3A_198, %add3A_235], %mul3A_236 : memref<128x128xf32, #tpu.memory_space<vmem>>[vector<16xi32>, vector<16xi32>], vector<16xf32>,
          %add3A_237 = arith.constant 32 : i32
          %add3A_238 = vector.broadcast %add3A_237 : i32 to vector<16xi32>
          %add3A_239 = arith.addi %add3A_238, %iota3A : vector<16xi32>
          %add3A_240 = arith.addi %sub3A_196, %add3A_239 : vector<16xi32>
          tpu.vector_store_idx %arg8[%add3A_198, %add3A_240], %broadcast_in_dim3A_3 : memref<128x128xf32, #tpu.memory_space<vmem>>[vector<16xi32>, vector<16xi32>], vector<16xf32>,
          %add3A_241 = arith.constant 48 : i32
          %add3A_242 = arith.addi %mul3A_0, %add3A_241 : i32
          %get3A_243 = arith.index_cast %add3A_180 : i32 to index
          %get3A_244 = arith.index_cast %add3A_242 : i32 to index
          %get3A_245 = tpu.vector_load %arg7[%get3A_243, %get3A_244] {strides = array<i32>} : memref<128x128xf32, #tpu.memory_space<vmem>>, vector<16xf32>,
          %add3A_246 = arith.constant 48 : i32
          %add3A_247 = vector.broadcast %add3A_246 : i32 to vector<16xi32>
          %add3A_248 = arith.addi %add3A_247, %iota3A : vector<16xi32>
          %add3A_249 = arith.addi %mul3A_193, %add3A_248 : vector<16xi32>
          %mul3A_250 = arith.mulf %get3A_245, %gather3A_186 : vector<16xf32>
          tpu.vector_store_idx %arg8[%add3A_198, %add3A_249], %mul3A_250 : memref<128x128xf32, #tpu.memory_space<vmem>>[vector<16xi32>, vector<16xi32>], vector<16xf32>,
          %add3A_251 = arith.constant 48 : i32
          %add3A_252 = vector.broadcast %add3A_251 : i32 to vector<16xi32>
          %add3A_253 = arith.addi %add3A_252, %iota3A : vector<16xi32>
          %add3A_254 = arith.addi %sub3A_196, %add3A_253 : vector<16xi32>
          tpu.vector_store_idx %arg8[%add3A_198, %add3A_254], %broadcast_in_dim3A_3 : memref<128x128xf32, #tpu.memory_space<vmem>>[vector<16xi32>, vector<16xi32>], vector<16xf32>,
          %shift_right_arithmetic3A_255 = arith.constant 7 : i32
          %shift_right_arithmetic3A_256 = vector.broadcast %shift_right_arithmetic3A_255 : i32 to vector<16xi32>
          %shift_right_arithmetic3A_257 = arith.shrsi %gather3A_187, %shift_right_arithmetic3A_256 : vector<16xi32>
          %and3A_258 = arith.constant 127 : i32
          %and3A_259 = vector.broadcast %and3A_258 : i32 to vector<16xi32>
          %and3A_260 = arith.andi %gather3A_187, %and3A_259 : vector<16xi32>
          %eq3A_261 = arith.constant 0 : i32
          %eq3A_262 = vector.broadcast %eq3A_261 : i32 to vector<16xi32>
          %eq3A_263 = arith.cmpi eq, %iota3A, %eq3A_262 : vector<16xi32>
          tpu.vector_store_idx %arg9[%shift_right_arithmetic3A_257, %and3A_260], %gather3A_186 masked %eq3A_263 {add = true} : memref<128x128xf32, #tpu.memory_space<vmem>>[vector<16xi32>, vector<16xi32>], vector<16xf32>, vector<16xi1>
          %mul3A_264 = arith.constant 4 : i32
          %mul3A_265 = arith.muli %scan3A_92, %mul3A_264 : i32
          %add3A_266 = arith.constant 2 : i32
          %add3A_267 = arith.addi %mul3A_265, %add3A_266 : i32
          %mul3A_268 = arith.constant 128 : i32
          %mul3A_269 = arith.muli %scan3A_56, %mul3A_268 : i32
          %add3A_270 = arith.addi %mul3A_269, %add3A_267 : i32
          %add3A_271 = vector.broadcast %add3A_270 : i32 to vector<16xi32>
          %add3A_272 = arith.addi %broadcast_in_dim3A_5, %add3A_271 : vector<16xi32>
          %gather3A_273 = tpu.vector_load_idx %arg12[%add3A_95, %add3A_272] : memref<4x1024xf32, #tpu.memory_space<vmem>>[vector<16xi32>, vector<16xi32>], vector<16xf32>,
          %gather3A_274 = tpu.vector_load_idx %arg11[%add3A_95, %add3A_272] : memref<4x1024xi32, #tpu.memory_space<vmem>>[vector<16xi32>, vector<16xi32>], vector<16xi32>,
          %and3A_275 = arith.constant 1 : i32
          %and3A_276 = vector.broadcast %and3A_275 : i32 to vector<16xi32>
          %and3A_277 = arith.andi %gather3A_274, %and3A_276 : vector<16xi32>
          %mul3A_278 = arith.constant 64 : i32
          %mul3A_279 = vector.broadcast %mul3A_278 : i32 to vector<16xi32>
          %mul3A_280 = arith.muli %and3A_277, %mul3A_279 : vector<16xi32>
          %sub3A_281 = arith.constant 64 : i32
          %sub3A_282 = vector.broadcast %sub3A_281 : i32 to vector<16xi32>
          %sub3A_283 = arith.subi %sub3A_282, %mul3A_280 : vector<16xi32>
          %add3A_284 = vector.broadcast %add3A_267 : i32 to vector<16xi32>
          %add3A_285 = arith.addi %broadcast_in_dim3A_5, %add3A_284 : vector<16xi32>
          %add3A_286 = arith.constant 0 : i32
          %add3A_287 = arith.addi %mul3A_0, %add3A_286 : i32
          %get3A_288 = arith.index_cast %add3A_267 : i32 to index
          %get3A_289 = arith.index_cast %add3A_287 : i32 to index
          %get3A_290 = tpu.vector_load %arg7[%get3A_288, %get3A_289] {strides = array<i32>} : memref<128x128xf32, #tpu.memory_space<vmem>>, vector<16xf32>,
          %add3A_291 = arith.constant 0 : i32
          %add3A_292 = vector.broadcast %add3A_291 : i32 to vector<16xi32>
          %add3A_293 = arith.addi %add3A_292, %iota3A : vector<16xi32>
          %add3A_294 = arith.addi %mul3A_280, %add3A_293 : vector<16xi32>
          %mul3A_295 = arith.mulf %get3A_290, %gather3A_273 : vector<16xf32>
          tpu.vector_store_idx %arg8[%add3A_285, %add3A_294], %mul3A_295 : memref<128x128xf32, #tpu.memory_space<vmem>>[vector<16xi32>, vector<16xi32>], vector<16xf32>,
          %add3A_296 = arith.constant 0 : i32
          %add3A_297 = vector.broadcast %add3A_296 : i32 to vector<16xi32>
          %add3A_298 = arith.addi %add3A_297, %iota3A : vector<16xi32>
          %add3A_299 = arith.addi %sub3A_283, %add3A_298 : vector<16xi32>
          tpu.vector_store_idx %arg8[%add3A_285, %add3A_299], %broadcast_in_dim3A_3 : memref<128x128xf32, #tpu.memory_space<vmem>>[vector<16xi32>, vector<16xi32>], vector<16xf32>,
          %add3A_300 = arith.constant 16 : i32
          %add3A_301 = arith.addi %mul3A_0, %add3A_300 : i32
          %get3A_302 = arith.index_cast %add3A_267 : i32 to index
          %get3A_303 = arith.index_cast %add3A_301 : i32 to index
          %get3A_304 = tpu.vector_load %arg7[%get3A_302, %get3A_303] {strides = array<i32>} : memref<128x128xf32, #tpu.memory_space<vmem>>, vector<16xf32>,
          %add3A_305 = arith.constant 16 : i32
          %add3A_306 = vector.broadcast %add3A_305 : i32 to vector<16xi32>
          %add3A_307 = arith.addi %add3A_306, %iota3A : vector<16xi32>
          %add3A_308 = arith.addi %mul3A_280, %add3A_307 : vector<16xi32>
          %mul3A_309 = arith.mulf %get3A_304, %gather3A_273 : vector<16xf32>
          tpu.vector_store_idx %arg8[%add3A_285, %add3A_308], %mul3A_309 : memref<128x128xf32, #tpu.memory_space<vmem>>[vector<16xi32>, vector<16xi32>], vector<16xf32>,
          %add3A_310 = arith.constant 16 : i32
          %add3A_311 = vector.broadcast %add3A_310 : i32 to vector<16xi32>
          %add3A_312 = arith.addi %add3A_311, %iota3A : vector<16xi32>
          %add3A_313 = arith.addi %sub3A_283, %add3A_312 : vector<16xi32>
          tpu.vector_store_idx %arg8[%add3A_285, %add3A_313], %broadcast_in_dim3A_3 : memref<128x128xf32, #tpu.memory_space<vmem>>[vector<16xi32>, vector<16xi32>], vector<16xf32>,
          %add3A_314 = arith.constant 32 : i32
          %add3A_315 = arith.addi %mul3A_0, %add3A_314 : i32
          %get3A_316 = arith.index_cast %add3A_267 : i32 to index
          %get3A_317 = arith.index_cast %add3A_315 : i32 to index
          %get3A_318 = tpu.vector_load %arg7[%get3A_316, %get3A_317] {strides = array<i32>} : memref<128x128xf32, #tpu.memory_space<vmem>>, vector<16xf32>,
          %add3A_319 = arith.constant 32 : i32
          %add3A_320 = vector.broadcast %add3A_319 : i32 to vector<16xi32>
          %add3A_321 = arith.addi %add3A_320, %iota3A : vector<16xi32>
          %add3A_322 = arith.addi %mul3A_280, %add3A_321 : vector<16xi32>
          %mul3A_323 = arith.mulf %get3A_318, %gather3A_273 : vector<16xf32>
          tpu.vector_store_idx %arg8[%add3A_285, %add3A_322], %mul3A_323 : memref<128x128xf32, #tpu.memory_space<vmem>>[vector<16xi32>, vector<16xi32>], vector<16xf32>,
          %add3A_324 = arith.constant 32 : i32
          %add3A_325 = vector.broadcast %add3A_324 : i32 to vector<16xi32>
          %add3A_326 = arith.addi %add3A_325, %iota3A : vector<16xi32>
          %add3A_327 = arith.addi %sub3A_283, %add3A_326 : vector<16xi32>
          tpu.vector_store_idx %arg8[%add3A_285, %add3A_327], %broadcast_in_dim3A_3 : memref<128x128xf32, #tpu.memory_space<vmem>>[vector<16xi32>, vector<16xi32>], vector<16xf32>,
          %add3A_328 = arith.constant 48 : i32
          %add3A_329 = arith.addi %mul3A_0, %add3A_328 : i32
          %get3A_330 = arith.index_cast %add3A_267 : i32 to index
          %get3A_331 = arith.index_cast %add3A_329 : i32 to index
          %get3A_332 = tpu.vector_load %arg7[%get3A_330, %get3A_331] {strides = array<i32>} : memref<128x128xf32, #tpu.memory_space<vmem>>, vector<16xf32>,
          %add3A_333 = arith.constant 48 : i32
          %add3A_334 = vector.broadcast %add3A_333 : i32 to vector<16xi32>
          %add3A_335 = arith.addi %add3A_334, %iota3A : vector<16xi32>
          %add3A_336 = arith.addi %mul3A_280, %add3A_335 : vector<16xi32>
          %mul3A_337 = arith.mulf %get3A_332, %gather3A_273 : vector<16xf32>
          tpu.vector_store_idx %arg8[%add3A_285, %add3A_336], %mul3A_337 : memref<128x128xf32, #tpu.memory_space<vmem>>[vector<16xi32>, vector<16xi32>], vector<16xf32>,
          %add3A_338 = arith.constant 48 : i32
          %add3A_339 = vector.broadcast %add3A_338 : i32 to vector<16xi32>
          %add3A_340 = arith.addi %add3A_339, %iota3A : vector<16xi32>
          %add3A_341 = arith.addi %sub3A_283, %add3A_340 : vector<16xi32>
          tpu.vector_store_idx %arg8[%add3A_285, %add3A_341], %broadcast_in_dim3A_3 : memref<128x128xf32, #tpu.memory_space<vmem>>[vector<16xi32>, vector<16xi32>], vector<16xf32>,
          %shift_right_arithmetic3A_342 = arith.constant 7 : i32
          %shift_right_arithmetic3A_343 = vector.broadcast %shift_right_arithmetic3A_342 : i32 to vector<16xi32>
          %shift_right_arithmetic3A_344 = arith.shrsi %gather3A_274, %shift_right_arithmetic3A_343 : vector<16xi32>
          %and3A_345 = arith.constant 127 : i32
          %and3A_346 = vector.broadcast %and3A_345 : i32 to vector<16xi32>
          %and3A_347 = arith.andi %gather3A_274, %and3A_346 : vector<16xi32>
          %eq3A_348 = arith.constant 0 : i32
          %eq3A_349 = vector.broadcast %eq3A_348 : i32 to vector<16xi32>
          %eq3A_350 = arith.cmpi eq, %iota3A, %eq3A_349 : vector<16xi32>
          tpu.vector_store_idx %arg9[%shift_right_arithmetic3A_344, %and3A_347], %gather3A_273 masked %eq3A_350 {add = true} : memref<128x128xf32, #tpu.memory_space<vmem>>[vector<16xi32>, vector<16xi32>], vector<16xf32>, vector<16xi1>
          %mul3A_351 = arith.constant 4 : i32
          %mul3A_352 = arith.muli %scan3A_92, %mul3A_351 : i32
          %add3A_353 = arith.constant 3 : i32
          %add3A_354 = arith.addi %mul3A_352, %add3A_353 : i32
          %mul3A_355 = arith.constant 128 : i32
          %mul3A_356 = arith.muli %scan3A_56, %mul3A_355 : i32
          %add3A_357 = arith.addi %mul3A_356, %add3A_354 : i32
          %add3A_358 = vector.broadcast %add3A_357 : i32 to vector<16xi32>
          %add3A_359 = arith.addi %broadcast_in_dim3A_5, %add3A_358 : vector<16xi32>
          %gather3A_360 = tpu.vector_load_idx %arg12[%add3A_95, %add3A_359] : memref<4x1024xf32, #tpu.memory_space<vmem>>[vector<16xi32>, vector<16xi32>], vector<16xf32>,
          %gather3A_361 = tpu.vector_load_idx %arg11[%add3A_95, %add3A_359] : memref<4x1024xi32, #tpu.memory_space<vmem>>[vector<16xi32>, vector<16xi32>], vector<16xi32>,
          %and3A_362 = arith.constant 1 : i32
          %and3A_363 = vector.broadcast %and3A_362 : i32 to vector<16xi32>
          %and3A_364 = arith.andi %gather3A_361, %and3A_363 : vector<16xi32>
          %mul3A_365 = arith.constant 64 : i32
          %mul3A_366 = vector.broadcast %mul3A_365 : i32 to vector<16xi32>
          %mul3A_367 = arith.muli %and3A_364, %mul3A_366 : vector<16xi32>
          %sub3A_368 = arith.constant 64 : i32
          %sub3A_369 = vector.broadcast %sub3A_368 : i32 to vector<16xi32>
          %sub3A_370 = arith.subi %sub3A_369, %mul3A_367 : vector<16xi32>
          %add3A_371 = vector.broadcast %add3A_354 : i32 to vector<16xi32>
          %add3A_372 = arith.addi %broadcast_in_dim3A_5, %add3A_371 : vector<16xi32>
          %add3A_373 = arith.constant 0 : i32
          %add3A_374 = arith.addi %mul3A_0, %add3A_373 : i32
          %get3A_375 = arith.index_cast %add3A_354 : i32 to index
          %get3A_376 = arith.index_cast %add3A_374 : i32 to index
          %get3A_377 = tpu.vector_load %arg7[%get3A_375, %get3A_376] {strides = array<i32>} : memref<128x128xf32, #tpu.memory_space<vmem>>, vector<16xf32>,
          %add3A_378 = arith.constant 0 : i32
          %add3A_379 = vector.broadcast %add3A_378 : i32 to vector<16xi32>
          %add3A_380 = arith.addi %add3A_379, %iota3A : vector<16xi32>
          %add3A_381 = arith.addi %mul3A_367, %add3A_380 : vector<16xi32>
          %mul3A_382 = arith.mulf %get3A_377, %gather3A_360 : vector<16xf32>
          tpu.vector_store_idx %arg8[%add3A_372, %add3A_381], %mul3A_382 : memref<128x128xf32, #tpu.memory_space<vmem>>[vector<16xi32>, vector<16xi32>], vector<16xf32>,
          %add3A_383 = arith.constant 0 : i32
          %add3A_384 = vector.broadcast %add3A_383 : i32 to vector<16xi32>
          %add3A_385 = arith.addi %add3A_384, %iota3A : vector<16xi32>
          %add3A_386 = arith.addi %sub3A_370, %add3A_385 : vector<16xi32>
          tpu.vector_store_idx %arg8[%add3A_372, %add3A_386], %broadcast_in_dim3A_3 : memref<128x128xf32, #tpu.memory_space<vmem>>[vector<16xi32>, vector<16xi32>], vector<16xf32>,
          %add3A_387 = arith.constant 16 : i32
          %add3A_388 = arith.addi %mul3A_0, %add3A_387 : i32
          %get3A_389 = arith.index_cast %add3A_354 : i32 to index
          %get3A_390 = arith.index_cast %add3A_388 : i32 to index
          %get3A_391 = tpu.vector_load %arg7[%get3A_389, %get3A_390] {strides = array<i32>} : memref<128x128xf32, #tpu.memory_space<vmem>>, vector<16xf32>,
          %add3A_392 = arith.constant 16 : i32
          %add3A_393 = vector.broadcast %add3A_392 : i32 to vector<16xi32>
          %add3A_394 = arith.addi %add3A_393, %iota3A : vector<16xi32>
          %add3A_395 = arith.addi %mul3A_367, %add3A_394 : vector<16xi32>
          %mul3A_396 = arith.mulf %get3A_391, %gather3A_360 : vector<16xf32>
          tpu.vector_store_idx %arg8[%add3A_372, %add3A_395], %mul3A_396 : memref<128x128xf32, #tpu.memory_space<vmem>>[vector<16xi32>, vector<16xi32>], vector<16xf32>,
          %add3A_397 = arith.constant 16 : i32
          %add3A_398 = vector.broadcast %add3A_397 : i32 to vector<16xi32>
          %add3A_399 = arith.addi %add3A_398, %iota3A : vector<16xi32>
          %add3A_400 = arith.addi %sub3A_370, %add3A_399 : vector<16xi32>
          tpu.vector_store_idx %arg8[%add3A_372, %add3A_400], %broadcast_in_dim3A_3 : memref<128x128xf32, #tpu.memory_space<vmem>>[vector<16xi32>, vector<16xi32>], vector<16xf32>,
          %add3A_401 = arith.constant 32 : i32
          %add3A_402 = arith.addi %mul3A_0, %add3A_401 : i32
          %get3A_403 = arith.index_cast %add3A_354 : i32 to index
          %get3A_404 = arith.index_cast %add3A_402 : i32 to index
          %get3A_405 = tpu.vector_load %arg7[%get3A_403, %get3A_404] {strides = array<i32>} : memref<128x128xf32, #tpu.memory_space<vmem>>, vector<16xf32>,
          %add3A_406 = arith.constant 32 : i32
          %add3A_407 = vector.broadcast %add3A_406 : i32 to vector<16xi32>
          %add3A_408 = arith.addi %add3A_407, %iota3A : vector<16xi32>
          %add3A_409 = arith.addi %mul3A_367, %add3A_408 : vector<16xi32>
          %mul3A_410 = arith.mulf %get3A_405, %gather3A_360 : vector<16xf32>
          tpu.vector_store_idx %arg8[%add3A_372, %add3A_409], %mul3A_410 : memref<128x128xf32, #tpu.memory_space<vmem>>[vector<16xi32>, vector<16xi32>], vector<16xf32>,
          %add3A_411 = arith.constant 32 : i32
          %add3A_412 = vector.broadcast %add3A_411 : i32 to vector<16xi32>
          %add3A_413 = arith.addi %add3A_412, %iota3A : vector<16xi32>
          %add3A_414 = arith.addi %sub3A_370, %add3A_413 : vector<16xi32>
          tpu.vector_store_idx %arg8[%add3A_372, %add3A_414], %broadcast_in_dim3A_3 : memref<128x128xf32, #tpu.memory_space<vmem>>[vector<16xi32>, vector<16xi32>], vector<16xf32>,
          %add3A_415 = arith.constant 48 : i32
          %add3A_416 = arith.addi %mul3A_0, %add3A_415 : i32
          %get3A_417 = arith.index_cast %add3A_354 : i32 to index
          %get3A_418 = arith.index_cast %add3A_416 : i32 to index
          %get3A_419 = tpu.vector_load %arg7[%get3A_417, %get3A_418] {strides = array<i32>} : memref<128x128xf32, #tpu.memory_space<vmem>>, vector<16xf32>,
          %add3A_420 = arith.constant 48 : i32
          %add3A_421 = vector.broadcast %add3A_420 : i32 to vector<16xi32>
          %add3A_422 = arith.addi %add3A_421, %iota3A : vector<16xi32>
          %add3A_423 = arith.addi %mul3A_367, %add3A_422 : vector<16xi32>
          %mul3A_424 = arith.mulf %get3A_419, %gather3A_360 : vector<16xf32>
          tpu.vector_store_idx %arg8[%add3A_372, %add3A_423], %mul3A_424 : memref<128x128xf32, #tpu.memory_space<vmem>>[vector<16xi32>, vector<16xi32>], vector<16xf32>,
          %add3A_425 = arith.constant 48 : i32
          %add3A_426 = vector.broadcast %add3A_425 : i32 to vector<16xi32>
          %add3A_427 = arith.addi %add3A_426, %iota3A : vector<16xi32>
          %add3A_428 = arith.addi %sub3A_370, %add3A_427 : vector<16xi32>
          tpu.vector_store_idx %arg8[%add3A_372, %add3A_428], %broadcast_in_dim3A_3 : memref<128x128xf32, #tpu.memory_space<vmem>>[vector<16xi32>, vector<16xi32>], vector<16xf32>,
          %shift_right_arithmetic3A_429 = arith.constant 7 : i32
          %shift_right_arithmetic3A_430 = vector.broadcast %shift_right_arithmetic3A_429 : i32 to vector<16xi32>
          %shift_right_arithmetic3A_431 = arith.shrsi %gather3A_361, %shift_right_arithmetic3A_430 : vector<16xi32>
          %and3A_432 = arith.constant 127 : i32
          %and3A_433 = vector.broadcast %and3A_432 : i32 to vector<16xi32>
          %and3A_434 = arith.andi %gather3A_361, %and3A_433 : vector<16xi32>
          %eq3A_435 = arith.constant 0 : i32
          %eq3A_436 = vector.broadcast %eq3A_435 : i32 to vector<16xi32>
          %eq3A_437 = arith.cmpi eq, %iota3A, %eq3A_436 : vector<16xi32>
          tpu.vector_store_idx %arg9[%shift_right_arithmetic3A_431, %and3A_434], %gather3A_360 masked %eq3A_437 {add = true} : memref<128x128xf32, #tpu.memory_space<vmem>>[vector<16xi32>, vector<16xi32>], vector<16xf32>, vector<16xi1>
        }
        %scan3A_81 = arith.constant 32 : i32
        %add3A_82 = arith.constant 16 : i32
        %add3A_83 = arith.addi %add3A_82, %scan3A_56 : i32
        "tpu.region"() ({
          %run_scoped3A_92 = tpu.sem_alloc : memref<!tpu.dma_semaphore, #tpu.memory_space<semaphore_mem>>
          %dma_start3A = arith.constant 0 : i32
          %dma_start3A_93 = tpu.memref_slice %arg10[%add3A_83, %dma_start3A] : memref<32x128xi32, #tpu.memory_space<vmem>> -> memref<1x128xi32, #tpu.memory_space<vmem>>
          %dma_start3A_94 = tpu.memref_squeeze %dma_start3A_93 : memref<1x128xi32, #tpu.memory_space<vmem>> -> memref<128xi32, #tpu.memory_space<vmem>>
          %dma_start3A_95 = arith.constant 0 : i32
          %dma_start3A_96 = arith.constant 0 : i32
          %dma_start3A_97 = tpu.memref_slice %arg5[%dma_start3A_95, %dma_start3A_96] : memref<8192x128xf32, #tpu.memory_space<vmem_shared>> -> memref<8192x128xf32, #tpu.memory_space<vmem_shared>>
          tpu.enqueue_indirect_dma source(%arg8 : memref<128x128xf32, #tpu.memory_space<vmem>>) target(%dma_start3A_97 : memref<8192x128xf32, #tpu.memory_space<vmem_shared>>) offsets(%dma_start3A_94 : memref<128xi32, #tpu.memory_space<vmem>>) semaphore(%run_scoped3A_92 : memref<!tpu.dma_semaphore, #tpu.memory_space<semaphore_mem>>) {add = true}
          %dma_wait3A = arith.constant 0 : i32
          %dma_wait3A_98 = tpu.memref_slice %arg10[%add3A_83, %dma_wait3A] : memref<32x128xi32, #tpu.memory_space<vmem>> -> memref<1x128xi32, #tpu.memory_space<vmem>>
          %dma_wait3A_99 = tpu.memref_squeeze %dma_wait3A_98 : memref<1x128xi32, #tpu.memory_space<vmem>> -> memref<128xi32, #tpu.memory_space<vmem>>
          %dma_wait3A_100 = arith.constant 0 : i32
          %dma_wait3A_101 = arith.constant 0 : i32
          %dma_wait3A_102 = tpu.memref_slice %arg5[%dma_wait3A_100, %dma_wait3A_101] : memref<8192x128xf32, #tpu.memory_space<vmem_shared>> -> memref<8192x128xf32, #tpu.memory_space<vmem_shared>>
          tpu.wait_indirect_dma semaphore(%run_scoped3A_92 : memref<!tpu.dma_semaphore, #tpu.memory_space<semaphore_mem>>) src(%arg8 : memref<128x128xf32, #tpu.memory_space<vmem>>) dst(%dma_wait3A_102 : memref<8192x128xf32, #tpu.memory_space<vmem_shared>>)
          tpu.yield
        }) : () -> ()
        %scan3A_84 = arith.constant 0 : i32
        %scan3A_85 = arith.constant 0 : i32
        %scan3A_86 = arith.constant 32 : i32
        %scan3A_87 = arith.addi %scan3A_85, %scan3A_86 : i32
        %scan3A_88 = arith.constant 1 : i32
        scf.for %scan3A_92 = %scan3A_85 to %scan3A_87 step %scan3A_88  : i32 {
          %add3A_93 = arith.constant 3 : i32
          %add3A_94 = vector.broadcast %add3A_93 : i32 to vector<16xi32>
          %add3A_95 = arith.addi %broadcast_in_dim3A_5, %add3A_94 : vector<16xi32>
          %mul3A_96 = arith.constant 4 : i32
          %mul3A_97 = arith.muli %scan3A_92, %mul3A_96 : i32
          %add3A_98 = arith.constant 0 : i32
          %add3A_99 = arith.addi %mul3A_97, %add3A_98 : i32
          %mul3A_100 = arith.constant 128 : i32
          %mul3A_101 = arith.muli %scan3A_56, %mul3A_100 : i32
          %add3A_102 = arith.addi %mul3A_101, %add3A_99 : i32
          %add3A_103 = vector.broadcast %add3A_102 : i32 to vector<16xi32>
          %add3A_104 = arith.addi %broadcast_in_dim3A_5, %add3A_103 : vector<16xi32>
          %gather3A = tpu.vector_load_idx %arg12[%add3A_95, %add3A_104] : memref<4x1024xf32, #tpu.memory_space<vmem>>[vector<16xi32>, vector<16xi32>], vector<16xf32>,
          %gather3A_105 = tpu.vector_load_idx %arg11[%add3A_95, %add3A_104] : memref<4x1024xi32, #tpu.memory_space<vmem>>[vector<16xi32>, vector<16xi32>], vector<16xi32>,
          %and3A = arith.constant 1 : i32
          %and3A_106 = vector.broadcast %and3A : i32 to vector<16xi32>
          %and3A_107 = arith.andi %gather3A_105, %and3A_106 : vector<16xi32>
          %mul3A_108 = arith.constant 64 : i32
          %mul3A_109 = vector.broadcast %mul3A_108 : i32 to vector<16xi32>
          %mul3A_110 = arith.muli %and3A_107, %mul3A_109 : vector<16xi32>
          %sub3A = arith.constant 64 : i32
          %sub3A_111 = vector.broadcast %sub3A : i32 to vector<16xi32>
          %sub3A_112 = arith.subi %sub3A_111, %mul3A_110 : vector<16xi32>
          %add3A_113 = vector.broadcast %add3A_99 : i32 to vector<16xi32>
          %add3A_114 = arith.addi %broadcast_in_dim3A_5, %add3A_113 : vector<16xi32>
          %add3A_115 = arith.constant 0 : i32
          %add3A_116 = arith.addi %mul3A_0, %add3A_115 : i32
          %get3A = arith.index_cast %add3A_99 : i32 to index
          %get3A_117 = arith.index_cast %add3A_116 : i32 to index
          %get3A_118 = tpu.vector_load %arg7[%get3A, %get3A_117] {strides = array<i32>} : memref<128x128xf32, #tpu.memory_space<vmem>>, vector<16xf32>,
          %add3A_119 = arith.constant 0 : i32
          %add3A_120 = vector.broadcast %add3A_119 : i32 to vector<16xi32>
          %add3A_121 = arith.addi %add3A_120, %iota3A : vector<16xi32>
          %add3A_122 = arith.addi %mul3A_110, %add3A_121 : vector<16xi32>
          %mul3A_123 = arith.mulf %get3A_118, %gather3A : vector<16xf32>
          tpu.vector_store_idx %arg8[%add3A_114, %add3A_122], %mul3A_123 : memref<128x128xf32, #tpu.memory_space<vmem>>[vector<16xi32>, vector<16xi32>], vector<16xf32>,
          %add3A_124 = arith.constant 0 : i32
          %add3A_125 = vector.broadcast %add3A_124 : i32 to vector<16xi32>
          %add3A_126 = arith.addi %add3A_125, %iota3A : vector<16xi32>
          %add3A_127 = arith.addi %sub3A_112, %add3A_126 : vector<16xi32>
          tpu.vector_store_idx %arg8[%add3A_114, %add3A_127], %broadcast_in_dim3A_3 : memref<128x128xf32, #tpu.memory_space<vmem>>[vector<16xi32>, vector<16xi32>], vector<16xf32>,
          %add3A_128 = arith.constant 16 : i32
          %add3A_129 = arith.addi %mul3A_0, %add3A_128 : i32
          %get3A_130 = arith.index_cast %add3A_99 : i32 to index
          %get3A_131 = arith.index_cast %add3A_129 : i32 to index
          %get3A_132 = tpu.vector_load %arg7[%get3A_130, %get3A_131] {strides = array<i32>} : memref<128x128xf32, #tpu.memory_space<vmem>>, vector<16xf32>,
          %add3A_133 = arith.constant 16 : i32
          %add3A_134 = vector.broadcast %add3A_133 : i32 to vector<16xi32>
          %add3A_135 = arith.addi %add3A_134, %iota3A : vector<16xi32>
          %add3A_136 = arith.addi %mul3A_110, %add3A_135 : vector<16xi32>
          %mul3A_137 = arith.mulf %get3A_132, %gather3A : vector<16xf32>
          tpu.vector_store_idx %arg8[%add3A_114, %add3A_136], %mul3A_137 : memref<128x128xf32, #tpu.memory_space<vmem>>[vector<16xi32>, vector<16xi32>], vector<16xf32>,
          %add3A_138 = arith.constant 16 : i32
          %add3A_139 = vector.broadcast %add3A_138 : i32 to vector<16xi32>
          %add3A_140 = arith.addi %add3A_139, %iota3A : vector<16xi32>
          %add3A_141 = arith.addi %sub3A_112, %add3A_140 : vector<16xi32>
          tpu.vector_store_idx %arg8[%add3A_114, %add3A_141], %broadcast_in_dim3A_3 : memref<128x128xf32, #tpu.memory_space<vmem>>[vector<16xi32>, vector<16xi32>], vector<16xf32>,
          %add3A_142 = arith.constant 32 : i32
          %add3A_143 = arith.addi %mul3A_0, %add3A_142 : i32
          %get3A_144 = arith.index_cast %add3A_99 : i32 to index
          %get3A_145 = arith.index_cast %add3A_143 : i32 to index
          %get3A_146 = tpu.vector_load %arg7[%get3A_144, %get3A_145] {strides = array<i32>} : memref<128x128xf32, #tpu.memory_space<vmem>>, vector<16xf32>,
          %add3A_147 = arith.constant 32 : i32
          %add3A_148 = vector.broadcast %add3A_147 : i32 to vector<16xi32>
          %add3A_149 = arith.addi %add3A_148, %iota3A : vector<16xi32>
          %add3A_150 = arith.addi %mul3A_110, %add3A_149 : vector<16xi32>
          %mul3A_151 = arith.mulf %get3A_146, %gather3A : vector<16xf32>
          tpu.vector_store_idx %arg8[%add3A_114, %add3A_150], %mul3A_151 : memref<128x128xf32, #tpu.memory_space<vmem>>[vector<16xi32>, vector<16xi32>], vector<16xf32>,
          %add3A_152 = arith.constant 32 : i32
          %add3A_153 = vector.broadcast %add3A_152 : i32 to vector<16xi32>
          %add3A_154 = arith.addi %add3A_153, %iota3A : vector<16xi32>
          %add3A_155 = arith.addi %sub3A_112, %add3A_154 : vector<16xi32>
          tpu.vector_store_idx %arg8[%add3A_114, %add3A_155], %broadcast_in_dim3A_3 : memref<128x128xf32, #tpu.memory_space<vmem>>[vector<16xi32>, vector<16xi32>], vector<16xf32>,
          %add3A_156 = arith.constant 48 : i32
          %add3A_157 = arith.addi %mul3A_0, %add3A_156 : i32
          %get3A_158 = arith.index_cast %add3A_99 : i32 to index
          %get3A_159 = arith.index_cast %add3A_157 : i32 to index
          %get3A_160 = tpu.vector_load %arg7[%get3A_158, %get3A_159] {strides = array<i32>} : memref<128x128xf32, #tpu.memory_space<vmem>>, vector<16xf32>,
          %add3A_161 = arith.constant 48 : i32
          %add3A_162 = vector.broadcast %add3A_161 : i32 to vector<16xi32>
          %add3A_163 = arith.addi %add3A_162, %iota3A : vector<16xi32>
          %add3A_164 = arith.addi %mul3A_110, %add3A_163 : vector<16xi32>
          %mul3A_165 = arith.mulf %get3A_160, %gather3A : vector<16xf32>
          tpu.vector_store_idx %arg8[%add3A_114, %add3A_164], %mul3A_165 : memref<128x128xf32, #tpu.memory_space<vmem>>[vector<16xi32>, vector<16xi32>], vector<16xf32>,
          %add3A_166 = arith.constant 48 : i32
          %add3A_167 = vector.broadcast %add3A_166 : i32 to vector<16xi32>
          %add3A_168 = arith.addi %add3A_167, %iota3A : vector<16xi32>
          %add3A_169 = arith.addi %sub3A_112, %add3A_168 : vector<16xi32>
          tpu.vector_store_idx %arg8[%add3A_114, %add3A_169], %broadcast_in_dim3A_3 : memref<128x128xf32, #tpu.memory_space<vmem>>[vector<16xi32>, vector<16xi32>], vector<16xf32>,
          %shift_right_arithmetic3A = arith.constant 7 : i32
          %shift_right_arithmetic3A_170 = vector.broadcast %shift_right_arithmetic3A : i32 to vector<16xi32>
          %shift_right_arithmetic3A_171 = arith.shrsi %gather3A_105, %shift_right_arithmetic3A_170 : vector<16xi32>
          %and3A_172 = arith.constant 127 : i32
          %and3A_173 = vector.broadcast %and3A_172 : i32 to vector<16xi32>
          %and3A_174 = arith.andi %gather3A_105, %and3A_173 : vector<16xi32>
          %eq3A = arith.constant 0 : i32
          %eq3A_175 = vector.broadcast %eq3A : i32 to vector<16xi32>
          %eq3A_176 = arith.cmpi eq, %iota3A, %eq3A_175 : vector<16xi32>
          tpu.vector_store_idx %arg9[%shift_right_arithmetic3A_171, %and3A_174], %gather3A masked %eq3A_176 {add = true} : memref<128x128xf32, #tpu.memory_space<vmem>>[vector<16xi32>, vector<16xi32>], vector<16xf32>, vector<16xi1>
          %mul3A_177 = arith.constant 4 : i32
          %mul3A_178 = arith.muli %scan3A_92, %mul3A_177 : i32
          %add3A_179 = arith.constant 1 : i32
          %add3A_180 = arith.addi %mul3A_178, %add3A_179 : i32
          %mul3A_181 = arith.constant 128 : i32
          %mul3A_182 = arith.muli %scan3A_56, %mul3A_181 : i32
          %add3A_183 = arith.addi %mul3A_182, %add3A_180 : i32
          %add3A_184 = vector.broadcast %add3A_183 : i32 to vector<16xi32>
          %add3A_185 = arith.addi %broadcast_in_dim3A_5, %add3A_184 : vector<16xi32>
          %gather3A_186 = tpu.vector_load_idx %arg12[%add3A_95, %add3A_185] : memref<4x1024xf32, #tpu.memory_space<vmem>>[vector<16xi32>, vector<16xi32>], vector<16xf32>,
          %gather3A_187 = tpu.vector_load_idx %arg11[%add3A_95, %add3A_185] : memref<4x1024xi32, #tpu.memory_space<vmem>>[vector<16xi32>, vector<16xi32>], vector<16xi32>,
          %and3A_188 = arith.constant 1 : i32
          %and3A_189 = vector.broadcast %and3A_188 : i32 to vector<16xi32>
          %and3A_190 = arith.andi %gather3A_187, %and3A_189 : vector<16xi32>
          %mul3A_191 = arith.constant 64 : i32
          %mul3A_192 = vector.broadcast %mul3A_191 : i32 to vector<16xi32>
          %mul3A_193 = arith.muli %and3A_190, %mul3A_192 : vector<16xi32>
          %sub3A_194 = arith.constant 64 : i32
          %sub3A_195 = vector.broadcast %sub3A_194 : i32 to vector<16xi32>
          %sub3A_196 = arith.subi %sub3A_195, %mul3A_193 : vector<16xi32>
          %add3A_197 = vector.broadcast %add3A_180 : i32 to vector<16xi32>
          %add3A_198 = arith.addi %broadcast_in_dim3A_5, %add3A_197 : vector<16xi32>
          %add3A_199 = arith.constant 0 : i32
          %add3A_200 = arith.addi %mul3A_0, %add3A_199 : i32
          %get3A_201 = arith.index_cast %add3A_180 : i32 to index
          %get3A_202 = arith.index_cast %add3A_200 : i32 to index
          %get3A_203 = tpu.vector_load %arg7[%get3A_201, %get3A_202] {strides = array<i32>} : memref<128x128xf32, #tpu.memory_space<vmem>>, vector<16xf32>,
          %add3A_204 = arith.constant 0 : i32
          %add3A_205 = vector.broadcast %add3A_204 : i32 to vector<16xi32>
          %add3A_206 = arith.addi %add3A_205, %iota3A : vector<16xi32>
          %add3A_207 = arith.addi %mul3A_193, %add3A_206 : vector<16xi32>
          %mul3A_208 = arith.mulf %get3A_203, %gather3A_186 : vector<16xf32>
          tpu.vector_store_idx %arg8[%add3A_198, %add3A_207], %mul3A_208 : memref<128x128xf32, #tpu.memory_space<vmem>>[vector<16xi32>, vector<16xi32>], vector<16xf32>,
          %add3A_209 = arith.constant 0 : i32
          %add3A_210 = vector.broadcast %add3A_209 : i32 to vector<16xi32>
          %add3A_211 = arith.addi %add3A_210, %iota3A : vector<16xi32>
          %add3A_212 = arith.addi %sub3A_196, %add3A_211 : vector<16xi32>
          tpu.vector_store_idx %arg8[%add3A_198, %add3A_212], %broadcast_in_dim3A_3 : memref<128x128xf32, #tpu.memory_space<vmem>>[vector<16xi32>, vector<16xi32>], vector<16xf32>,
          %add3A_213 = arith.constant 16 : i32
          %add3A_214 = arith.addi %mul3A_0, %add3A_213 : i32
          %get3A_215 = arith.index_cast %add3A_180 : i32 to index
          %get3A_216 = arith.index_cast %add3A_214 : i32 to index
          %get3A_217 = tpu.vector_load %arg7[%get3A_215, %get3A_216] {strides = array<i32>} : memref<128x128xf32, #tpu.memory_space<vmem>>, vector<16xf32>,
          %add3A_218 = arith.constant 16 : i32
          %add3A_219 = vector.broadcast %add3A_218 : i32 to vector<16xi32>
          %add3A_220 = arith.addi %add3A_219, %iota3A : vector<16xi32>
          %add3A_221 = arith.addi %mul3A_193, %add3A_220 : vector<16xi32>
          %mul3A_222 = arith.mulf %get3A_217, %gather3A_186 : vector<16xf32>
          tpu.vector_store_idx %arg8[%add3A_198, %add3A_221], %mul3A_222 : memref<128x128xf32, #tpu.memory_space<vmem>>[vector<16xi32>, vector<16xi32>], vector<16xf32>,
          %add3A_223 = arith.constant 16 : i32
          %add3A_224 = vector.broadcast %add3A_223 : i32 to vector<16xi32>
          %add3A_225 = arith.addi %add3A_224, %iota3A : vector<16xi32>
          %add3A_226 = arith.addi %sub3A_196, %add3A_225 : vector<16xi32>
          tpu.vector_store_idx %arg8[%add3A_198, %add3A_226], %broadcast_in_dim3A_3 : memref<128x128xf32, #tpu.memory_space<vmem>>[vector<16xi32>, vector<16xi32>], vector<16xf32>,
          %add3A_227 = arith.constant 32 : i32
          %add3A_228 = arith.addi %mul3A_0, %add3A_227 : i32
          %get3A_229 = arith.index_cast %add3A_180 : i32 to index
          %get3A_230 = arith.index_cast %add3A_228 : i32 to index
          %get3A_231 = tpu.vector_load %arg7[%get3A_229, %get3A_230] {strides = array<i32>} : memref<128x128xf32, #tpu.memory_space<vmem>>, vector<16xf32>,
          %add3A_232 = arith.constant 32 : i32
          %add3A_233 = vector.broadcast %add3A_232 : i32 to vector<16xi32>
          %add3A_234 = arith.addi %add3A_233, %iota3A : vector<16xi32>
          %add3A_235 = arith.addi %mul3A_193, %add3A_234 : vector<16xi32>
          %mul3A_236 = arith.mulf %get3A_231, %gather3A_186 : vector<16xf32>
          tpu.vector_store_idx %arg8[%add3A_198, %add3A_235], %mul3A_236 : memref<128x128xf32, #tpu.memory_space<vmem>>[vector<16xi32>, vector<16xi32>], vector<16xf32>,
          %add3A_237 = arith.constant 32 : i32
          %add3A_238 = vector.broadcast %add3A_237 : i32 to vector<16xi32>
          %add3A_239 = arith.addi %add3A_238, %iota3A : vector<16xi32>
          %add3A_240 = arith.addi %sub3A_196, %add3A_239 : vector<16xi32>
          tpu.vector_store_idx %arg8[%add3A_198, %add3A_240], %broadcast_in_dim3A_3 : memref<128x128xf32, #tpu.memory_space<vmem>>[vector<16xi32>, vector<16xi32>], vector<16xf32>,
          %add3A_241 = arith.constant 48 : i32
          %add3A_242 = arith.addi %mul3A_0, %add3A_241 : i32
          %get3A_243 = arith.index_cast %add3A_180 : i32 to index
          %get3A_244 = arith.index_cast %add3A_242 : i32 to index
          %get3A_245 = tpu.vector_load %arg7[%get3A_243, %get3A_244] {strides = array<i32>} : memref<128x128xf32, #tpu.memory_space<vmem>>, vector<16xf32>,
          %add3A_246 = arith.constant 48 : i32
          %add3A_247 = vector.broadcast %add3A_246 : i32 to vector<16xi32>
          %add3A_248 = arith.addi %add3A_247, %iota3A : vector<16xi32>
          %add3A_249 = arith.addi %mul3A_193, %add3A_248 : vector<16xi32>
          %mul3A_250 = arith.mulf %get3A_245, %gather3A_186 : vector<16xf32>
          tpu.vector_store_idx %arg8[%add3A_198, %add3A_249], %mul3A_250 : memref<128x128xf32, #tpu.memory_space<vmem>>[vector<16xi32>, vector<16xi32>], vector<16xf32>,
          %add3A_251 = arith.constant 48 : i32
          %add3A_252 = vector.broadcast %add3A_251 : i32 to vector<16xi32>
          %add3A_253 = arith.addi %add3A_252, %iota3A : vector<16xi32>
          %add3A_254 = arith.addi %sub3A_196, %add3A_253 : vector<16xi32>
          tpu.vector_store_idx %arg8[%add3A_198, %add3A_254], %broadcast_in_dim3A_3 : memref<128x128xf32, #tpu.memory_space<vmem>>[vector<16xi32>, vector<16xi32>], vector<16xf32>,
          %shift_right_arithmetic3A_255 = arith.constant 7 : i32
          %shift_right_arithmetic3A_256 = vector.broadcast %shift_right_arithmetic3A_255 : i32 to vector<16xi32>
          %shift_right_arithmetic3A_257 = arith.shrsi %gather3A_187, %shift_right_arithmetic3A_256 : vector<16xi32>
          %and3A_258 = arith.constant 127 : i32
          %and3A_259 = vector.broadcast %and3A_258 : i32 to vector<16xi32>
          %and3A_260 = arith.andi %gather3A_187, %and3A_259 : vector<16xi32>
          %eq3A_261 = arith.constant 0 : i32
          %eq3A_262 = vector.broadcast %eq3A_261 : i32 to vector<16xi32>
          %eq3A_263 = arith.cmpi eq, %iota3A, %eq3A_262 : vector<16xi32>
          tpu.vector_store_idx %arg9[%shift_right_arithmetic3A_257, %and3A_260], %gather3A_186 masked %eq3A_263 {add = true} : memref<128x128xf32, #tpu.memory_space<vmem>>[vector<16xi32>, vector<16xi32>], vector<16xf32>, vector<16xi1>
          %mul3A_264 = arith.constant 4 : i32
          %mul3A_265 = arith.muli %scan3A_92, %mul3A_264 : i32
          %add3A_266 = arith.constant 2 : i32
          %add3A_267 = arith.addi %mul3A_265, %add3A_266 : i32
          %mul3A_268 = arith.constant 128 : i32
          %mul3A_269 = arith.muli %scan3A_56, %mul3A_268 : i32
          %add3A_270 = arith.addi %mul3A_269, %add3A_267 : i32
          %add3A_271 = vector.broadcast %add3A_270 : i32 to vector<16xi32>
          %add3A_272 = arith.addi %broadcast_in_dim3A_5, %add3A_271 : vector<16xi32>
          %gather3A_273 = tpu.vector_load_idx %arg12[%add3A_95, %add3A_272] : memref<4x1024xf32, #tpu.memory_space<vmem>>[vector<16xi32>, vector<16xi32>], vector<16xf32>,
          %gather3A_274 = tpu.vector_load_idx %arg11[%add3A_95, %add3A_272] : memref<4x1024xi32, #tpu.memory_space<vmem>>[vector<16xi32>, vector<16xi32>], vector<16xi32>,
          %and3A_275 = arith.constant 1 : i32
          %and3A_276 = vector.broadcast %and3A_275 : i32 to vector<16xi32>
          %and3A_277 = arith.andi %gather3A_274, %and3A_276 : vector<16xi32>
          %mul3A_278 = arith.constant 64 : i32
          %mul3A_279 = vector.broadcast %mul3A_278 : i32 to vector<16xi32>
          %mul3A_280 = arith.muli %and3A_277, %mul3A_279 : vector<16xi32>
          %sub3A_281 = arith.constant 64 : i32
          %sub3A_282 = vector.broadcast %sub3A_281 : i32 to vector<16xi32>
          %sub3A_283 = arith.subi %sub3A_282, %mul3A_280 : vector<16xi32>
          %add3A_284 = vector.broadcast %add3A_267 : i32 to vector<16xi32>
          %add3A_285 = arith.addi %broadcast_in_dim3A_5, %add3A_284 : vector<16xi32>
          %add3A_286 = arith.constant 0 : i32
          %add3A_287 = arith.addi %mul3A_0, %add3A_286 : i32
          %get3A_288 = arith.index_cast %add3A_267 : i32 to index
          %get3A_289 = arith.index_cast %add3A_287 : i32 to index
          %get3A_290 = tpu.vector_load %arg7[%get3A_288, %get3A_289] {strides = array<i32>} : memref<128x128xf32, #tpu.memory_space<vmem>>, vector<16xf32>,
          %add3A_291 = arith.constant 0 : i32
          %add3A_292 = vector.broadcast %add3A_291 : i32 to vector<16xi32>
          %add3A_293 = arith.addi %add3A_292, %iota3A : vector<16xi32>
          %add3A_294 = arith.addi %mul3A_280, %add3A_293 : vector<16xi32>
          %mul3A_295 = arith.mulf %get3A_290, %gather3A_273 : vector<16xf32>
          tpu.vector_store_idx %arg8[%add3A_285, %add3A_294], %mul3A_295 : memref<128x128xf32, #tpu.memory_space<vmem>>[vector<16xi32>, vector<16xi32>], vector<16xf32>,
          %add3A_296 = arith.constant 0 : i32
          %add3A_297 = vector.broadcast %add3A_296 : i32 to vector<16xi32>
          %add3A_298 = arith.addi %add3A_297, %iota3A : vector<16xi32>
          %add3A_299 = arith.addi %sub3A_283, %add3A_298 : vector<16xi32>
          tpu.vector_store_idx %arg8[%add3A_285, %add3A_299], %broadcast_in_dim3A_3 : memref<128x128xf32, #tpu.memory_space<vmem>>[vector<16xi32>, vector<16xi32>], vector<16xf32>,
          %add3A_300 = arith.constant 16 : i32
          %add3A_301 = arith.addi %mul3A_0, %add3A_300 : i32
          %get3A_302 = arith.index_cast %add3A_267 : i32 to index
          %get3A_303 = arith.index_cast %add3A_301 : i32 to index
          %get3A_304 = tpu.vector_load %arg7[%get3A_302, %get3A_303] {strides = array<i32>} : memref<128x128xf32, #tpu.memory_space<vmem>>, vector<16xf32>,
          %add3A_305 = arith.constant 16 : i32
          %add3A_306 = vector.broadcast %add3A_305 : i32 to vector<16xi32>
          %add3A_307 = arith.addi %add3A_306, %iota3A : vector<16xi32>
          %add3A_308 = arith.addi %mul3A_280, %add3A_307 : vector<16xi32>
          %mul3A_309 = arith.mulf %get3A_304, %gather3A_273 : vector<16xf32>
          tpu.vector_store_idx %arg8[%add3A_285, %add3A_308], %mul3A_309 : memref<128x128xf32, #tpu.memory_space<vmem>>[vector<16xi32>, vector<16xi32>], vector<16xf32>,
          %add3A_310 = arith.constant 16 : i32
          %add3A_311 = vector.broadcast %add3A_310 : i32 to vector<16xi32>
          %add3A_312 = arith.addi %add3A_311, %iota3A : vector<16xi32>
          %add3A_313 = arith.addi %sub3A_283, %add3A_312 : vector<16xi32>
          tpu.vector_store_idx %arg8[%add3A_285, %add3A_313], %broadcast_in_dim3A_3 : memref<128x128xf32, #tpu.memory_space<vmem>>[vector<16xi32>, vector<16xi32>], vector<16xf32>,
          %add3A_314 = arith.constant 32 : i32
          %add3A_315 = arith.addi %mul3A_0, %add3A_314 : i32
          %get3A_316 = arith.index_cast %add3A_267 : i32 to index
          %get3A_317 = arith.index_cast %add3A_315 : i32 to index
          %get3A_318 = tpu.vector_load %arg7[%get3A_316, %get3A_317] {strides = array<i32>} : memref<128x128xf32, #tpu.memory_space<vmem>>, vector<16xf32>,
          %add3A_319 = arith.constant 32 : i32
          %add3A_320 = vector.broadcast %add3A_319 : i32 to vector<16xi32>
          %add3A_321 = arith.addi %add3A_320, %iota3A : vector<16xi32>
          %add3A_322 = arith.addi %mul3A_280, %add3A_321 : vector<16xi32>
          %mul3A_323 = arith.mulf %get3A_318, %gather3A_273 : vector<16xf32>
          tpu.vector_store_idx %arg8[%add3A_285, %add3A_322], %mul3A_323 : memref<128x128xf32, #tpu.memory_space<vmem>>[vector<16xi32>, vector<16xi32>], vector<16xf32>,
          %add3A_324 = arith.constant 32 : i32
          %add3A_325 = vector.broadcast %add3A_324 : i32 to vector<16xi32>
          %add3A_326 = arith.addi %add3A_325, %iota3A : vector<16xi32>
          %add3A_327 = arith.addi %sub3A_283, %add3A_326 : vector<16xi32>
          tpu.vector_store_idx %arg8[%add3A_285, %add3A_327], %broadcast_in_dim3A_3 : memref<128x128xf32, #tpu.memory_space<vmem>>[vector<16xi32>, vector<16xi32>], vector<16xf32>,
          %add3A_328 = arith.constant 48 : i32
          %add3A_329 = arith.addi %mul3A_0, %add3A_328 : i32
          %get3A_330 = arith.index_cast %add3A_267 : i32 to index
          %get3A_331 = arith.index_cast %add3A_329 : i32 to index
          %get3A_332 = tpu.vector_load %arg7[%get3A_330, %get3A_331] {strides = array<i32>} : memref<128x128xf32, #tpu.memory_space<vmem>>, vector<16xf32>,
          %add3A_333 = arith.constant 48 : i32
          %add3A_334 = vector.broadcast %add3A_333 : i32 to vector<16xi32>
          %add3A_335 = arith.addi %add3A_334, %iota3A : vector<16xi32>
          %add3A_336 = arith.addi %mul3A_280, %add3A_335 : vector<16xi32>
          %mul3A_337 = arith.mulf %get3A_332, %gather3A_273 : vector<16xf32>
          tpu.vector_store_idx %arg8[%add3A_285, %add3A_336], %mul3A_337 : memref<128x128xf32, #tpu.memory_space<vmem>>[vector<16xi32>, vector<16xi32>], vector<16xf32>,
          %add3A_338 = arith.constant 48 : i32
          %add3A_339 = vector.broadcast %add3A_338 : i32 to vector<16xi32>
          %add3A_340 = arith.addi %add3A_339, %iota3A : vector<16xi32>
          %add3A_341 = arith.addi %sub3A_283, %add3A_340 : vector<16xi32>
          tpu.vector_store_idx %arg8[%add3A_285, %add3A_341], %broadcast_in_dim3A_3 : memref<128x128xf32, #tpu.memory_space<vmem>>[vector<16xi32>, vector<16xi32>], vector<16xf32>,
          %shift_right_arithmetic3A_342 = arith.constant 7 : i32
          %shift_right_arithmetic3A_343 = vector.broadcast %shift_right_arithmetic3A_342 : i32 to vector<16xi32>
          %shift_right_arithmetic3A_344 = arith.shrsi %gather3A_274, %shift_right_arithmetic3A_343 : vector<16xi32>
          %and3A_345 = arith.constant 127 : i32
          %and3A_346 = vector.broadcast %and3A_345 : i32 to vector<16xi32>
          %and3A_347 = arith.andi %gather3A_274, %and3A_346 : vector<16xi32>
          %eq3A_348 = arith.constant 0 : i32
          %eq3A_349 = vector.broadcast %eq3A_348 : i32 to vector<16xi32>
          %eq3A_350 = arith.cmpi eq, %iota3A, %eq3A_349 : vector<16xi32>
          tpu.vector_store_idx %arg9[%shift_right_arithmetic3A_344, %and3A_347], %gather3A_273 masked %eq3A_350 {add = true} : memref<128x128xf32, #tpu.memory_space<vmem>>[vector<16xi32>, vector<16xi32>], vector<16xf32>, vector<16xi1>
          %mul3A_351 = arith.constant 4 : i32
          %mul3A_352 = arith.muli %scan3A_92, %mul3A_351 : i32
          %add3A_353 = arith.constant 3 : i32
          %add3A_354 = arith.addi %mul3A_352, %add3A_353 : i32
          %mul3A_355 = arith.constant 128 : i32
          %mul3A_356 = arith.muli %scan3A_56, %mul3A_355 : i32
          %add3A_357 = arith.addi %mul3A_356, %add3A_354 : i32
          %add3A_358 = vector.broadcast %add3A_357 : i32 to vector<16xi32>
          %add3A_359 = arith.addi %broadcast_in_dim3A_5, %add3A_358 : vector<16xi32>
          %gather3A_360 = tpu.vector_load_idx %arg12[%add3A_95, %add3A_359] : memref<4x1024xf32, #tpu.memory_space<vmem>>[vector<16xi32>, vector<16xi32>], vector<16xf32>,
          %gather3A_361 = tpu.vector_load_idx %arg11[%add3A_95, %add3A_359] : memref<4x1024xi32, #tpu.memory_space<vmem>>[vector<16xi32>, vector<16xi32>], vector<16xi32>,
          %and3A_362 = arith.constant 1 : i32
          %and3A_363 = vector.broadcast %and3A_362 : i32 to vector<16xi32>
          %and3A_364 = arith.andi %gather3A_361, %and3A_363 : vector<16xi32>
          %mul3A_365 = arith.constant 64 : i32
          %mul3A_366 = vector.broadcast %mul3A_365 : i32 to vector<16xi32>
          %mul3A_367 = arith.muli %and3A_364, %mul3A_366 : vector<16xi32>
          %sub3A_368 = arith.constant 64 : i32
          %sub3A_369 = vector.broadcast %sub3A_368 : i32 to vector<16xi32>
          %sub3A_370 = arith.subi %sub3A_369, %mul3A_367 : vector<16xi32>
          %add3A_371 = vector.broadcast %add3A_354 : i32 to vector<16xi32>
          %add3A_372 = arith.addi %broadcast_in_dim3A_5, %add3A_371 : vector<16xi32>
          %add3A_373 = arith.constant 0 : i32
          %add3A_374 = arith.addi %mul3A_0, %add3A_373 : i32
          %get3A_375 = arith.index_cast %add3A_354 : i32 to index
          %get3A_376 = arith.index_cast %add3A_374 : i32 to index
          %get3A_377 = tpu.vector_load %arg7[%get3A_375, %get3A_376] {strides = array<i32>} : memref<128x128xf32, #tpu.memory_space<vmem>>, vector<16xf32>,
          %add3A_378 = arith.constant 0 : i32
          %add3A_379 = vector.broadcast %add3A_378 : i32 to vector<16xi32>
          %add3A_380 = arith.addi %add3A_379, %iota3A : vector<16xi32>
          %add3A_381 = arith.addi %mul3A_367, %add3A_380 : vector<16xi32>
          %mul3A_382 = arith.mulf %get3A_377, %gather3A_360 : vector<16xf32>
          tpu.vector_store_idx %arg8[%add3A_372, %add3A_381], %mul3A_382 : memref<128x128xf32, #tpu.memory_space<vmem>>[vector<16xi32>, vector<16xi32>], vector<16xf32>,
          %add3A_383 = arith.constant 0 : i32
          %add3A_384 = vector.broadcast %add3A_383 : i32 to vector<16xi32>
          %add3A_385 = arith.addi %add3A_384, %iota3A : vector<16xi32>
          %add3A_386 = arith.addi %sub3A_370, %add3A_385 : vector<16xi32>
          tpu.vector_store_idx %arg8[%add3A_372, %add3A_386], %broadcast_in_dim3A_3 : memref<128x128xf32, #tpu.memory_space<vmem>>[vector<16xi32>, vector<16xi32>], vector<16xf32>,
          %add3A_387 = arith.constant 16 : i32
          %add3A_388 = arith.addi %mul3A_0, %add3A_387 : i32
          %get3A_389 = arith.index_cast %add3A_354 : i32 to index
          %get3A_390 = arith.index_cast %add3A_388 : i32 to index
          %get3A_391 = tpu.vector_load %arg7[%get3A_389, %get3A_390] {strides = array<i32>} : memref<128x128xf32, #tpu.memory_space<vmem>>, vector<16xf32>,
          %add3A_392 = arith.constant 16 : i32
          %add3A_393 = vector.broadcast %add3A_392 : i32 to vector<16xi32>
          %add3A_394 = arith.addi %add3A_393, %iota3A : vector<16xi32>
          %add3A_395 = arith.addi %mul3A_367, %add3A_394 : vector<16xi32>
          %mul3A_396 = arith.mulf %get3A_391, %gather3A_360 : vector<16xf32>
          tpu.vector_store_idx %arg8[%add3A_372, %add3A_395], %mul3A_396 : memref<128x128xf32, #tpu.memory_space<vmem>>[vector<16xi32>, vector<16xi32>], vector<16xf32>,
          %add3A_397 = arith.constant 16 : i32
          %add3A_398 = vector.broadcast %add3A_397 : i32 to vector<16xi32>
          %add3A_399 = arith.addi %add3A_398, %iota3A : vector<16xi32>
          %add3A_400 = arith.addi %sub3A_370, %add3A_399 : vector<16xi32>
          tpu.vector_store_idx %arg8[%add3A_372, %add3A_400], %broadcast_in_dim3A_3 : memref<128x128xf32, #tpu.memory_space<vmem>>[vector<16xi32>, vector<16xi32>], vector<16xf32>,
          %add3A_401 = arith.constant 32 : i32
          %add3A_402 = arith.addi %mul3A_0, %add3A_401 : i32
          %get3A_403 = arith.index_cast %add3A_354 : i32 to index
          %get3A_404 = arith.index_cast %add3A_402 : i32 to index
          %get3A_405 = tpu.vector_load %arg7[%get3A_403, %get3A_404] {strides = array<i32>} : memref<128x128xf32, #tpu.memory_space<vmem>>, vector<16xf32>,
          %add3A_406 = arith.constant 32 : i32
          %add3A_407 = vector.broadcast %add3A_406 : i32 to vector<16xi32>
          %add3A_408 = arith.addi %add3A_407, %iota3A : vector<16xi32>
          %add3A_409 = arith.addi %mul3A_367, %add3A_408 : vector<16xi32>
          %mul3A_410 = arith.mulf %get3A_405, %gather3A_360 : vector<16xf32>
          tpu.vector_store_idx %arg8[%add3A_372, %add3A_409], %mul3A_410 : memref<128x128xf32, #tpu.memory_space<vmem>>[vector<16xi32>, vector<16xi32>], vector<16xf32>,
          %add3A_411 = arith.constant 32 : i32
          %add3A_412 = vector.broadcast %add3A_411 : i32 to vector<16xi32>
          %add3A_413 = arith.addi %add3A_412, %iota3A : vector<16xi32>
          %add3A_414 = arith.addi %sub3A_370, %add3A_413 : vector<16xi32>
          tpu.vector_store_idx %arg8[%add3A_372, %add3A_414], %broadcast_in_dim3A_3 : memref<128x128xf32, #tpu.memory_space<vmem>>[vector<16xi32>, vector<16xi32>], vector<16xf32>,
          %add3A_415 = arith.constant 48 : i32
          %add3A_416 = arith.addi %mul3A_0, %add3A_415 : i32
          %get3A_417 = arith.index_cast %add3A_354 : i32 to index
          %get3A_418 = arith.index_cast %add3A_416 : i32 to index
          %get3A_419 = tpu.vector_load %arg7[%get3A_417, %get3A_418] {strides = array<i32>} : memref<128x128xf32, #tpu.memory_space<vmem>>, vector<16xf32>,
          %add3A_420 = arith.constant 48 : i32
          %add3A_421 = vector.broadcast %add3A_420 : i32 to vector<16xi32>
          %add3A_422 = arith.addi %add3A_421, %iota3A : vector<16xi32>
          %add3A_423 = arith.addi %mul3A_367, %add3A_422 : vector<16xi32>
          %mul3A_424 = arith.mulf %get3A_419, %gather3A_360 : vector<16xf32>
          tpu.vector_store_idx %arg8[%add3A_372, %add3A_423], %mul3A_424 : memref<128x128xf32, #tpu.memory_space<vmem>>[vector<16xi32>, vector<16xi32>], vector<16xf32>,
          %add3A_425 = arith.constant 48 : i32
          %add3A_426 = vector.broadcast %add3A_425 : i32 to vector<16xi32>
          %add3A_427 = arith.addi %add3A_426, %iota3A : vector<16xi32>
          %add3A_428 = arith.addi %sub3A_370, %add3A_427 : vector<16xi32>
          tpu.vector_store_idx %arg8[%add3A_372, %add3A_428], %broadcast_in_dim3A_3 : memref<128x128xf32, #tpu.memory_space<vmem>>[vector<16xi32>, vector<16xi32>], vector<16xf32>,
          %shift_right_arithmetic3A_429 = arith.constant 7 : i32
          %shift_right_arithmetic3A_430 = vector.broadcast %shift_right_arithmetic3A_429 : i32 to vector<16xi32>
          %shift_right_arithmetic3A_431 = arith.shrsi %gather3A_361, %shift_right_arithmetic3A_430 : vector<16xi32>
          %and3A_432 = arith.constant 127 : i32
          %and3A_433 = vector.broadcast %and3A_432 : i32 to vector<16xi32>
          %and3A_434 = arith.andi %gather3A_361, %and3A_433 : vector<16xi32>
          %eq3A_435 = arith.constant 0 : i32
          %eq3A_436 = vector.broadcast %eq3A_435 : i32 to vector<16xi32>
          %eq3A_437 = arith.cmpi eq, %iota3A, %eq3A_436 : vector<16xi32>
          tpu.vector_store_idx %arg9[%shift_right_arithmetic3A_431, %and3A_434], %gather3A_360 masked %eq3A_437 {add = true} : memref<128x128xf32, #tpu.memory_space<vmem>>[vector<16xi32>, vector<16xi32>], vector<16xf32>, vector<16xi1>
        }
        %scan3A_89 = arith.constant 32 : i32
        %add3A_90 = arith.constant 24 : i32
        %add3A_91 = arith.addi %add3A_90, %scan3A_56 : i32
        "tpu.region"() ({
          %run_scoped3A_92 = tpu.sem_alloc : memref<!tpu.dma_semaphore, #tpu.memory_space<semaphore_mem>>
          %dma_start3A = arith.constant 0 : i32
          %dma_start3A_93 = tpu.memref_slice %arg10[%add3A_91, %dma_start3A] : memref<32x128xi32, #tpu.memory_space<vmem>> -> memref<1x128xi32, #tpu.memory_space<vmem>>
          %dma_start3A_94 = tpu.memref_squeeze %dma_start3A_93 : memref<1x128xi32, #tpu.memory_space<vmem>> -> memref<128xi32, #tpu.memory_space<vmem>>
          %dma_start3A_95 = arith.constant 0 : i32
          %dma_start3A_96 = arith.constant 0 : i32
          %dma_start3A_97 = tpu.memref_slice %arg5[%dma_start3A_95, %dma_start3A_96] : memref<8192x128xf32, #tpu.memory_space<vmem_shared>> -> memref<8192x128xf32, #tpu.memory_space<vmem_shared>>
          tpu.enqueue_indirect_dma source(%arg8 : memref<128x128xf32, #tpu.memory_space<vmem>>) target(%dma_start3A_97 : memref<8192x128xf32, #tpu.memory_space<vmem_shared>>) offsets(%dma_start3A_94 : memref<128xi32, #tpu.memory_space<vmem>>) semaphore(%run_scoped3A_92 : memref<!tpu.dma_semaphore, #tpu.memory_space<semaphore_mem>>) {add = true}
          %dma_wait3A = arith.constant 0 : i32
          %dma_wait3A_98 = tpu.memref_slice %arg10[%add3A_91, %dma_wait3A] : memref<32x128xi32, #tpu.memory_space<vmem>> -> memref<1x128xi32, #tpu.memory_space<vmem>>
          %dma_wait3A_99 = tpu.memref_squeeze %dma_wait3A_98 : memref<1x128xi32, #tpu.memory_space<vmem>> -> memref<128xi32, #tpu.memory_space<vmem>>
          %dma_wait3A_100 = arith.constant 0 : i32
          %dma_wait3A_101 = arith.constant 0 : i32
          %dma_wait3A_102 = tpu.memref_slice %arg5[%dma_wait3A_100, %dma_wait3A_101] : memref<8192x128xf32, #tpu.memory_space<vmem_shared>> -> memref<8192x128xf32, #tpu.memory_space<vmem_shared>>
          tpu.wait_indirect_dma semaphore(%run_scoped3A_92 : memref<!tpu.dma_semaphore, #tpu.memory_space<semaphore_mem>>) src(%arg8 : memref<128x128xf32, #tpu.memory_space<vmem>>) dst(%dma_wait3A_102 : memref<8192x128xf32, #tpu.memory_space<vmem_shared>>)
          tpu.yield
        }) : () -> ()
      }
      %scan3A_46 = arith.constant 8 : i32
      "tpu.region"() ({
        %run_scoped3A_56 = tpu.sem_alloc : memref<!tpu.dma_semaphore, #tpu.memory_space<semaphore_mem>>
        %dma_start3A = arith.constant 0 : i32
        %dma_start3A_57 = arith.constant 0 : i32
        %dma_start3A_58 = tpu.memref_slice %arg6[%dma_start3A, %dma_start3A_57] : memref<128x128xf32, #tpu.memory_space<vmem_shared>> -> memref<128x128xf32, #tpu.memory_space<vmem_shared>>
        tpu.enqueue_indirect_dma source(%arg9 : memref<128x128xf32, #tpu.memory_space<vmem>>) target(%dma_start3A_58 : memref<128x128xf32, #tpu.memory_space<vmem_shared>>) offsets(%arg15 : memref<128xi32, #tpu.memory_space<vmem>>) semaphore(%run_scoped3A_56 : memref<!tpu.dma_semaphore, #tpu.memory_space<semaphore_mem>>) {add = true}
        %dma_wait3A = arith.constant 0 : i32
        %dma_wait3A_59 = arith.constant 0 : i32
        %dma_wait3A_60 = tpu.memref_slice %arg6[%dma_wait3A, %dma_wait3A_59] : memref<128x128xf32, #tpu.memory_space<vmem_shared>> -> memref<128x128xf32, #tpu.memory_space<vmem_shared>>
        tpu.wait_indirect_dma semaphore(%run_scoped3A_56 : memref<!tpu.dma_semaphore, #tpu.memory_space<semaphore_mem>>) src(%arg9 : memref<128x128xf32, #tpu.memory_space<vmem>>) dst(%dma_wait3A_60 : memref<128x128xf32, #tpu.memory_space<vmem_shared>>)
        tpu.yield
      }) : () -> ()
      %barrier3A_47 = arith.constant 0 : index
      tpu.barrier barrier_id(%barrier3A_47)
      %mul3A_48 = arith.constant 8 : i32
      %mul3A_49 = arith.muli %arg1, %mul3A_48 : i32
      "tpu.region"() ({
        %run_scoped3A_56 = tpu.sem_alloc : memref<!tpu.dma_semaphore, #tpu.memory_space<semaphore_mem>>
        %dma_start3A = arith.constant 0 : i32
        %dma_start3A_57 = arith.constant 0 : i32
        %dma_start3A_58 = tpu.memref_slice %arg9[%dma_start3A, %dma_start3A_57] : memref<128x128xf32, #tpu.memory_space<vmem>> -> memref<8x128xf32, #tpu.memory_space<vmem>>
        %dma_start3A_59 = arith.constant 0 : i32
        %dma_start3A_60 = tpu.memref_slice %arg6[%mul3A_49, %dma_start3A_59] : memref<128x128xf32, #tpu.memory_space<vmem_shared>> -> memref<8x128xf32, #tpu.memory_space<vmem_shared>>
        %dma_start3A_61 = arith.constant 0 : i32
        %dma_start3A_62 = arith.constant 0 : i32
        %dma_start3A_63 = tpu.memref_slice %arg9[%dma_start3A_61, %dma_start3A_62] : memref<128x128xf32, #tpu.memory_space<vmem>> -> memref<8x128xf32, #tpu.memory_space<vmem>>
        %dma_start3A_64 = arith.constant 0 : i32
        %dma_start3A_65 = tpu.memref_slice %arg6[%mul3A_49, %dma_start3A_64] : memref<128x128xf32, #tpu.memory_space<vmem_shared>> -> memref<8x128xf32, #tpu.memory_space<vmem_shared>>
        tpu.enqueue_dma source(%dma_start3A_65 : memref<8x128xf32, #tpu.memory_space<vmem_shared>>) target(%dma_start3A_63 : memref<8x128xf32, #tpu.memory_space<vmem>>) target_semaphore(%run_scoped3A_56 : memref<!tpu.dma_semaphore, #tpu.memory_space<semaphore_mem>>)
        %dma_wait3A = arith.constant 0 : i32
        %dma_wait3A_66 = arith.constant 0 : i32
        %dma_wait3A_67 = tpu.memref_slice %arg9[%dma_wait3A, %dma_wait3A_66] : memref<128x128xf32, #tpu.memory_space<vmem>> -> memref<8x128xf32, #tpu.memory_space<vmem>>
        %dma_wait3A_68 = arith.constant 0 : i32
        %dma_wait3A_69 = tpu.memref_slice %arg6[%mul3A_49, %dma_wait3A_68] : memref<128x128xf32, #tpu.memory_space<vmem_shared>> -> memref<8x128xf32, #tpu.memory_space<vmem_shared>>
        %dma_wait3A_70 = arith.constant 0 : i32
        %dma_wait3A_71 = arith.constant 0 : i32
        %dma_wait3A_72 = tpu.memref_slice %arg9[%dma_wait3A_70, %dma_wait3A_71] : memref<128x128xf32, #tpu.memory_space<vmem>> -> memref<8x128xf32, #tpu.memory_space<vmem>>
        %dma_wait3A_73 = arith.constant 0 : i32
        %dma_wait3A_74 = tpu.memref_slice %arg6[%mul3A_49, %dma_wait3A_73] : memref<128x128xf32, #tpu.memory_space<vmem_shared>> -> memref<8x128xf32, #tpu.memory_space<vmem_shared>>
        tpu.wait_dma2 semaphore(%run_scoped3A_56 : memref<!tpu.dma_semaphore, #tpu.memory_space<semaphore_mem>>) src(%dma_wait3A_74 : memref<8x128xf32, #tpu.memory_space<vmem_shared>>) dst(%dma_wait3A_72 : memref<8x128xf32, #tpu.memory_space<vmem>>)
        tpu.yield
      }) : () -> ()
      %scan3A_50 = arith.constant 0 : i32
      %scan3A_51 = arith.constant 0 : i32
      %scan3A_52 = arith.constant 8 : i32
      %scan3A_53 = arith.addi %scan3A_51, %scan3A_52 : i32
      %scan3A_54 = arith.constant 1 : i32
      scf.for %scan3A_56 = %scan3A_51 to %scan3A_53 step %scan3A_54  : i32 {
        %jit3A = arith.constant 2 : i32
        %div3A = arith.divsi %mul3A_2, %jit3A : i32
        %sign3A = arith.constant 0 : i32
        %sign3A_57 = arith.cmpi sgt, %mul3A_2, %sign3A : i32
        %sign3A_58 = arith.extui %sign3A_57 : i1 to i32
        %sign3A_59 = arith.constant 0 : i32
        %sign3A_60 = arith.cmpi slt, %mul3A_2, %sign3A_59 : i32
        %sign3A_61 = arith.extui %sign3A_60 : i1 to i32
        %sign3A_62 = arith.subi %sign3A_58, %sign3A_61 : i32
        %sign3A_63 = arith.constant 0 : i32
        %sign3A_64 = arith.cmpi sgt, %jit3A, %sign3A_63 : i32
        %sign3A_65 = arith.extui %sign3A_64 : i1 to i32
        %sign3A_66 = arith.constant 0 : i32
        %sign3A_67 = arith.cmpi slt, %jit3A, %sign3A_66 : i32
        %sign3A_68 = arith.extui %sign3A_67 : i1 to i32
        %sign3A_69 = arith.subi %sign3A_65, %sign3A_68 : i32
        %ne3A = arith.cmpi ne, %sign3A_62, %sign3A_69 : i32
        %rem3A = arith.remsi %mul3A_2, %jit3A : i32
        %ne3A_70 = arith.constant 0 : i32
        %ne3A_71 = arith.cmpi ne, %rem3A, %ne3A_70 : i32
        %and3A = arith.andi %ne3A, %ne3A_71 : i1
        %sub3A = arith.constant 1 : i32
        %sub3A_72 = arith.subi %div3A, %sub3A : i32
        %select_n3A = arith.select %and3A, %sub3A_72, %div3A : i32
        %mul3A_73 = arith.constant 64 : i32
        %mul3A_74 = arith.muli %scan3A_56, %mul3A_73 : i32
        %add3A = arith.addi %select_n3A, %mul3A_74 : i32
        "tpu.region"() ({
          %run_scoped3A_115 = tpu.sem_alloc : memref<!tpu.dma_semaphore, #tpu.memory_space<semaphore_mem>>
          %dma_start3A = arith.constant 0 : i32
          %dma_start3A_116 = arith.constant 0 : i32
          %dma_start3A_117 = tpu.memref_slice %arg7[%dma_start3A, %dma_start3A_116] : memref<128x128xf32, #tpu.memory_space<vmem>> -> memref<64x128xf32, #tpu.memory_space<vmem>>
          %dma_start3A_118 = arith.constant 0 : i32
          %dma_start3A_119 = tpu.memref_slice %arg5[%add3A, %dma_start3A_118] : memref<8192x128xf32, #tpu.memory_space<vmem_shared>> -> memref<64x128xf32, #tpu.memory_space<vmem_shared>>
          %dma_start3A_120 = arith.constant 0 : i32
          %dma_start3A_121 = arith.constant 0 : i32
          %dma_start3A_122 = tpu.memref_slice %arg7[%dma_start3A_120, %dma_start3A_121] : memref<128x128xf32, #tpu.memory_space<vmem>> -> memref<64x128xf32, #tpu.memory_space<vmem>>
          %dma_start3A_123 = arith.constant 0 : i32
          %dma_start3A_124 = tpu.memref_slice %arg5[%add3A, %dma_start3A_123] : memref<8192x128xf32, #tpu.memory_space<vmem_shared>> -> memref<64x128xf32, #tpu.memory_space<vmem_shared>>
          tpu.enqueue_dma source(%dma_start3A_124 : memref<64x128xf32, #tpu.memory_space<vmem_shared>>) target(%dma_start3A_122 : memref<64x128xf32, #tpu.memory_space<vmem>>) target_semaphore(%run_scoped3A_115 : memref<!tpu.dma_semaphore, #tpu.memory_space<semaphore_mem>>)
          %dma_wait3A = arith.constant 0 : i32
          %dma_wait3A_125 = arith.constant 0 : i32
          %dma_wait3A_126 = tpu.memref_slice %arg7[%dma_wait3A, %dma_wait3A_125] : memref<128x128xf32, #tpu.memory_space<vmem>> -> memref<64x128xf32, #tpu.memory_space<vmem>>
          %dma_wait3A_127 = arith.constant 0 : i32
          %dma_wait3A_128 = tpu.memref_slice %arg5[%add3A, %dma_wait3A_127] : memref<8192x128xf32, #tpu.memory_space<vmem_shared>> -> memref<64x128xf32, #tpu.memory_space<vmem_shared>>
          %dma_wait3A_129 = arith.constant 0 : i32
          %dma_wait3A_130 = arith.constant 0 : i32
          %dma_wait3A_131 = tpu.memref_slice %arg7[%dma_wait3A_129, %dma_wait3A_130] : memref<128x128xf32, #tpu.memory_space<vmem>> -> memref<64x128xf32, #tpu.memory_space<vmem>>
          %dma_wait3A_132 = arith.constant 0 : i32
          %dma_wait3A_133 = tpu.memref_slice %arg5[%add3A, %dma_wait3A_132] : memref<8192x128xf32, #tpu.memory_space<vmem_shared>> -> memref<64x128xf32, #tpu.memory_space<vmem_shared>>
          tpu.wait_dma2 semaphore(%run_scoped3A_115 : memref<!tpu.dma_semaphore, #tpu.memory_space<semaphore_mem>>) src(%dma_wait3A_133 : memref<64x128xf32, #tpu.memory_space<vmem_shared>>) dst(%dma_wait3A_131 : memref<64x128xf32, #tpu.memory_space<vmem>>)
          tpu.yield
        }) : () -> ()
        %scan3A_75 = arith.constant 0 : i32
        %scan3A_76 = arith.constant 0 : i32
        %scan3A_77 = arith.constant 8 : i32
        %scan3A_78 = arith.addi %scan3A_76, %scan3A_77 : i32
        %scan3A_79 = arith.constant 1 : i32
        scf.for %scan3A_115 = %scan3A_76 to %scan3A_78 step %scan3A_79  : i32 {
          %mul3A_116 = arith.constant 16 : i32
          %mul3A_117 = arith.muli %scan3A_115, %mul3A_116 : i32
          %get3A = arith.index_cast %scan3A_56 : i32 to index
          %get3A_118 = arith.index_cast %mul3A_117 : i32 to index
          %get3A_119 = tpu.vector_load %arg9[%get3A, %get3A_118] {strides = array<i32>} : memref<128x128xf32, #tpu.memory_space<vmem>>, vector<16xf32>,
          %eq3A = arith.constant 0.000000e+00 : f32
          %eq3A_120 = vector.broadcast %eq3A : f32 to vector<16xf32>
          %eq3A_121 = arith.cmpf oeq, %get3A_119, %eq3A_120 : vector<16xf32>
          %div3A_122 = arith.constant 1.000000e+00 : f32
          %div3A_123 = vector.broadcast %div3A_122 : f32 to vector<16xf32>
          %div3A_124 = arith.divf %div3A_123, %get3A_119 : vector<16xf32>
          %jit3A_125 = arith.constant 1.000000e+00 : f32
          %broadcast_in_dim3A_126 = vector.broadcast %jit3A_125 : f32 to vector<16xf32>
          %select_n3A_127 = arith.select %eq3A_121, %broadcast_in_dim3A_126, %div3A_124 : vector<16xi1>, vector<16xf32>
          %mul3A_128 = arith.constant 16 : i32
          %mul3A_129 = arith.muli %scan3A_115, %mul3A_128 : i32
          %swap3A = arith.index_cast %mul3A_129 : i32 to index
          %swap3A_130 = tpu.vector_load %arg14[%swap3A] {strides = array<i32>} : memref<128xf32, #tpu.memory_space<vmem>>, vector<16xf32>,
          tpu.vector_store %arg14[%swap3A], %select_n3A_127 {strides = array<i32>} : memref<128xf32, #tpu.memory_space<vmem>>, vector<16xf32>,
        }
        %scan3A_80 = arith.constant 8 : i32
        %scan3A_81 = arith.constant 0 : i32
        %scan3A_82 = arith.constant 0 : i32
        %scan3A_83 = arith.constant 64 : i32
        %scan3A_84 = arith.addi %scan3A_82, %scan3A_83 : i32
        %scan3A_85 = arith.constant 1 : i32
        scf.for %scan3A_115 = %scan3A_82 to %scan3A_84 step %scan3A_85  : i32 {
          %mul3A_116 = arith.constant 2 : i32
          %mul3A_117 = arith.muli %mul3A_116, %scan3A_115 : i32
          %add3A_118 = arith.constant 0 : i32
          %add3A_119 = arith.addi %mul3A_117, %add3A_118 : i32
          %add3A_120 = vector.broadcast %add3A_119 : i32 to vector<16xi32>
          %add3A_121 = arith.addi %broadcast_in_dim3A_5, %add3A_120 : vector<16xi32>
          %gather3A = tpu.vector_load_idx %arg14[%add3A_121] : memref<128xf32, #tpu.memory_space<vmem>>[vector<16xi32>], vector<16xf32>,
          %get3A = arith.index_cast %scan3A_115 : i32 to index
          %get3A_122 = arith.constant 0 : index
          %get3A_123 = tpu.vector_load %arg7[%get3A, %get3A_122] {strides = array<i32>} : memref<128x128xf32, #tpu.memory_space<vmem>>, vector<16xf32>,
          %mul3A_124 = arith.mulf %get3A_123, %gather3A : vector<16xf32>
          %swap3A = arith.index_cast %scan3A_115 : i32 to index
          %swap3A_125 = arith.constant 0 : index
          %swap3A_126 = tpu.vector_load %arg7[%swap3A, %swap3A_125] {strides = array<i32>} : memref<128x128xf32, #tpu.memory_space<vmem>>, vector<16xf32>,
          tpu.vector_store %arg7[%swap3A, %swap3A_125], %mul3A_124 {strides = array<i32>} : memref<128x128xf32, #tpu.memory_space<vmem>>, vector<16xf32>,
          %get3A_127 = arith.index_cast %scan3A_115 : i32 to index
          %get3A_128 = arith.constant 16 : index
          %get3A_129 = tpu.vector_load %arg7[%get3A_127, %get3A_128] {strides = array<i32>} : memref<128x128xf32, #tpu.memory_space<vmem>>, vector<16xf32>,
          %mul3A_130 = arith.mulf %get3A_129, %gather3A : vector<16xf32>
          %swap3A_131 = arith.index_cast %scan3A_115 : i32 to index
          %swap3A_132 = arith.constant 16 : index
          %swap3A_133 = tpu.vector_load %arg7[%swap3A_131, %swap3A_132] {strides = array<i32>} : memref<128x128xf32, #tpu.memory_space<vmem>>, vector<16xf32>,
          tpu.vector_store %arg7[%swap3A_131, %swap3A_132], %mul3A_130 {strides = array<i32>} : memref<128x128xf32, #tpu.memory_space<vmem>>, vector<16xf32>,
          %get3A_134 = arith.index_cast %scan3A_115 : i32 to index
          %get3A_135 = arith.constant 32 : index
          %get3A_136 = tpu.vector_load %arg7[%get3A_134, %get3A_135] {strides = array<i32>} : memref<128x128xf32, #tpu.memory_space<vmem>>, vector<16xf32>,
          %mul3A_137 = arith.mulf %get3A_136, %gather3A : vector<16xf32>
          %swap3A_138 = arith.index_cast %scan3A_115 : i32 to index
          %swap3A_139 = arith.constant 32 : index
          %swap3A_140 = tpu.vector_load %arg7[%swap3A_138, %swap3A_139] {strides = array<i32>} : memref<128x128xf32, #tpu.memory_space<vmem>>, vector<16xf32>,
          tpu.vector_store %arg7[%swap3A_138, %swap3A_139], %mul3A_137 {strides = array<i32>} : memref<128x128xf32, #tpu.memory_space<vmem>>, vector<16xf32>,
          %get3A_141 = arith.index_cast %scan3A_115 : i32 to index
          %get3A_142 = arith.constant 48 : index
          %get3A_143 = tpu.vector_load %arg7[%get3A_141, %get3A_142] {strides = array<i32>} : memref<128x128xf32, #tpu.memory_space<vmem>>, vector<16xf32>,
          %mul3A_144 = arith.mulf %get3A_143, %gather3A : vector<16xf32>
          %swap3A_145 = arith.index_cast %scan3A_115 : i32 to index
          %swap3A_146 = arith.constant 48 : index
          %swap3A_147 = tpu.vector_load %arg7[%swap3A_145, %swap3A_146] {strides = array<i32>} : memref<128x128xf32, #tpu.memory_space<vmem>>, vector<16xf32>,
          tpu.vector_store %arg7[%swap3A_145, %swap3A_146], %mul3A_144 {strides = array<i32>} : memref<128x128xf32, #tpu.memory_space<vmem>>, vector<16xf32>,
          %mul3A_148 = arith.constant 2 : i32
          %mul3A_149 = arith.muli %mul3A_148, %scan3A_115 : i32
          %add3A_150 = arith.constant 1 : i32
          %add3A_151 = arith.addi %mul3A_149, %add3A_150 : i32
          %add3A_152 = vector.broadcast %add3A_151 : i32 to vector<16xi32>
          %add3A_153 = arith.addi %broadcast_in_dim3A_5, %add3A_152 : vector<16xi32>
          %gather3A_154 = tpu.vector_load_idx %arg14[%add3A_153] : memref<128xf32, #tpu.memory_space<vmem>>[vector<16xi32>], vector<16xf32>,
          %get3A_155 = arith.index_cast %scan3A_115 : i32 to index
          %get3A_156 = arith.constant 64 : index
          %get3A_157 = tpu.vector_load %arg7[%get3A_155, %get3A_156] {strides = array<i32>} : memref<128x128xf32, #tpu.memory_space<vmem>>, vector<16xf32>,
          %mul3A_158 = arith.mulf %get3A_157, %gather3A_154 : vector<16xf32>
          %swap3A_159 = arith.index_cast %scan3A_115 : i32 to index
          %swap3A_160 = arith.constant 64 : index
          %swap3A_161 = tpu.vector_load %arg7[%swap3A_159, %swap3A_160] {strides = array<i32>} : memref<128x128xf32, #tpu.memory_space<vmem>>, vector<16xf32>,
          tpu.vector_store %arg7[%swap3A_159, %swap3A_160], %mul3A_158 {strides = array<i32>} : memref<128x128xf32, #tpu.memory_space<vmem>>, vector<16xf32>,
          %get3A_162 = arith.index_cast %scan3A_115 : i32 to index
          %get3A_163 = arith.constant 80 : index
          %get3A_164 = tpu.vector_load %arg7[%get3A_162, %get3A_163] {strides = array<i32>} : memref<128x128xf32, #tpu.memory_space<vmem>>, vector<16xf32>,
          %mul3A_165 = arith.mulf %get3A_164, %gather3A_154 : vector<16xf32>
          %swap3A_166 = arith.index_cast %scan3A_115 : i32 to index
          %swap3A_167 = arith.constant 80 : index
          %swap3A_168 = tpu.vector_load %arg7[%swap3A_166, %swap3A_167] {strides = array<i32>} : memref<128x128xf32, #tpu.memory_space<vmem>>, vector<16xf32>,
          tpu.vector_store %arg7[%swap3A_166, %swap3A_167], %mul3A_165 {strides = array<i32>} : memref<128x128xf32, #tpu.memory_space<vmem>>, vector<16xf32>,
          %get3A_169 = arith.index_cast %scan3A_115 : i32 to index
          %get3A_170 = arith.constant 96 : index
          %get3A_171 = tpu.vector_load %arg7[%get3A_169, %get3A_170] {strides = array<i32>} : memref<128x128xf32, #tpu.memory_space<vmem>>, vector<16xf32>,
          %mul3A_172 = arith.mulf %get3A_171, %gather3A_154 : vector<16xf32>
          %swap3A_173 = arith.index_cast %scan3A_115 : i32 to index
          %swap3A_174 = arith.constant 96 : index
          %swap3A_175 = tpu.vector_load %arg7[%swap3A_173, %swap3A_174] {strides = array<i32>} : memref<128x128xf32, #tpu.memory_space<vmem>>, vector<16xf32>,
          tpu.vector_store %arg7[%swap3A_173, %swap3A_174], %mul3A_172 {strides = array<i32>} : memref<128x128xf32, #tpu.memory_space<vmem>>, vector<16xf32>,
          %get3A_176 = arith.index_cast %scan3A_115 : i32 to index
          %get3A_177 = arith.constant 112 : index
          %get3A_178 = tpu.vector_load %arg7[%get3A_176, %get3A_177] {strides = array<i32>} : memref<128x128xf32, #tpu.memory_space<vmem>>, vector<16xf32>,
          %mul3A_179 = arith.mulf %get3A_178, %gather3A_154 : vector<16xf32>
          %swap3A_180 = arith.index_cast %scan3A_115 : i32 to index
          %swap3A_181 = arith.constant 112 : index
          %swap3A_182 = tpu.vector_load %arg7[%swap3A_180, %swap3A_181] {strides = array<i32>} : memref<128x128xf32, #tpu.memory_space<vmem>>, vector<16xf32>,
          tpu.vector_store %arg7[%swap3A_180, %swap3A_181], %mul3A_179 {strides = array<i32>} : memref<128x128xf32, #tpu.memory_space<vmem>>, vector<16xf32>,
        }
        %scan3A_86 = arith.constant 64 : i32
        %jit3A_87 = arith.constant 2 : i32
        %div3A_88 = arith.divsi %mul3A_2, %jit3A_87 : i32
        %sign3A_89 = arith.constant 0 : i32
        %sign3A_90 = arith.cmpi sgt, %mul3A_2, %sign3A_89 : i32
        %sign3A_91 = arith.extui %sign3A_90 : i1 to i32
        %sign3A_92 = arith.constant 0 : i32
        %sign3A_93 = arith.cmpi slt, %mul3A_2, %sign3A_92 : i32
        %sign3A_94 = arith.extui %sign3A_93 : i1 to i32
        %sign3A_95 = arith.subi %sign3A_91, %sign3A_94 : i32
        %sign3A_96 = arith.constant 0 : i32
        %sign3A_97 = arith.cmpi sgt, %jit3A_87, %sign3A_96 : i32
        %sign3A_98 = arith.extui %sign3A_97 : i1 to i32
        %sign3A_99 = arith.constant 0 : i32
        %sign3A_100 = arith.cmpi slt, %jit3A_87, %sign3A_99 : i32
        %sign3A_101 = arith.extui %sign3A_100 : i1 to i32
        %sign3A_102 = arith.subi %sign3A_98, %sign3A_101 : i32
        %ne3A_103 = arith.cmpi ne, %sign3A_95, %sign3A_102 : i32
        %rem3A_104 = arith.remsi %mul3A_2, %jit3A_87 : i32
        %ne3A_105 = arith.constant 0 : i32
        %ne3A_106 = arith.cmpi ne, %rem3A_104, %ne3A_105 : i32
        %and3A_107 = arith.andi %ne3A_103, %ne3A_106 : i1
        %sub3A_108 = arith.constant 1 : i32
        %sub3A_109 = arith.subi %div3A_88, %sub3A_108 : i32
        %select_n3A_110 = arith.select %and3A_107, %sub3A_109, %div3A_88 : i32
        %mul3A_111 = arith.constant 64 : i32
        %mul3A_112 = arith.muli %scan3A_56, %mul3A_111 : i32
        %add3A_113 = arith.addi %select_n3A_110, %mul3A_112 : i32
        %multiple_of3A_114 = tpu.assume_multiple %add3A_113, 64 : i32
        "tpu.region"() ({
          %run_scoped3A_115 = tpu.sem_alloc : memref<!tpu.dma_semaphore, #tpu.memory_space<semaphore_mem>>
          %dma_start3A = arith.constant 0 : i32
          %dma_start3A_116 = arith.constant 0 : i32
          %dma_start3A_117 = tpu.memref_slice %arg7[%dma_start3A, %dma_start3A_116] : memref<128x128xf32, #tpu.memory_space<vmem>> -> memref<64x128xf32, #tpu.memory_space<vmem>>
          %dma_start3A_118 = arith.constant 0 : i32
          %dma_start3A_119 = tpu.memref_slice %arg4[%scan3A_17, %arg0, %multiple_of3A_114, %dma_start3A_118] : memref<8x2x8192x128xf32, #tpu.memory_space<hbm>> -> memref<1x1x64x128xf32, #tpu.memory_space<hbm>>
          %dma_start3A_120 = tpu.memref_squeeze %dma_start3A_119 : memref<1x1x64x128xf32, #tpu.memory_space<hbm>> -> memref<64x128xf32, #tpu.memory_space<hbm>>
          %dma_start3A_121 = arith.constant 0 : i32
          %dma_start3A_122 = tpu.memref_slice %arg4[%scan3A_17, %arg0, %multiple_of3A_114, %dma_start3A_121] : memref<8x2x8192x128xf32, #tpu.memory_space<hbm>> -> memref<1x1x64x128xf32, #tpu.memory_space<hbm>>
          %dma_start3A_123 = tpu.memref_squeeze %dma_start3A_122 : memref<1x1x64x128xf32, #tpu.memory_space<hbm>> -> memref<64x128xf32, #tpu.memory_space<hbm>>
          %dma_start3A_124 = arith.constant 0 : i32
          %dma_start3A_125 = arith.constant 0 : i32
          %dma_start3A_126 = tpu.memref_slice %arg7[%dma_start3A_124, %dma_start3A_125] : memref<128x128xf32, #tpu.memory_space<vmem>> -> memref<64x128xf32, #tpu.memory_space<vmem>>
          tpu.enqueue_dma source(%dma_start3A_126 : memref<64x128xf32, #tpu.memory_space<vmem>>) target(%dma_start3A_123 : memref<64x128xf32, #tpu.memory_space<hbm>>) target_semaphore(%run_scoped3A_115 : memref<!tpu.dma_semaphore, #tpu.memory_space<semaphore_mem>>)
          %dma_wait3A = arith.constant 0 : i32
          %dma_wait3A_127 = arith.constant 0 : i32
          %dma_wait3A_128 = tpu.memref_slice %arg7[%dma_wait3A, %dma_wait3A_127] : memref<128x128xf32, #tpu.memory_space<vmem>> -> memref<64x128xf32, #tpu.memory_space<vmem>>
          %dma_wait3A_129 = arith.constant 0 : i32
          %dma_wait3A_130 = tpu.memref_slice %arg4[%scan3A_17, %arg0, %multiple_of3A_114, %dma_wait3A_129] : memref<8x2x8192x128xf32, #tpu.memory_space<hbm>> -> memref<1x1x64x128xf32, #tpu.memory_space<hbm>>
          %dma_wait3A_131 = tpu.memref_squeeze %dma_wait3A_130 : memref<1x1x64x128xf32, #tpu.memory_space<hbm>> -> memref<64x128xf32, #tpu.memory_space<hbm>>
          %dma_wait3A_132 = arith.constant 0 : i32
          %dma_wait3A_133 = tpu.memref_slice %arg4[%scan3A_17, %arg0, %multiple_of3A_114, %dma_wait3A_132] : memref<8x2x8192x128xf32, #tpu.memory_space<hbm>> -> memref<1x1x64x128xf32, #tpu.memory_space<hbm>>
          %dma_wait3A_134 = tpu.memref_squeeze %dma_wait3A_133 : memref<1x1x64x128xf32, #tpu.memory_space<hbm>> -> memref<64x128xf32, #tpu.memory_space<hbm>>
          %dma_wait3A_135 = arith.constant 0 : i32
          %dma_wait3A_136 = arith.constant 0 : i32
          %dma_wait3A_137 = tpu.memref_slice %arg7[%dma_wait3A_135, %dma_wait3A_136] : memref<128x128xf32, #tpu.memory_space<vmem>> -> memref<64x128xf32, #tpu.memory_space<vmem>>
          tpu.wait_dma2 semaphore(%run_scoped3A_115 : memref<!tpu.dma_semaphore, #tpu.memory_space<semaphore_mem>>) src(%dma_wait3A_137 : memref<64x128xf32, #tpu.memory_space<vmem>>) dst(%dma_wait3A_134 : memref<64x128xf32, #tpu.memory_space<hbm>>)
          tpu.yield
        }) : () -> ()
      }
      %scan3A_55 = arith.constant 8 : i32
    }
    %scan3A_16 = arith.constant 8 : i32
    return
  }
}

</mosaic_0001>

<sc_bundles>
// kernel: kernel.3.cloned.1.call-start
scs
__scs_entry_jumppad:
0x0: {  	(pc) =	sbr.rel $0x88, $3  }
0x1: {  	(tag) =	ssettag $0x0;
	lr =	simm.s32 $0x1  }
0x2: {  	[smem:$0x3F9F] =	sst lr;
	_ =	strace $0xD0000000  }
0x3: {  	_ = 	snop  }
0x4: {  	_ = 	snop  }
0x5: {  	_ = 	snop  }
0x6: {  	_ = 	snop  }
0x7: {  	_ = 	snop  }
__scs_overlays_trampoline_lowered:
0x8: {  	[smem:$0x3FAE] =	sst s0  }
0x9: {  	[smem:$0x3FAF] =	sst s1  }
0xa: {  	[smem:$0x3FB0] =	sst s2  }
0xb: {  	[smem:$0x3FB1] =	sst s3  }
0xc: {  	[smem:$0x3FB2] =	sst s4  }
0xd: {  	[smem:$0x3FB3] =	sst s5  }
0xe: {  	[smem:$0x3FB4] =	sst s6  }
0xf: {  	[smem:$0x3FB5] =	sst s7  }
0x10: {  	[smem:$0x3FB6] =	sst s8  }
0x11: {  	[smem:$0x3FB7] =	sst s9;
	s0 =	simm.s32 @!p0 $0x0  }
0x12: {  	s1 =	sld [smem:$0x3F9D];
	s0 =	simm.s32 @p0 $0x1  }
0x13: {  	[smem:$0x3FB8] =	sst s0;
	s0 =	simm.s32 @!p1 $0x0  }
0x14: {  	s2 =	sld [smem:$0x3F9C];
	s0 =	simm.s32 @p1 $0x1  }
0x15: {  	[smem:$0x3FB9] =	sst s0;
	s0 =	simm.s32 @!p2 $0x0  }
0x16: {  	s3 =	sld [smem:$0x3FDB];
	s0 =	simm.s32 @p2 $0x1  }
0x17: {  	s4 =	simm.s32 $0x1BF5;
	[smem:$0x3FBB] =	sst s0  }
0x18: {  	s0 =	sld [smem:$0x3F9E];
	_ =	swait.ge [sflag:s4], $0x0  }
0x19: {  	s7 =	sld [smem:$0x3F9F]  }
0x1a: {  	s8 =	sadd.s32 $0xFFFFE003, lr  }
0x1b: {  	s9 =	sadd.s32 $0xFFFFFEF7, lr;
	s5 =	simm.s32 $0xFFFFFFFF;
	p2 =	slt.u32 s8, $0xFFFFF086  }
0x1c: {  	p1 =	slt.u32 s9, $0xF7A;
	s5 =	simm.s32 @!p2 $0x0  }
0x1d: {  	s5 =	simm.s32 @p1 $0x1;
	p0 =	seq.s32 s7, s2  }
0x1e: {  	s7 =	smul.u32 @!p0 $0xF7A, s2;
	p2 =	seq.s32 @!p0 s5, $0x0  }
0x1f: {  	s9 =	smul.u32 $0xF7A, s1;
	s8 =	simm.s32 @!p0 $0x1BF5;
	p2 =	por !p2, p0  }
0x20: {  	[sflag:s8] =	ssyncset.s32 @!p0 $0xFFFFF086;
	s6 =	sadd.s32 @!p0 s3, s7;
	s7 =	simm.s32 @!p0 $0x108  }
0x21: {  	s3 =	sadd.s32 s3, s9;
	s6 =	sadd.s32 @!p0 $0x88, s6;
	s7 =	simm.s32 @p2 $0x1082  }
0x22: {  	[simem:s7], [sflag:s8] =	dma.local @!p0 [hbm:s6], $0xF7A  }
0x23: {  	s9 =	sor.u32 $0xD0000000, s2;
	s6 =	simm.s32 $0x108;
	_ =	swait.ge @!p0 [sflag:s8], $0x0  }
0x24: {  	s3 =	sadd.s32 $0x88, s3;
	s6 =	simm.s32 @!p1 $0x1082;
	[sflag:s4] =	ssyncset.s32 $0xFFFFF086  }
0x25: {  	[simem:s6], [sflag:s4] =	dma.local [hbm:s3], $0xF7A  }
0x26: {  	[smem:$0x3F9F] =	sst s1;
	(tag) =	ssettag s2;
	_ =	strace s9  }
0x27: {  	s1 =	sld [smem:$0x3FAF]  }
0x28: {  	s2 =	sld [smem:$0x3FB0]  }
0x29: {  	s4 =	sld [smem:$0x3FB2]  }
0x2a: {  	p0 =	seq.s32 s5, $0x0;
	s5 =	sld [smem:$0x3FB3]  }
0x2b: {  	s6 =	sld [smem:$0x3FB4]  }
0x2c: {  	s7 =	sld [smem:$0x3FB5]  }
0x2d: {  	s3 =	simm.s32 $0x108;
	s8 =	sld [smem:$0x3FB6]  }
0x2e: {  	s3 =	simm.s32 @!p0 $0x1082;
	s9 =	sld [smem:$0x3FB7]  }
0x2f: {  	lr =	sadd.s32 s0, s3;
	s0 =	sld [smem:$0x3FAE]  }
0x30: {  	s3 =	sld [smem:$0x3FB1]  }
0x31: {  	[smem:$0x3FBA] =	sst s10  }
0x32: {  	s10 =	sld [smem:$0x3FB8];
	_ =	sdelay $0x3  }
0x33: {  	p0 =	seq.s32 s10, $0x1;
	s10 =	sld [smem:$0x3FBA];
	_ =	sdelay $0x3  }
0x34: {  	[smem:$0x3FBA] =	sst s10  }
0x35: {  	s10 =	sld [smem:$0x3FB9];
	_ =	sdelay $0x3  }
0x36: {  	p1 =	seq.s32 s10, $0x1;
	s10 =	sld [smem:$0x3FBA];
	_ =	sdelay $0x3  }
0x37: {  	[smem:$0x3FBA] =	sst s10  }
0x38: {  	s10 =	sld [smem:$0x3FBB]  }
0x39: {  	_ = 	snop;
	(pc) =	sbr.ind lr, $3  }
0x3a: {  	_ = 	snop  }
0x3b: {  	_ = 	snop  }
0x3c: {  	p2 =	seq.s32 s10, $0x1;
	s10 =	sld [smem:$0x3FBA]  }
0x3d: {  	_ =	shalt  }
0x3e: {  	_ =	shalt  }
0x3f: {  	_ =	shalt  }
0x40: {  	_ =	shalt  }
0x41: {  	_ =	shalt  }
0x42: {  	_ =	shalt  }
0x43: {  	_ =	shalt  }
0x44: {  	_ =	shalt  }
0x45: {  	_ =	shalt  }
0x46: {  	_ =	shalt  }
0x47: {  	_ =	shalt  }
0x48: {  	_ =	shalt  }
0x49: {  	_ =	shalt  }
0x4a: {  	_ =	shalt  }
0x4b: {  	_ =	shalt  }
0x4c: {  	_ =	shalt  }
0x4d: {  	_ =	shalt  }
0x4e: {  	_ =	shalt  }
0x4f: {  	_ =	shalt  }
0x50: {  	_ =	shalt  }
0x51: {  	_ =	shalt  }
0x52: {  	_ =	shalt  }
0x53: {  	_ =	shalt  }
0x54: {  	_ =	shalt  }
0x55: {  	_ =	shalt  }
0x56: {  	_ =	shalt  }
0x57: {  	_ =	shalt  }
0x58: {  	_ =	shalt  }
0x59: {  	_ =	shalt  }
0x5a: {  	_ =	shalt  }
0x5b: {  	_ =	shalt  }
0x5c: {  	_ =	shalt  }
0x5d: {  	_ =	shalt  }
0x5e: {  	_ =	shalt  }
0x5f: {  	_ =	shalt  }
0x60: {  	_ =	shalt  }
0x61: {  	_ =	shalt  }
0x62: {  	_ =	shalt  }
0x63: {  	_ =	shalt  }
0x64: {  	_ =	shalt  }
0x65: {  	_ =	shalt  }
0x66: {  	_ =	shalt  }
0x67: {  	_ =	shalt  }
0x68: {  	_ =	shalt  }
0x69: {  	_ =	shalt  }
0x6a: {  	_ =	shalt  }
0x6b: {  	_ =	shalt  }
0x6c: {  	_ =	shalt  }
0x6d: {  	_ =	shalt  }
0x6e: {  	_ =	shalt  }
0x6f: {  	_ =	shalt  }
0x70: {  	_ =	shalt  }
0x71: {  	_ =	shalt  }
0x72: {  	_ =	shalt  }
0x73: {  	_ =	shalt  }
0x74: {  	_ =	shalt  }
0x75: {  	_ =	shalt  }
0x76: {  	_ =	shalt  }
0x77: {  	_ =	shalt  }
0x78: {  	_ =	shalt  }
0x79: {  	_ =	shalt  }
0x7a: {  	_ =	shalt  }
0x7b: {  	_ =	shalt  }
0x7c: {  	_ =	shalt  }
0x7d: {  	_ =	shalt  }
0x7e: {  	_ =	shalt  }
0x7f: {  	_ =	shalt  }
0x80: {  	_ =	shalt  }
0x81: {  	_ =	shalt  }
0x82: {  	_ =	shalt  }
0x83: {  	_ =	shalt  }
0x84: {  	_ =	shalt  }
0x85: {  	_ =	shalt  }
0x86: {  	_ =	shalt  }
0x87: {  	_ =	shalt  }
.Lfunc_end0:
.L_simem_size_0:
called_computation.2_lowered:
.L_overlay_start_0:
0x88: {  	s2 =	sld [smem:$0x3FD9]  }
0x89: {  	s3 =	sld [smem:$0x3FFE];
	_ =	sdelay $0x1  }
0x8a: {  	s1 =	srdreg.scid  }
0x8b: {  	s0 =	sand.u32 $0x1, s1  }
0x8c: {  	s17 =	sshll.u32 s0, $0xA;
	s2 =	sadd.s32 s3, s2  }
0x8d: {  	s2 =	sadd.s32 s2, s17  }
0x8e: {  	[smem:$0x3FC6] =	sst s2  }
0x8f: {  	_ = 	snop  }
0x90: {  	s2 =	sld [smem:$0x3FD0];
	(tm) =	ssettm $0x1  }
0x91: {  	s18 =	sld [smem:$0x3FFB];
	_ =	sdelay $0x3  }
0x92: {  	_ =	strace s18  }
0x93: {  	s3 =	sld [smem:$0x3FFC];
	_ =	sdelay $0x3  }
0x94: {  	_ =	strace s3  }
0x95: {  	s3 =	sld [smem:$0x3FFD];
	_ =	sdelay $0x3  }
0x96: {  	_ =	strace s3  }
0x97: {  	_ =	strace $0x8FFFFFFF  }
0x98: {  	s19 =	sld [smem:$0x3FDB];
	_ =	sdelay $0x1  }
0x99: {  	s4 =	simm.s32 $_scs_section_size  }
0x9a: {  	s5 =	simm.s32 $_size__tile_overlayer_lowered;
	s6 =	simm.s32 $_tile_overlayer_lowered  }
0x9b: {  	s22 =	simm.s32 $0x1BFF;
	s21 =	sshll.u32 s6, $0x1;
	s3 =	sadd.s32 s4, s19  }
0x9c: {  	s7 =	simm.s32 $0x0;
	s20 =	sshll.u32 s5, $0x1;
	s5 =	sadd.s32 s21, s3  }
0x9d: {  	[timem:s7], [sflag:s22] =	dma.local [hbm:s5], s20  }
0x9e: {  	_ =	swait.ge [sflag:s22], s20  }
0x9f: {  	s4 =	ssub.s32 $0x0, s20;
	[sflag:s22] =	ssyncset.done $0x0  }
0xa0: {  	[sflag:s22] =	ssyncadd.s32 s4;
	_ =	sdelay $0x1  }
0xa1: {  	s23 =	simm.s32 $0x1B8B  }
0xa2: {  	_ =	swait.ge [sflag:s23], $0x1  }
0xa3: {  	[sflag:s23] =	ssyncset.done $0x0  }
0xa4: {  	s25 =	simm.s32 $0x1B8E;
	s24 =	sld [smem:$0x3FFE];
	[sflag:s23] =	ssyncadd.s32 $0xFFFFFFFF  }
0xa5: {  	s26 =	simm.s32 $execute0_lowered;
	[smem:$0x3FD2] =	sst s25  }
0xa6: {  	s5 =	sshll.u32 s26, $0x1;
	_ =	strace $0x80000046;
	[dreg:$0x1] =	wrdreg $0xFFFFFFFF  }
0xa7: {  	s28 =	simm.s32 $_size_execute0_lowered;
	s3 =	sadd.s32 s3, s5;
	[dreg:$0x0] =	wrdreg $0x0  }
0xa8: {  	s5 =	sshll.u32 s28, $0x1;
	[dreg:$0x2] =	wrdreg s3  }
0xa9: {  	[dreg:$0x3] =	wrdreg s5  }
0xaa: {  	[dreg:$0x4] =	wrdreg $0xC0  }
0xab: {  	_ =	task [dreg:s7], $0x5FFFF  }
0xac: {  	[dreg:$0x1] =	wrdreg $0xFFFFFFFF  }
0xad: {  	[dreg:$0x0] =	wrdreg $0x60  }
0xae: {  	[dreg:$0x2] =	wrdreg s2  }
0xaf: {  	[dreg:$0x3] =	wrdreg s24  }
0xb0: {  	[dreg:$0x4] =	wrdreg $0x0  }
0xb1: {  	[dreg:$0x5] =	wrdreg $0x100000  }
0xb2: {  	[dreg:$0x6] =	wrdreg $0x9  }
0xb3: {  	_ =	task.clear_ibuf [dreg:s7], $0x7FFFF;
	_ =	strace $0x90000046  }
0xb4: {  	s29 =	simm.s32 $0x9;
	_ =	strace $0x80000048  }
0xb5: {  	_ =	swait.ge [sflag:s29], $0x1  }
0xb6: {  	[sflag:s29] =	ssyncadd.s32 $0xFFFFFFFF  }
0xb7: {  	_ =	strace $0x90000048  }
0xb8: {  	_ =	sfence  }
0xb9: {  	s30 =	sld [smem:$0x0];
	_ =	sdelay $0x2  }
0xba: {  	s31 =	sshll.u32 s1, $0xD;
	s1 =	sshrl.u32 s1, $0x2  }
0xbb: {  	s3 =	sand.u32 $0x4000, s31;
	s1 =	sadd.s32 s1, s30  }
0xbc: {  	s0 =	sor.u32 s3, s0;
	s1 =	sshll.u32 s1, $0x11  }
0xbd: {  	s0 =	sor.u32 s1, s0  }
0xbe: {  	s0 =	sadd.s32 $0x8F2B, s0  }
0xbf: {  	[sflag:s0] =	ssyncadd.remote.s32 $0x1  }
0xc0: {  	_ =	sfence.sel $0xFFFF  }
0xc1: {  	[dreg:$0x0] =	wrdreg $0xFFFFFFFF;
	(pc) =	sbr.abs _section_cstart, $3  }
0xc2: {  	[dreg:$0x1] =	wrdreg $0xFFFFFFFF  }
0xc3: {  	_ =	task.clear_ibuf [dreg:s7], $0x2FFFF;
	_ =	strace $0x9FFFFFFF  }
0xc4: {  	(tm) =	ssettm $0x7FFFFFFF  }
0xc5: {  	_ =	shalt  }
tec
execute0_lowered:
.L_overlay_start_1:
0x0: {  	(tag) =	ssettag $0x1  }
0x1: {  	s0 =	rddreg [dreg:$0x1]  }
0x2: {  	s2 =	rddreg [dreg:$0x2]  }
0x3: {  	s9 =	rddreg [dreg:$0x3]  }
0x4: {  	s4 =	simm.s32 $0x0;
	s1 =	srdreg.scid;
	s10 =	stileid.u32  }
0x5: {  	s19 =	simm.s32 $0x14400;
	s20 =	simm.s32 $0x1;
	s22 =	simm.s32 $0x10400  }
0x6: {  	s23 =	simm.s32 $0x1E400;
	s24 =	simm.s32 $0x1D400;
	s29 =	simm.s32 $0x1FC00  }
0x7: {  	[smem:$0x7FF] =	sst s4;
	s1 =	sand.u32 $0x1, s1;
	s3 =	sadd.s32 $0xC00, s0  }
0x8: {  	s7 =	sshll.u32 s10, $0xA;
	s8 =	sshll.u32 s10, $0x10;
	s26 =	sshll.u32 s10, $0x8  }
0x9: {  	s12 =	sshll.u32 s10, $0x9;
	_ =	strace $0x80000047;
	[dreg:$0x5] =	wrdreg s3  }
0xa: {  	s25 =	sshll.u32 s1, $0x11;
	s5 =	ssub.s32 $0x2, s1;
	s8 =	sadd.s32 s8, s2  }
0xb: {  	s9 =	sadd.s32 s7, s9;
	[dreg:$0x6] =	wrdreg s26;
	s31 =	sshll.u32 s1, $0x6  }
0xc: {  	s26 =	simm.s32 $0x80;
	s1 =	simm.s32 $0x0;
	s3 =	sadd.s32 s25, s0  }
0xd: {  	v0 =	vlaneseq.u32;
	s6 =	sshrl.u32 s5, $0x1;
	s0 =	sadd.s32 $0xC10, s0;
	s15 =	sadd.s32 $0x4000, s8  }
0xe: {  	v8 =	vimm.f32 $0.0e+00;
	v9 =	vimm.s32 $0x0;
	v1 =	vor.u32 $0x10, v0;
	s16 =	sadd.s32 $0x8000, s8;
	s17 =	sadd.s32 $0xC000, s8;
	s5 =	ssub.s32 s5, s6  }
0xf: {  	v2 =	vor.u32 $0x20, v0;
	v3 =	vor.u32 $0x30, v0;
	v4 =	vor.u32 $0x40, v0;
	s28 =	sor.u32 $0x10500, s31;
	[dreg:$0x7] =	wrdreg s0;
	s30 =	smax.u32 s5, $0x1  }
0x10: {  	v5 =	vor.u32 $0x50, v0;
	v6 =	vor.u32 $0x60, v0;
	v7 =	vor.u32 $0x70, v0;
	s25 =	simm.s32 $0x18400;
	s13 =	sadd.s32 $0x8C00, s3;
	[dreg:$0x8] =	wrdreg s30  }
.LBB2_1:
0x11: {  	[tilespmem:$0x1FC80] =	vst v0  }
0x12: {  	[tilespmem:$0x1FC90] =	vst v1  }
0x13: {  	[tilespmem:$0x1FCA0] =	vst v2  }
0x14: {  	[tilespmem:$0x1FCB0] =	vst v3  }
0x15: {  	[tilespmem:$0x1FCC0] =	vst v4  }
0x16: {  	[tilespmem:$0x1FCD0] =	vst v5  }
0x17: {  	[tilespmem:$0x1FCE0] =	vst v6  }
0x18: {  	[dreg:$0x9] =	wrdreg s1;
	[tilespmem:$0x1FCF0] =	vst v7;
	s30 =	simm.s32 $0x0  }
.LBB2_2:
0x19: {  	s0 =	simm.s32 $0x0;
	s1 =	simm.s32 $0x200  }
.LBB2_3:
0x1a: {  	p0 =	sne.s32 s1, $0xFE00;
	[tilespmem:s0+$0x18470] =	vst v8  }
0x1b: {  	[tilespmem:s0+$0x14400] =	vst v8  }
0x1c: {  	[tilespmem:s0+$0x18400] =	vst v8  }
0x1d: {  	[tilespmem:s0+$0x14410] =	vst v8  }
0x1e: {  	[tilespmem:s0+$0x18410] =	vst v8  }
0x1f: {  	[tilespmem:s0+$0x14420] =	vst v8  }
0x20: {  	[tilespmem:s0+$0x18420] =	vst v8  }
0x21: {  	[tilespmem:s0+$0x14430] =	vst v8  }
0x22: {  	[tilespmem:s0+$0x18430] =	vst v8  }
0x23: {  	[tilespmem:s0+$0x14440] =	vst v8  }
0x24: {  	[tilespmem:s0+$0x18440] =	vst v8  }
.Ltmp0:
0x25: {  	[tilespmem:s0+$0x14450] =	vst v8;
	(pc) =	sbr.rel @p0 .LBB2_3-.Ltmp0, $4  }
0x26: {  	[tilespmem:s0+$0x18450] =	vst v8  }
0x27: {  	[tilespmem:s0+$0x14460] =	vst v8  }
0x28: {  	[tilespmem:s0+$0x18460] =	vst v8  }
0x29: {  	[tilespmem:s0+$0x14470] =	vst v8;
	s0 =	sshra.s32 s1, $0x2;
	s1 =	sadd.s32 $0x200, s1  }
0x2a: {  	[tilespmem:s0+$0x18470] =	vst v8  }
0x2b: {  	[tilespmem:s0+$0x14400] =	vst v8  }
0x2c: {  	[tilespmem:s0+$0x18400] =	vst v8  }
0x2d: {  	[tilespmem:s0+$0x14410] =	vst v8  }
0x2e: {  	[tilespmem:s0+$0x18410] =	vst v8  }
0x2f: {  	[tilespmem:s0+$0x14420] =	vst v8  }
0x30: {  	[tilespmem:s0+$0x18420] =	vst v8  }
0x31: {  	[tilespmem:s0+$0x14430] =	vst v8  }
0x32: {  	[tilespmem:s0+$0x18430] =	vst v8  }
0x33: {  	[tilespmem:s0+$0x14440] =	vst v8  }
0x34: {  	[tilespmem:s0+$0x18440] =	vst v8  }
0x35: {  	[tilespmem:s0+$0x14450] =	vst v8  }
0x36: {  	[tilespmem:s0+$0x18450] =	vst v8  }
0x37: {  	[tilespmem:s0+$0x14460] =	vst v8  }
0x38: {  	[tilespmem:s0+$0x18460] =	vst v8  }
0x39: {  	[tilespmem:s0+$0x14470] =	vst v8  }
0x3a: {  	[spmem:s8] =	stream.linear.scatter [tilespmem:s19], [sflag:$0x1], $0x4000, $0x38;
	[tilespmem:$0x1FD00] =	vst v63  }
0x3b: {  	_ =	swait.ge [sflag:s20], $0x4000  }
0x3c: {  	[sflag:s20] =	ssyncset.done $0x0  }
0x3d: {  	[sflag:s20] =	ssyncadd.s32 $0xFFFFC000  }
0x3e: {  	[spmem:s15] =	stream.linear.scatter [tilespmem:s19], [sflag:$0x1], $0x4000, $0x38;
	[tilespmem:$0x1FD00] =	vst v63  }
0x3f: {  	_ =	swait.ge [sflag:s20], $0x4000  }
0x40: {  	[sflag:s20] =	ssyncset.done $0x0  }
0x41: {  	[sflag:s20] =	ssyncadd.s32 $0xFFFFC000  }
0x42: {  	[spmem:s16] =	stream.linear.scatter [tilespmem:s19], [sflag:$0x1], $0x4000, $0x38;
	[tilespmem:$0x1FD00] =	vst v63  }
0x43: {  	_ =	swait.ge [sflag:s20], $0x4000  }
0x44: {  	[sflag:s20] =	ssyncset.done $0x0  }
0x45: {  	[sflag:s20] =	ssyncadd.s32 $0xFFFFC000  }
0x46: {  	[spmem:s17] =	stream.linear.scatter [tilespmem:s19], [sflag:$0x1], $0x4000, $0x38;
	[tilespmem:$0x1FD00] =	vst v63  }
0x47: {  	_ =	swait.ge [sflag:s20], $0x4000  }
0x48: {  	[sflag:s20] =	ssyncset.done $0x0  }
0x49: {  	[sflag:s20] =	ssyncadd.s32 $0xFFFFC000  }
0x4a: {  	[spmem:s9] =	stream.linear.scatter [tilespmem:s19], [sflag:$0x1], $0x400, $0x38;
	[tilespmem:$0x1FD00] =	vst v63  }
0x4b: {  	_ =	swait.ge [sflag:s20], $0x400  }
0x4c: {  	s11 =	sshll.u32 s30, $0xC;
	s0 =	simm.s32 $0x0;
	s1 =	rddreg [dreg:$0x6]  }
0x4d: {  	[sflag:s20] =	ssyncset.done $0x0;
	s14 =	rddreg [dreg:$0x5];
	s1 =	sor.u32 s1, s11  }
0x4e: {  	s5 =	simm.s32 $0x1F400;
	[sflag:s20] =	ssyncadd.s32 $0xFFFFFC00;
	s3 =	sadd.s32 s14, s1  }
0x4f: {  	[tilespmem:s5], [sflag:$0x1] =	stream.linear.gather [hbm4b:s3+s0], $0x80, $0x38;
	[tilespmem:$0x1FD00] =	vst v63  }
0x50: {  	s6 =	simm.s32 $0x1F500;
	s18 =	sadd.s32 $0x20, s3  }
0x51: {  	[tilespmem:s6], [sflag:$0x1] =	stream.linear.gather [hbm4b:s18+s0], $0x80, $0x38;
	[tilespmem:$0x1FD00] =	vst v63  }
0x52: {  	s31 =	simm.s32 $0x1F600;
	s21 =	sadd.s32 $0x40, s3  }
0x53: {  	[tilespmem:s31], [sflag:$0x1] =	stream.linear.gather [hbm4b:s21+s0], $0x80, $0x38;
	[tilespmem:$0x1FD00] =	vst v63  }
0x54: {  	s11 =	simm.s32 $0x1F700;
	s10 =	sadd.s32 $0x60, s3  }
0x55: {  	[tilespmem:s11], [sflag:$0x1] =	stream.linear.gather [hbm4b:s10+s0], $0x80, $0x38;
	[tilespmem:$0x1FD00] =	vst v63  }
0x56: {  	s14 =	sadd.s32 $0x80, s3;
	s18 =	simm.s32 $0x1F800  }
0x57: {  	[tilespmem:s18], [sflag:$0x1] =	stream.linear.gather [hbm4b:s14+s0], $0x80, $0x38;
	[tilespmem:$0x1FD00] =	vst v63  }
0x58: {  	s21 =	sadd.s32 $0xA0, s3;
	s31 =	simm.s32 $0x1F900  }
0x59: {  	[tilespmem:s31], [sflag:$0x1] =	stream.linear.gather [hbm4b:s21+s0], $0x80, $0x38;
	[tilespmem:$0x1FD00] =	vst v63  }
0x5a: {  	s6 =	sadd.s32 $0xC0, s3;
	s10 =	simm.s32 $0x1FA00  }
0x5b: {  	[tilespmem:s10], [sflag:$0x1] =	stream.linear.gather [hbm4b:s6+s0], $0x80, $0x38;
	[tilespmem:$0x1FD00] =	vst v63  }
0x5c: {  	s3 =	sadd.s32 $0xE0, s3;
	s11 =	simm.s32 $0x1FB00  }
0x5d: {  	[tilespmem:s11], [sflag:$0x1] =	stream.linear.gather [hbm4b:s3+s0], $0x80, $0x38;
	[tilespmem:$0x1FD00] =	vst v63  }
0x5e: {  	_ =	swait.ge [sflag:s20], $0x400  }
0x5f: {  	[sflag:s20] =	ssyncset.done $0x0;
	s14 =	rddreg [dreg:$0x7]  }
0x60: {  	s18 =	simm.s32 $0x1F480;
	[sflag:s20] =	ssyncadd.s32 $0xFFFFFC00;
	s1 =	sadd.s32 s1, s14  }
0x61: {  	[tilespmem:s18], [sflag:$0x1] =	stream.linear.gather [hbm4b:s1+s0], $0x80, $0x38;
	[tilespmem:$0x1FD00] =	vst v63  }
0x62: {  	s31 =	simm.s32 $0x1F580;
	s21 =	sadd.s32 $0x20, s1  }
0x63: {  	[tilespmem:s31], [sflag:$0x1] =	stream.linear.gather [hbm4b:s21+s0], $0x80, $0x38;
	[tilespmem:$0x1FD00] =	vst v63  }
0x64: {  	s6 =	simm.s32 $0x1F680;
	s5 =	sadd.s32 $0x40, s1  }
0x65: {  	[tilespmem:s6], [sflag:$0x1] =	stream.linear.gather [hbm4b:s5+s0], $0x80, $0x38;
	[tilespmem:$0x1FD00] =	vst v63  }
0x66: {  	s11 =	simm.s32 $0x1F780;
	s10 =	sadd.s32 $0x60, s1  }
0x67: {  	[tilespmem:s11], [sflag:$0x1] =	stream.linear.gather [hbm4b:s10+s0], $0x80, $0x38;
	[tilespmem:$0x1FD00] =	vst v63  }
0x68: {  	s14 =	sadd.s32 $0x80, s1;
	s18 =	simm.s32 $0x1F880  }
0x69: {  	[tilespmem:s18], [sflag:$0x1] =	stream.linear.gather [hbm4b:s14+s0], $0x80, $0x38;
	[tilespmem:$0x1FD00] =	vst v63  }
0x6a: {  	s21 =	sadd.s32 $0xA0, s1;
	s31 =	simm.s32 $0x1F980  }
0x6b: {  	[tilespmem:s31], [sflag:$0x1] =	stream.linear.gather [hbm4b:s21+s0], $0x80, $0x38;
	[tilespmem:$0x1FD00] =	vst v63  }
0x6c: {  	s6 =	sadd.s32 $0xC0, s1;
	s10 =	simm.s32 $0x1FA80  }
0x6d: {  	[tilespmem:s10], [sflag:$0x1] =	stream.linear.gather [hbm4b:s6+s0], $0x80, $0x38;
	[tilespmem:$0x1FD00] =	vst v63  }
0x6e: {  	s1 =	sadd.s32 $0xE0, s1;
	s11 =	simm.s32 $0x1FB80  }
0x6f: {  	[tilespmem:s11], [sflag:$0x1] =	stream.linear.gather [hbm4b:s1+s0], $0x80, $0x38;
	[tilespmem:$0x1FD00] =	vst v63  }
0x70: {  	s14 =	simm.s32 $0x0;
	_ =	swait.ge [sflag:s20], $0x400  }
0x71: {  	s18 =	sand.u32 $0x70, s0;
	s1 =	sand.u32 $0x3FFFFF00, s14;
	[sflag:s20] =	ssyncset.done $0x0  }
0x72: {  	s1 =	sor.u32 s18, s1;
	[sflag:s20] =	ssyncadd.s32 $0xFFFFFC00  }
0x73: {  	s21 =	sadd.s32 $0x0, s7;
	v10 =	vld [tilespmem:s1+$0x1F400];
	s1 =	sadd.s32 $0x1F400, s1  }
0x74: {  	v11 =	vor.u32 s21, v0;
	v12 =	vld [tilespmem:s1+$0x80]  }
0x75: {  	v13 =	vmov s21;
	v11 =	vand.u32 $0x7F, v11  }
0x76: {  	v13 =	vshrl.u32 v13, $0x7;
	v11 =	vcvt.s32.f32 v11  }
0x77: {  	v13 =	vcvt.s32.f32 v13  }
0x78: {  	v10 =	vadd.f32 v11, v10  }
0x79: {  	v11 =	vadd.f32 v13, v12  }
0x7a: {  	v12 =	vtrunc.f32 v10  }
0x7b: {  	v13 =	vcvt.f32.s32 v12;
	v14 =	vtrunc.f32 v11  }
0x7c: {  	vm0 =	vlt.f32 v10, v12;
	v12 =	vcvt.f32.s32 v14;
	vm1 =	vlt.f32 v11, v14  }
0x7d: {  	v14 =	vsel vm0, $0xFFFFFFFF, v9;
	v15 =	vsel vm1, $0xFFFFFFFF, v9  }
0x7e: {  	v13 =	vadd.s32 v13, v14;
	v12 =	vadd.s32 v12, v15  }
0x7f: {  	v14 =	vcvt.s32.f32 v13;
	v15 =	vcvt.s32.f32 v12;
	_ =	sdelay $0x1  }
0x80: {  	v10 =	vsub.f32 v10, v14;
	v11 =	vsub.f32 v11, v15  }
0x81: {  	v14 =	vor.u32 v13, v12  }
0x82: {  	s31 =	simm.s32 $0x0;
	v15 =	vshll.u32 v12, $0x7;
	v16 =	vsub.f32 $1.000000000e+00, v10;
	v17 =	vsub.f32 $1.000000000e+00, v11  }
0x83: {  	s1 =	sand.u32 $0xFFFFFE00, s31;
	vm0 =	vlt.u32 v14, $0x80;
	v18 =	vadd.s32 v13, v15  }
0x84: {  	s3 =	sor.u32 s18, s1;
	s1 =	sshrl.u32 s1, $0x2;
	v14 =	vadd.s32 $0x1, v13;
	v18 =	vnsel vm0, $0x0, v18;
	v19 =	vmul.f32 v17, v16  }
0x85: {  	s6 =	sor.u32 s18, s1;
	v20 =	vor.u32 v12, v14;
	[tilespmem:s3+$0x1D400] =	vst v18;
	v18 =	vshra.s32 v18, $0x1  }
0x86: {  	v21 =	vadd.s32 v14, v15;
	[tilespmem:s6+$0x1C400] =	vst v18;
	v61 =	vnsel vm0, $0x0, v19;
	vm0 =	vlt.u32 v20, $0x80  }
0x87: {  	v12 =	vadd.s32 $0x1, v12;
	v17 =	vmul.f32 v17, v10;
	[tilespmem:s3+$0x1E400] =	vst v61;
	v62 =	vnsel vm0, $0x0, v21  }
0x88: {  	v15 =	vadd.s32 $0x80, v15;
	v63 =	vor.u32 v13, v12;
	[tilespmem:s3+$0x1D480] =	vst v62;
	v18 =	vshra.s32 v62, $0x1  }
0x89: {  	v13 =	vadd.s32 v13, v15;
	vm1 =	vlt.u32 v63, $0x80;
	v17 =	vnsel vm0, $0x0, v17;
	[tilespmem:s6+$0x1C800] =	vst v18  }
0x8a: {  	v12 =	vor.u32 v14, v12;
	v16 =	vmul.f32 v11, v16;
	v13 =	vnsel vm1, $0x0, v13;
	[tilespmem:s3+$0x1E480] =	vst v17  }
0x8b: {  	v14 =	vadd.s32 v14, v15;
	vm0 =	vlt.u32 v12, $0x80;
	[tilespmem:s3+$0x1D500] =	vst v13;
	v13 =	vshra.s32 v13, $0x1  }
0x8c: {  	s1 =	simm.s32 $0x1;
	v10 =	vmul.f32 v11, v10;
	v12 =	vnsel vm1, $0x0, v16;
	v11 =	vnsel vm0, $0x0, v14;
	[tilespmem:s6+$0x1CC00] =	vst v13  }
.LBB2_5:
0x8d: {  	p0 =	sne.s32 s1, $0x3F  }
0x8e: {  	[tilespmem:s3+$0x1E500] =	vst v12;
	v12 =	vshra.s32 v11, $0x1;
	s0 =	sadd.s32 $0x10, s0;
	s10 =	smov.u32 s1;
	s1 =	sadd.s32 $0x1, s1  }
0x8f: {  	v10 =	vnsel vm0, $0x0, v10;
	s14 =	sshll.u32 s10, $0x5;
	[tilespmem:s3+$0x1D580] =	vst v11  }
0x90: {  	s5 =	sand.u32 $0x70, s0;
	s14 =	sand.u32 $0x3FFFFF00, s14;
	[tilespmem:s6+$0x1D000] =	vst v12  }
0x91: {  	s6 =	sor.u32 s5, s14;
	[tilespmem:s3+$0x1E580] =	vst v10  }
0x92: {  	s3 =	sadd.s32 s0, s7;
	s14 =	sadd.s32 $0x1F400, s6;
	v10 =	vld [tilespmem:s6+$0x1F400]  }
0x93: {  	v11 =	vmov s3;
	v12 =	vor.u32 s3, v0;
	v13 =	vld [tilespmem:s14+$0x80]  }
0x94: {  	v12 =	vand.u32 $0x7F, v12;
	v11 =	vshrl.u32 v11, $0x7  }
0x95: {  	v12 =	vcvt.s32.f32 v12  }
0x96: {  	v11 =	vcvt.s32.f32 v11  }
0x97: {  	v10 =	vadd.f32 v12, v10  }
0x98: {  	v11 =	vadd.f32 v11, v13  }
0x99: {  	v12 =	vtrunc.f32 v10  }
0x9a: {  	v13 =	vcvt.f32.s32 v12;
	vm0 =	vlt.f32 v10, v12;
	v12 =	vtrunc.f32 v11  }
0x9b: {  	v14 =	vsel vm0, $0xFFFFFFFF, v9;
	v15 =	vcvt.f32.s32 v12;
	vm0 =	vlt.f32 v11, v12  }
0x9c: {  	v12 =	vadd.s32 v13, v14;
	v13 =	vsel vm0, $0xFFFFFFFF, v9  }
0x9d: {  	v13 =	vadd.s32 v15, v13;
	v14 =	vcvt.s32.f32 v12;
	v15 =	vadd.s32 $0x1, v12  }
0x9e: {  	v16 =	vcvt.s32.f32 v13;
	v17 =	vor.u32 v12, v13;
	v18 =	vshll.u32 v13, $0x7  }
0x9f: {  	v20 =	vor.u32 v13, v15;
	v14 =	vsub.f32 v10, v14;
	v19 =	vadd.s32 v12, v18  }
0xa0: {  	v10 =	vadd.s32 $0x1, v13;
	v11 =	vsub.f32 v11, v16;
	v16 =	vadd.s32 v15, v18  }
0xa1: {  	v13 =	vor.u32 v12, v10;
	v18 =	vadd.s32 $0x80, v18;
	v21 =	vor.u32 v15, v10  }
0xa2: {  	s3 =	sshll.u32 s10, $0x6;
	v22 =	vsub.f32 $1.000000000e+00, v14;
	v12 =	vadd.s32 v12, v18;
	v23 =	vsub.f32 $1.000000000e+00, v11  }
0xa3: {  	s6 =	sand.u32 $0xFFFFFE00, s3;
	vm0 =	vlt.u32 v17, $0x80;
	v15 =	vadd.s32 v15, v18;
	v10 =	vmul.f32 v11, v14  }
0xa4: {  	s3 =	sor.u32 s5, s6;
	s6 =	sshrl.u32 s6, $0x2;
	v18 =	vnsel vm0, $0x0, v19;
	v17 =	vmul.f32 v23, v22;
	v14 =	vmul.f32 v23, v14  }
0xa5: {  	s6 =	sor.u32 s5, s6;
	v11 =	vmul.f32 v11, v22;
	[tilespmem:s3+$0x1D400] =	vst v18;
	v18 =	vshra.s32 v18, $0x1  }
0xa6: {  	[tilespmem:s6+$0x1C400] =	vst v18;
	v17 =	vnsel vm0, $0x0, v17;
	vm0 =	vlt.u32 v20, $0x80  }
0xa7: {  	[tilespmem:s3+$0x1E400] =	vst v17;
	v16 =	vnsel vm0, $0x0, v16  }
.Ltmp1:
0xa8: {  	v14 =	vnsel vm0, $0x0, v14;
	[tilespmem:s3+$0x1D480] =	vst v16;
	v16 =	vshra.s32 v16, $0x1;
	(pc) =	sbr.rel @p0 .LBB2_5-.Ltmp1, $4  }
0xa9: {  	vm1 =	vlt.u32 v13, $0x80;
	[tilespmem:s6+$0x1C800] =	vst v16  }
0xaa: {  	v12 =	vnsel vm1, $0x0, v12;
	[tilespmem:s3+$0x1E480] =	vst v14  }
0xab: {  	vm0 =	vlt.u32 v21, $0x80;
	[tilespmem:s3+$0x1D500] =	vst v12;
	v12 =	vshra.s32 v12, $0x1  }
0xac: {  	[tilespmem:s6+$0x1CC00] =	vst v12;
	v12 =	vnsel vm1, $0x0, v11;
	v11 =	vnsel vm0, $0x0, v15  }
0xad: {  	[tilespmem:s3+$0x1E500] =	vst v12  }
0xae: {  	v63 =	vshra.s32 v11, $0x1;
	[tilespmem:s3+$0x1D580] =	vst v11  }
0xaf: {  	v10 =	vnsel vm0, $0x0, v10;
	[tilespmem:s6+$0x1D000] =	vst v63  }
0xb0: {  	[tilespmem:s3+$0x1E580] =	vst v10  }
0xb1: {  	[bflag:$0x0] =	sbarrier.arrive $0xFFFF  }
0xb2: {  	s31 =	sshll.u32 s30, $0x12;
	s5 =	simm.s32 $0x0;
	s0 =	rddreg [dreg:$0x0]  }
0xb3: {  	s14 =	simm.s32 $0x0;
	s1 =	simm.s32 $0x0;
	s0 =	sadd.s32 s0, s31  }
.LBB2_7:
0xb4: {  	s3 =	sshll.u32 s1, $0x7  }
0xb5: {  	s6 =	sadd.s32 s7, s3  }
0xb6: {  	s6 =	sshll.u32 s6, $0x4  }
0xb7: {  	s6 =	sadd.s32 s6, s0  }
0xb8: {  	[tilespmem:s22], [sflag:$0x1] =	stream.linear.gather [hbm4b:s6+s5], $0x4000, $0x38;
	[tilespmem:$0x1FD00] =	vst v63  }
0xb9: {  	_ =	swait.ge [sflag:s20], $0x4000  }
0xba: {  	[sflag:s20] =	ssyncset.done $0x0  }
0xbb: {  	s18 =	smov.u32 s28;
	s21 =	simm.s32 $0x0;
	[sflag:s20] =	ssyncadd.s32 $0xFFFFC000  }
.LBB2_8:
0xbc: {  	s10 =	sadd.s32 s21, s14  }
0xbd: {  	v10 =	vmov s10  }
0xbe: {  	v11 =	vshll.u32 v10, $0x2  }
0xbf: {  	v10 =	vand.u32 $0x7C, v10;
	v11 =	vand.u32 $0xE00, v11  }
0xc0: {  	v10 =	vor.u32 v10, v11;
	_ =	sdelay $0x4  }
0xc1: {  	v11 =	vld.idx.msk [tilespmem:v10+s24+$0x0], $0xffff;
	_ =	sdelay $0x4  }
0xc2: {  	v13 =	vld [tilespmem:s18+$0xFFFFFF00];
	v12 =	vshll.u32 v11, $0x6  }
0xc3: {  	s6 =	sshll.u32 s21, $0x7;
	v10 =	vld.idx.msk [tilespmem:v10+s23+$0x0], $0xffff;
	v12 =	vand.u32 $0x40, v12  }
0xc4: {  	v14 =	vor.u32 s6, v12  }
0xc5: {  	v12 =	vsub.s32 s6, v12;
	v15 =	vor.u32 v0, v14  }
0xc6: {  	v16 =	vadd.s32 v4, v12;
	_ =	sdelay $0x1  }
0xc7: {  	v13 =	vmul.f32 v13, v10;
	_ =	sdelay $0x1  }
0xc8: {  	[tilespmem:v15+s19+$0x0] =	vst.idx.msk $0xffff, v13  }
0xc9: {  	[tilespmem:v16+s19+$0x0] =	vst.idx.msk $0xffff, v8  }
0xca: {  	v13 =	vld [tilespmem:s18+$0xFFFFFF10];
	_ =	sdelay $0x1  }
0xcb: {  	v30 =	vor.u32 v1, v14  }
0xcc: {  	v31 =	vadd.s32 v5, v12;
	_ =	sdelay $0x1  }
0xcd: {  	v13 =	vmul.f32 v13, v10;
	_ =	sdelay $0x1  }
0xce: {  	[tilespmem:v30+s19+$0x0] =	vst.idx.msk $0xffff, v13  }
0xcf: {  	[tilespmem:v31+s19+$0x0] =	vst.idx.msk $0xffff, v8  }
0xd0: {  	v13 =	vld [tilespmem:s18+$0xFFFFFF20];
	_ =	sdelay $0x1  }
0xd1: {  	v32 =	vor.u32 v2, v14  }
0xd2: {  	v33 =	vadd.s32 v6, v12;
	_ =	sdelay $0x1  }
0xd3: {  	v13 =	vmul.f32 v13, v10;
	_ =	sdelay $0x1  }
0xd4: {  	[tilespmem:v32+s19+$0x0] =	vst.idx.msk $0xffff, v13  }
0xd5: {  	[tilespmem:v33+s19+$0x0] =	vst.idx.msk $0xffff, v8  }
0xd6: {  	v13 =	vld [tilespmem:s18+$0xFFFFFF30]  }
0xd7: {  	s11 =	sadd.s32 $0x1, s10  }
0xd8: {  	v34 =	vmov s11;
	v14 =	vor.u32 v3, v14  }
0xd9: {  	v35 =	vshll.u32 v34, $0x2;
	v12 =	vadd.s32 v7, v12  }
0xda: {  	v15 =	vand.u32 $0x7D, v34;
	v16 =	vand.u32 $0x7FFFFE00, v35  }
0xdb: {  	v15 =	vor.u32 v15, v16;
	v13 =	vmul.f32 v13, v10;
	_ =	sdelay $0x1  }
0xdc: {  	[tilespmem:v14+s19+$0x0] =	vst.idx.msk $0xffff, v13  }
0xdd: {  	[tilespmem:v12+s19+$0x0] =	vst.idx.msk $0xffff, v8  }
0xde: {  	[tilespmem:v11+s25+$0x0] =	vst.idx.add.f32.msk $0x1, v10  }
0xdf: {  	v10 =	vld.idx.msk [tilespmem:v15+s24+$0x0], $0xffff;
	_ =	sdelay $0x4  }
0xe0: {  	v11 =	vld.idx.msk [tilespmem:v15+s23+$0x0], $0xffff;
	v36 =	vshll.u32 v10, $0x6  }
0xe1: {  	s11 =	sadd.s32 $0x80, s6;
	v13 =	vld [tilespmem:s18+$0xFFFFFF80];
	v12 =	vand.u32 $0x40, v36  }
0xe2: {  	v37 =	vor.u32 s11, v12  }
0xe3: {  	v12 =	vsub.s32 s11, v12;
	v38 =	vor.u32 v0, v37  }
0xe4: {  	v39 =	vadd.s32 v4, v12;
	_ =	sdelay $0x1  }
0xe5: {  	v13 =	vmul.f32 v13, v11;
	_ =	sdelay $0x1  }
0xe6: {  	[tilespmem:v38+s19+$0x0] =	vst.idx.msk $0xffff, v13  }
0xe7: {  	[tilespmem:v39+s19+$0x0] =	vst.idx.msk $0xffff, v8  }
0xe8: {  	v13 =	vld [tilespmem:s18+$0xFFFFFF90];
	_ =	sdelay $0x1  }
0xe9: {  	v40 =	vor.u32 v1, v37  }
0xea: {  	v41 =	vadd.s32 v5, v12;
	_ =	sdelay $0x1  }
0xeb: {  	v13 =	vmul.f32 v13, v11;
	_ =	sdelay $0x1  }
0xec: {  	[tilespmem:v40+s19+$0x0] =	vst.idx.msk $0xffff, v13  }
0xed: {  	[tilespmem:v41+s19+$0x0] =	vst.idx.msk $0xffff, v8  }
0xee: {  	v13 =	vld [tilespmem:s18+$0xFFFFFFA0];
	_ =	sdelay $0x1  }
0xef: {  	v42 =	vor.u32 v2, v37  }
0xf0: {  	v43 =	vadd.s32 v6, v12;
	_ =	sdelay $0x1  }
0xf1: {  	v13 =	vmul.f32 v13, v11;
	_ =	sdelay $0x1  }
0xf2: {  	[tilespmem:v42+s19+$0x0] =	vst.idx.msk $0xffff, v13  }
0xf3: {  	[tilespmem:v43+s19+$0x0] =	vst.idx.msk $0xffff, v8  }
0xf4: {  	v13 =	vld [tilespmem:s18+$0xFFFFFFB0]  }
0xf5: {  	s11 =	sadd.s32 $0x2, s10  }
0xf6: {  	v14 =	vor.u32 v3, v37;
	v44 =	vmov s11  }
0xf7: {  	v12 =	vadd.s32 v7, v12;
	v45 =	vshll.u32 v44, $0x2  }
0xf8: {  	v15 =	vand.u32 $0x7E, v44;
	v16 =	vand.u32 $0x7FFFFE00, v45  }
0xf9: {  	v15 =	vor.u32 v15, v16;
	v13 =	vmul.f32 v13, v11;
	_ =	sdelay $0x1  }
0xfa: {  	[tilespmem:v14+s19+$0x0] =	vst.idx.msk $0xffff, v13  }
0xfb: {  	[tilespmem:v12+s19+$0x0] =	vst.idx.msk $0xffff, v8  }
0xfc: {  	[tilespmem:v10+s25+$0x0] =	vst.idx.add.f32.msk $0x1, v11  }
0xfd: {  	v10 =	vld.idx.msk [tilespmem:v15+s24+$0x0], $0xffff;
	_ =	sdelay $0x4  }
0xfe: {  	v11 =	vld.idx.msk [tilespmem:v15+s23+$0x0], $0xffff;
	v46 =	vshll.u32 v10, $0x6  }
0xff: {  	s11 =	sadd.s32 $0x100, s6;
	v13 =	vld [tilespmem:s18+$0x0];
	v12 =	vand.u32 $0x40, v46  }
0x100: {  	v47 =	vor.u32 s11, v12  }
0x101: {  	v12 =	vsub.s32 s11, v12;
	v48 =	vor.u32 v0, v47  }
0x102: {  	v49 =	vadd.s32 v4, v12;
	_ =	sdelay $0x1  }
0x103: {  	v13 =	vmul.f32 v13, v11;
	_ =	sdelay $0x1  }
0x104: {  	[tilespmem:v48+s19+$0x0] =	vst.idx.msk $0xffff, v13  }
0x105: {  	[tilespmem:v49+s19+$0x0] =	vst.idx.msk $0xffff, v8  }
0x106: {  	v13 =	vld [tilespmem:s18+$0x10];
	_ =	sdelay $0x1  }
0x107: {  	v50 =	vor.u32 v1, v47  }
0x108: {  	v51 =	vadd.s32 v5, v12;
	_ =	sdelay $0x1  }
0x109: {  	v13 =	vmul.f32 v13, v11;
	_ =	sdelay $0x1  }
0x10a: {  	[tilespmem:v50+s19+$0x0] =	vst.idx.msk $0xffff, v13  }
0x10b: {  	[tilespmem:v51+s19+$0x0] =	vst.idx.msk $0xffff, v8  }
0x10c: {  	v13 =	vld [tilespmem:s18+$0x20];
	_ =	sdelay $0x1  }
0x10d: {  	v52 =	vor.u32 v2, v47  }
0x10e: {  	v53 =	vadd.s32 v6, v12;
	_ =	sdelay $0x1  }
0x10f: {  	v13 =	vmul.f32 v13, v11;
	_ =	sdelay $0x1  }
0x110: {  	[tilespmem:v52+s19+$0x0] =	vst.idx.msk $0xffff, v13  }
0x111: {  	[tilespmem:v53+s19+$0x0] =	vst.idx.msk $0xffff, v8  }
0x112: {  	v13 =	vld [tilespmem:s18+$0x30]  }
0x113: {  	s10 =	sadd.s32 $0x3, s10  }
0x114: {  	v54 =	vmov s10;
	v14 =	vor.u32 v3, v47  }
0x115: {  	v55 =	vshll.u32 v54, $0x2;
	v12 =	vadd.s32 v7, v12  }
0x116: {  	v16 =	vand.u32 $0x7FFFFE00, v55;
	v15 =	vand.u32 $0x7F, v54  }
0x117: {  	v15 =	vor.u32 v15, v16;
	v13 =	vmul.f32 v13, v11;
	_ =	sdelay $0x1  }
0x118: {  	[tilespmem:v14+s19+$0x0] =	vst.idx.msk $0xffff, v13  }
0x119: {  	[tilespmem:v12+s19+$0x0] =	vst.idx.msk $0xffff, v8  }
0x11a: {  	[tilespmem:v10+s25+$0x0] =	vst.idx.add.f32.msk $0x1, v11  }
0x11b: {  	v10 =	vld.idx.msk [tilespmem:v15+s24+$0x0], $0xffff;
	_ =	sdelay $0x4  }
0x11c: {  	v11 =	vld.idx.msk [tilespmem:v15+s23+$0x0], $0xffff;
	v56 =	vshll.u32 v10, $0x6  }
0x11d: {  	s6 =	sadd.s32 $0x180, s6;
	v13 =	vld [tilespmem:s18+$0x80];
	v12 =	vand.u32 $0x40, v56  }
0x11e: {  	v57 =	vor.u32 s6, v12  }
0x11f: {  	v12 =	vsub.s32 s6, v12;
	v58 =	vor.u32 v0, v57  }
0x120: {  	v59 =	vadd.s32 v4, v12;
	_ =	sdelay $0x1  }
0x121: {  	v13 =	vmul.f32 v13, v11;
	_ =	sdelay $0x1  }
0x122: {  	[tilespmem:v58+s19+$0x0] =	vst.idx.msk $0xffff, v13  }
0x123: {  	[tilespmem:v59+s19+$0x0] =	vst.idx.msk $0xffff, v8  }
0x124: {  	v13 =	vld [tilespmem:s18+$0x90];
	_ =	sdelay $0x1  }
0x125: {  	v60 =	vor.u32 v1, v57  }
0x126: {  	v61 =	vadd.s32 v5, v12;
	_ =	sdelay $0x1  }
0x127: {  	v13 =	vmul.f32 v13, v11;
	_ =	sdelay $0x1  }
0x128: {  	[tilespmem:v60+s19+$0x0] =	vst.idx.msk $0xffff, v13  }
0x129: {  	[tilespmem:v61+s19+$0x0] =	vst.idx.msk $0xffff, v8  }
0x12a: {  	v13 =	vld [tilespmem:s18+$0xA0];
	_ =	sdelay $0x1  }
0x12b: {  	v62 =	vor.u32 v2, v57  }
0x12c: {  	v63 =	vadd.s32 v6, v12;
	_ =	sdelay $0x1  }
0x12d: {  	v13 =	vmul.f32 v13, v11;
	_ =	sdelay $0x1  }
0x12e: {  	[tilespmem:v62+s19+$0x0] =	vst.idx.msk $0xffff, v13  }
0x12f: {  	[tilespmem:v63+s19+$0x0] =	vst.idx.msk $0xffff, v8  }
0x130: {  	v13 =	vld [tilespmem:s18+$0xB0];
	_ =	sdelay $0x1  }
0x131: {  	v14 =	vor.u32 v3, v57  }
0x132: {  	v12 =	vadd.s32 v7, v12  }
0x133: {  	p0 =	sne.s32 s21, $0x7C  }
.Ltmp2:
0x134: {  	v13 =	vmul.f32 v13, v11;
	(pc) =	sbr.rel @p0 .LBB2_8-.Ltmp2, $4  }
0x135: {  	_ = 	snop  }
0x136: {  	[tilespmem:v14+s19+$0x0] =	vst.idx.msk $0xffff, v13  }
0x137: {  	[tilespmem:v12+s19+$0x0] =	vst.idx.msk $0xffff, v8  }
0x138: {  	s21 =	sadd.s32 $0x4, s21;
	s18 =	sadd.s32 $0x200, s18;
	[tilespmem:v10+s25+$0x0] =	vst.idx.add.f32.msk $0x1, v11  }
0x139: {  	s6 =	sadd.s32 $0x1C400, s3  }
0x13a: {  	[spmem:s2] =	stream.indirect.scatter.add.f32 [tilespmem:s19], [sflag:$0x1], $0x80, s6, s26, $0xb8;
	[tilespmem:$0x1FD00] =	vst v63  }
0x13b: {  	_ =	swait.ge [sflag:s20], $0x4000  }
0x13c: {  	[sflag:s20] =	ssyncset.done $0x0  }
0x13d: {  	s21 =	simm.s32 $0x0;
	s18 =	smov.u32 s28;
	[sflag:s20] =	ssyncadd.s32 $0xFFFFC000  }
.LBB2_10:
0x13e: {  	s10 =	sadd.s32 s21, s14  }
0x13f: {  	v10 =	vmov s10  }
0x140: {  	v11 =	vshll.u32 v10, $0x2  }
0x141: {  	v10 =	vand.u32 $0x7C, v10;
	v11 =	vand.u32 $0xE00, v11  }
0x142: {  	v10 =	vor.u32 v11, v10  }
0x143: {  	v10 =	vor.u32 $0x80, v10;
	_ =	sdelay $0x4  }
0x144: {  	v11 =	vld.idx.msk [tilespmem:v10+s24+$0x0], $0xffff;
	_ =	sdelay $0x4  }
0x145: {  	v13 =	vld [tilespmem:s18+$0xFFFFFF00];
	v12 =	vshll.u32 v11, $0x6  }
0x146: {  	s6 =	sshll.u32 s21, $0x7;
	v10 =	vld.idx.msk [tilespmem:v10+s23+$0x0], $0xffff;
	v12 =	vand.u32 $0x40, v12  }
0x147: {  	v14 =	vor.u32 s6, v12  }
0x148: {  	v12 =	vsub.s32 s6, v12;
	v15 =	vor.u32 v0, v14  }
0x149: {  	v16 =	vadd.s32 v4, v12;
	_ =	sdelay $0x1  }
0x14a: {  	v13 =	vmul.f32 v13, v10;
	_ =	sdelay $0x1  }
0x14b: {  	[tilespmem:v15+s19+$0x0] =	vst.idx.msk $0xffff, v13  }
0x14c: {  	[tilespmem:v16+s19+$0x0] =	vst.idx.msk $0xffff, v8  }
0x14d: {  	v13 =	vld [tilespmem:s18+$0xFFFFFF10];
	_ =	sdelay $0x1  }
0x14e: {  	v30 =	vor.u32 v1, v14  }
0x14f: {  	v31 =	vadd.s32 v5, v12;
	_ =	sdelay $0x1  }
0x150: {  	v13 =	vmul.f32 v13, v10;
	_ =	sdelay $0x1  }
0x151: {  	[tilespmem:v30+s19+$0x0] =	vst.idx.msk $0xffff, v13  }
0x152: {  	[tilespmem:v31+s19+$0x0] =	vst.idx.msk $0xffff, v8  }
0x153: {  	v13 =	vld [tilespmem:s18+$0xFFFFFF20];
	_ =	sdelay $0x1  }
0x154: {  	v32 =	vor.u32 v2, v14  }
0x155: {  	v33 =	vadd.s32 v6, v12;
	_ =	sdelay $0x1  }
0x156: {  	v13 =	vmul.f32 v13, v10;
	_ =	sdelay $0x1  }
0x157: {  	[tilespmem:v32+s19+$0x0] =	vst.idx.msk $0xffff, v13  }
0x158: {  	[tilespmem:v33+s19+$0x0] =	vst.idx.msk $0xffff, v8  }
0x159: {  	s11 =	sadd.s32 $0x1, s10;
	v13 =	vld [tilespmem:s18+$0xFFFFFF30]  }
0x15a: {  	v34 =	vmov s11  }
0x15b: {  	v35 =	vshll.u32 v34, $0x2;
	v14 =	vor.u32 v3, v14  }
0x15c: {  	v12 =	vadd.s32 v7, v12;
	v15 =	vand.u32 $0x7D, v34;
	v16 =	vand.u32 $0x7FFFFE00, v35  }
0x15d: {  	v15 =	vor.u32 v16, v15  }
0x15e: {  	v15 =	vor.u32 $0x80, v15;
	v13 =	vmul.f32 v13, v10;
	_ =	sdelay $0x1  }
0x15f: {  	[tilespmem:v14+s19+$0x0] =	vst.idx.msk $0xffff, v13  }
0x160: {  	[tilespmem:v12+s19+$0x0] =	vst.idx.msk $0xffff, v8  }
0x161: {  	[tilespmem:v11+s25+$0x0] =	vst.idx.add.f32.msk $0x1, v10  }
0x162: {  	v10 =	vld.idx.msk [tilespmem:v15+s24+$0x0], $0xffff;
	_ =	sdelay $0x4  }
0x163: {  	v11 =	vld.idx.msk [tilespmem:v15+s23+$0x0], $0xffff;
	v36 =	vshll.u32 v10, $0x6  }
0x164: {  	s11 =	sadd.s32 $0x80, s6;
	v13 =	vld [tilespmem:s18+$0xFFFFFF80];
	v12 =	vand.u32 $0x40, v36  }
0x165: {  	v37 =	vor.u32 s11, v12  }
0x166: {  	v12 =	vsub.s32 s11, v12;
	v38 =	vor.u32 v0, v37  }
0x167: {  	v39 =	vadd.s32 v4, v12;
	_ =	sdelay $0x1  }
0x168: {  	v13 =	vmul.f32 v13, v11;
	_ =	sdelay $0x1  }
0x169: {  	[tilespmem:v38+s19+$0x0] =	vst.idx.msk $0xffff, v13  }
0x16a: {  	[tilespmem:v39+s19+$0x0] =	vst.idx.msk $0xffff, v8  }
0x16b: {  	v13 =	vld [tilespmem:s18+$0xFFFFFF90];
	_ =	sdelay $0x1  }
0x16c: {  	v40 =	vor.u32 v1, v37  }
0x16d: {  	v41 =	vadd.s32 v5, v12;
	_ =	sdelay $0x1  }
0x16e: {  	v13 =	vmul.f32 v13, v11;
	_ =	sdelay $0x1  }
0x16f: {  	[tilespmem:v40+s19+$0x0] =	vst.idx.msk $0xffff, v13  }
0x170: {  	[tilespmem:v41+s19+$0x0] =	vst.idx.msk $0xffff, v8  }
0x171: {  	v13 =	vld [tilespmem:s18+$0xFFFFFFA0];
	_ =	sdelay $0x1  }
0x172: {  	v42 =	vor.u32 v2, v37  }
0x173: {  	v43 =	vadd.s32 v6, v12;
	_ =	sdelay $0x1  }
0x174: {  	v13 =	vmul.f32 v13, v11;
	_ =	sdelay $0x1  }
0x175: {  	[tilespmem:v42+s19+$0x0] =	vst.idx.msk $0xffff, v13  }
0x176: {  	[tilespmem:v43+s19+$0x0] =	vst.idx.msk $0xffff, v8  }
0x177: {  	s11 =	sadd.s32 $0x2, s10;
	v13 =	vld [tilespmem:s18+$0xFFFFFFB0]  }
0x178: {  	v44 =	vmov s11  }
0x179: {  	v14 =	vor.u32 v3, v37;
	v45 =	vshll.u32 v44, $0x2  }
0x17a: {  	v12 =	vadd.s32 v7, v12;
	v15 =	vand.u32 $0x7E, v44;
	v16 =	vand.u32 $0x7FFFFE00, v45  }
0x17b: {  	v15 =	vor.u32 v16, v15  }
0x17c: {  	v15 =	vor.u32 $0x80, v15;
	v13 =	vmul.f32 v13, v11;
	_ =	sdelay $0x1  }
0x17d: {  	[tilespmem:v14+s19+$0x0] =	vst.idx.msk $0xffff, v13  }
0x17e: {  	[tilespmem:v12+s19+$0x0] =	vst.idx.msk $0xffff, v8  }
0x17f: {  	[tilespmem:v10+s25+$0x0] =	vst.idx.add.f32.msk $0x1, v11  }
0x180: {  	v10 =	vld.idx.msk [tilespmem:v15+s24+$0x0], $0xffff;
	_ =	sdelay $0x4  }
0x181: {  	v11 =	vld.idx.msk [tilespmem:v15+s23+$0x0], $0xffff;
	v46 =	vshll.u32 v10, $0x6  }
0x182: {  	s11 =	sadd.s32 $0x100, s6;
	v13 =	vld [tilespmem:s18+$0x0];
	v12 =	vand.u32 $0x40, v46  }
0x183: {  	v47 =	vor.u32 s11, v12  }
0x184: {  	v12 =	vsub.s32 s11, v12;
	v48 =	vor.u32 v0, v47  }
0x185: {  	v49 =	vadd.s32 v4, v12;
	_ =	sdelay $0x1  }
0x186: {  	v13 =	vmul.f32 v13, v11;
	_ =	sdelay $0x1  }
0x187: {  	[tilespmem:v48+s19+$0x0] =	vst.idx.msk $0xffff, v13  }
0x188: {  	[tilespmem:v49+s19+$0x0] =	vst.idx.msk $0xffff, v8  }
0x189: {  	v13 =	vld [tilespmem:s18+$0x10];
	_ =	sdelay $0x1  }
0x18a: {  	v50 =	vor.u32 v1, v47  }
0x18b: {  	v51 =	vadd.s32 v5, v12;
	_ =	sdelay $0x1  }
0x18c: {  	v13 =	vmul.f32 v13, v11;
	_ =	sdelay $0x1  }
0x18d: {  	[tilespmem:v50+s19+$0x0] =	vst.idx.msk $0xffff, v13  }
0x18e: {  	[tilespmem:v51+s19+$0x0] =	vst.idx.msk $0xffff, v8  }
0x18f: {  	v13 =	vld [tilespmem:s18+$0x20];
	_ =	sdelay $0x1  }
0x190: {  	v52 =	vor.u32 v2, v47  }
0x191: {  	v53 =	vadd.s32 v6, v12;
	_ =	sdelay $0x1  }
0x192: {  	v13 =	vmul.f32 v13, v11;
	_ =	sdelay $0x1  }
0x193: {  	[tilespmem:v52+s19+$0x0] =	vst.idx.msk $0xffff, v13  }
0x194: {  	[tilespmem:v53+s19+$0x0] =	vst.idx.msk $0xffff, v8  }
0x195: {  	s10 =	sadd.s32 $0x3, s10;
	v13 =	vld [tilespmem:s18+$0x30]  }
0x196: {  	v54 =	vmov s10  }
0x197: {  	v55 =	vshll.u32 v54, $0x2;
	v14 =	vor.u32 v3, v47  }
0x198: {  	v16 =	vand.u32 $0x7FFFFE00, v55;
	v15 =	vand.u32 $0x7F, v54;
	v12 =	vadd.s32 v7, v12  }
0x199: {  	v15 =	vor.u32 v16, v15  }
0x19a: {  	v15 =	vor.u32 $0x80, v15;
	v13 =	vmul.f32 v13, v11;
	_ =	sdelay $0x1  }
0x19b: {  	[tilespmem:v14+s19+$0x0] =	vst.idx.msk $0xffff, v13  }
0x19c: {  	[tilespmem:v12+s19+$0x0] =	vst.idx.msk $0xffff, v8  }
0x19d: {  	[tilespmem:v10+s25+$0x0] =	vst.idx.add.f32.msk $0x1, v11  }
0x19e: {  	v10 =	vld.idx.msk [tilespmem:v15+s24+$0x0], $0xffff;
	_ =	sdelay $0x4  }
0x19f: {  	v11 =	vld.idx.msk [tilespmem:v15+s23+$0x0], $0xffff;
	v56 =	vshll.u32 v10, $0x6  }
0x1a0: {  	s6 =	sadd.s32 $0x180, s6;
	v13 =	vld [tilespmem:s18+$0x80];
	v12 =	vand.u32 $0x40, v56  }
0x1a1: {  	v57 =	vor.u32 s6, v12  }
0x1a2: {  	v12 =	vsub.s32 s6, v12;
	v58 =	vor.u32 v0, v57  }
0x1a3: {  	v59 =	vadd.s32 v4, v12;
	_ =	sdelay $0x1  }
0x1a4: {  	v13 =	vmul.f32 v13, v11;
	_ =	sdelay $0x1  }
0x1a5: {  	[tilespmem:v58+s19+$0x0] =	vst.idx.msk $0xffff, v13  }
0x1a6: {  	[tilespmem:v59+s19+$0x0] =	vst.idx.msk $0xffff, v8  }
0x1a7: {  	v13 =	vld [tilespmem:s18+$0x90];
	_ =	sdelay $0x1  }
0x1a8: {  	v60 =	vor.u32 v1, v57  }
0x1a9: {  	v61 =	vadd.s32 v5, v12;
	_ =	sdelay $0x1  }
0x1aa: {  	v13 =	vmul.f32 v13, v11;
	_ =	sdelay $0x1  }
0x1ab: {  	[tilespmem:v60+s19+$0x0] =	vst.idx.msk $0xffff, v13  }
0x1ac: {  	[tilespmem:v61+s19+$0x0] =	vst.idx.msk $0xffff, v8  }
0x1ad: {  	v13 =	vld [tilespmem:s18+$0xA0];
	_ =	sdelay $0x1  }
0x1ae: {  	v62 =	vor.u32 v2, v57  }
0x1af: {  	v63 =	vadd.s32 v6, v12;
	_ =	sdelay $0x1  }
0x1b0: {  	v13 =	vmul.f32 v13, v11;
	_ =	sdelay $0x1  }
0x1b1: {  	[tilespmem:v62+s19+$0x0] =	vst.idx.msk $0xffff, v13  }
0x1b2: {  	[tilespmem:v63+s19+$0x0] =	vst.idx.msk $0xffff, v8  }
0x1b3: {  	v13 =	vld [tilespmem:s18+$0xB0];
	_ =	sdelay $0x1  }
0x1b4: {  	v14 =	vor.u32 v3, v57  }
0x1b5: {  	v12 =	vadd.s32 v7, v12  }
0x1b6: {  	p0 =	sne.s32 s21, $0x7C  }
.Ltmp3:
0x1b7: {  	v13 =	vmul.f32 v13, v11;
	(pc) =	sbr.rel @p0 .LBB2_10-.Ltmp3, $4  }
0x1b8: {  	_ = 	snop  }
0x1b9: {  	[tilespmem:v14+s19+$0x0] =	vst.idx.msk $0xffff, v13  }
0x1ba: {  	[tilespmem:v12+s19+$0x0] =	vst.idx.msk $0xffff, v8  }
0x1bb: {  	s21 =	sadd.s32 $0x4, s21;
	s18 =	sadd.s32 $0x200, s18;
	[tilespmem:v10+s25+$0x0] =	vst.idx.add.f32.msk $0x1, v11  }
0x1bc: {  	s3 =	sand.u32 $0x3FFFFF80, s3  }
0x1bd: {  	s6 =	sadd.s32 $0x1C800, s3  }
0x1be: {  	[spmem:s2] =	stream.indirect.scatter.add.f32 [tilespmem:s19], [sflag:$0x1], $0x80, s6, s26, $0xb8;
	[tilespmem:$0x1FD00] =	vst v63  }
0x1bf: {  	_ =	swait.ge [sflag:s20], $0x4000  }
0x1c0: {  	[sflag:s20] =	ssyncset.done $0x0  }
0x1c1: {  	s21 =	simm.s32 $0x0;
	s18 =	smov.u32 s28;
	[sflag:s20] =	ssyncadd.s32 $0xFFFFC000  }
.LBB2_12:
0x1c2: {  	s10 =	sadd.s32 s21, s14  }
0x1c3: {  	v10 =	vmov s10  }
0x1c4: {  	v11 =	vshll.u32 v10, $0x2  }
0x1c5: {  	v10 =	vand.u32 $0x7C, v10;
	v11 =	vand.u32 $0xE00, v11  }
0x1c6: {  	v10 =	vor.u32 v11, v10  }
0x1c7: {  	v10 =	vor.u32 $0x100, v10;
	_ =	sdelay $0x4  }
0x1c8: {  	v11 =	vld.idx.msk [tilespmem:v10+s24+$0x0], $0xffff;
	_ =	sdelay $0x4  }
0x1c9: {  	v13 =	vld [tilespmem:s18+$0xFFFFFF00];
	v12 =	vshll.u32 v11, $0x6  }
0x1ca: {  	s6 =	sshll.u32 s21, $0x7;
	v10 =	vld.idx.msk [tilespmem:v10+s23+$0x0], $0xffff;
	v12 =	vand.u32 $0x40, v12  }
0x1cb: {  	v14 =	vor.u32 s6, v12  }
0x1cc: {  	v12 =	vsub.s32 s6, v12;
	v15 =	vor.u32 v0, v14  }
0x1cd: {  	v16 =	vadd.s32 v4, v12;
	_ =	sdelay $0x1  }
0x1ce: {  	v13 =	vmul.f32 v13, v10;
	_ =	sdelay $0x1  }
0x1cf: {  	[tilespmem:v15+s19+$0x0] =	vst.idx.msk $0xffff, v13  }
0x1d0: {  	[tilespmem:v16+s19+$0x0] =	vst.idx.msk $0xffff, v8  }
0x1d1: {  	v13 =	vld [tilespmem:s18+$0xFFFFFF10];
	_ =	sdelay $0x1  }
0x1d2: {  	v30 =	vor.u32 v1, v14  }
0x1d3: {  	v31 =	vadd.s32 v5, v12;
	_ =	sdelay $0x1  }
0x1d4: {  	v13 =	vmul.f32 v13, v10;
	_ =	sdelay $0x1  }
0x1d5: {  	[tilespmem:v30+s19+$0x0] =	vst.idx.msk $0xffff, v13  }
0x1d6: {  	[tilespmem:v31+s19+$0x0] =	vst.idx.msk $0xffff, v8  }
0x1d7: {  	v13 =	vld [tilespmem:s18+$0xFFFFFF20];
	_ =	sdelay $0x1  }
0x1d8: {  	v32 =	vor.u32 v2, v14  }
0x1d9: {  	v33 =	vadd.s32 v6, v12;
	_ =	sdelay $0x1  }
0x1da: {  	v13 =	vmul.f32 v13, v10;
	_ =	sdelay $0x1  }
0x1db: {  	[tilespmem:v32+s19+$0x0] =	vst.idx.msk $0xffff, v13  }
0x1dc: {  	[tilespmem:v33+s19+$0x0] =	vst.idx.msk $0xffff, v8  }
0x1dd: {  	s11 =	sadd.s32 $0x1, s10;
	v13 =	vld [tilespmem:s18+$0xFFFFFF30]  }
0x1de: {  	v34 =	vmov s11  }
0x1df: {  	v35 =	vshll.u32 v34, $0x2;
	v14 =	vor.u32 v3, v14  }
0x1e0: {  	v12 =	vadd.s32 v7, v12;
	v15 =	vand.u32 $0x7D, v34;
	v16 =	vand.u32 $0x7FFFFE00, v35  }
0x1e1: {  	v15 =	vor.u32 v16, v15  }
0x1e2: {  	v15 =	vor.u32 $0x100, v15;
	v13 =	vmul.f32 v13, v10;
	_ =	sdelay $0x1  }
0x1e3: {  	[tilespmem:v14+s19+$0x0] =	vst.idx.msk $0xffff, v13  }
0x1e4: {  	[tilespmem:v12+s19+$0x0] =	vst.idx.msk $0xffff, v8  }
0x1e5: {  	[tilespmem:v11+s25+$0x0] =	vst.idx.add.f32.msk $0x1, v10  }
0x1e6: {  	v10 =	vld.idx.msk [tilespmem:v15+s24+$0x0], $0xffff;
	_ =	sdelay $0x4  }
0x1e7: {  	v11 =	vld.idx.msk [tilespmem:v15+s23+$0x0], $0xffff;
	v36 =	vshll.u32 v10, $0x6  }
0x1e8: {  	s11 =	sadd.s32 $0x80, s6;
	v13 =	vld [tilespmem:s18+$0xFFFFFF80];
	v12 =	vand.u32 $0x40, v36  }
0x1e9: {  	v37 =	vor.u32 s11, v12  }
0x1ea: {  	v12 =	vsub.s32 s11, v12;
	v38 =	vor.u32 v0, v37  }
0x1eb: {  	v39 =	vadd.s32 v4, v12;
	_ =	sdelay $0x1  }
0x1ec: {  	v13 =	vmul.f32 v13, v11;
	_ =	sdelay $0x1  }
0x1ed: {  	[tilespmem:v38+s19+$0x0] =	vst.idx.msk $0xffff, v13  }
0x1ee: {  	[tilespmem:v39+s19+$0x0] =	vst.idx.msk $0xffff, v8  }
0x1ef: {  	v13 =	vld [tilespmem:s18+$0xFFFFFF90];
	_ =	sdelay $0x1  }
0x1f0: {  	v40 =	vor.u32 v1, v37  }
0x1f1: {  	v41 =	vadd.s32 v5, v12;
	_ =	sdelay $0x1  }
0x1f2: {  	v13 =	vmul.f32 v13, v11;
	_ =	sdelay $0x1  }
0x1f3: {  	[tilespmem:v40+s19+$0x0] =	vst.idx.msk $0xffff, v13  }
0x1f4: {  	[tilespmem:v41+s19+$0x0] =	vst.idx.msk $0xffff, v8  }
0x1f5: {  	v13 =	vld [tilespmem:s18+$0xFFFFFFA0];
	_ =	sdelay $0x1  }
0x1f6: {  	v42 =	vor.u32 v2, v37  }
0x1f7: {  	v43 =	vadd.s32 v6, v12;
	_ =	sdelay $0x1  }
0x1f8: {  	v13 =	vmul.f32 v13, v11;
	_ =	sdelay $0x1  }
0x1f9: {  	[tilespmem:v42+s19+$0x0] =	vst.idx.msk $0xffff, v13  }
0x1fa: {  	[tilespmem:v43+s19+$0x0] =	vst.idx.msk $0xffff, v8  }
0x1fb: {  	s11 =	sadd.s32 $0x2, s10;
	v13 =	vld [tilespmem:s18+$0xFFFFFFB0]  }
0x1fc: {  	v44 =	vmov s11  }
0x1fd: {  	v14 =	vor.u32 v3, v37;
	v45 =	vshll.u32 v44, $0x2  }
0x1fe: {  	v12 =	vadd.s32 v7, v12;
	v15 =	vand.u32 $0x7E, v44;
	v16 =	vand.u32 $0x7FFFFE00, v45  }
0x1ff: {  	v15 =	vor.u32 v16, v15  }
0x200: {  	v15 =	vor.u32 $0x100, v15;
	v13 =	vmul.f32 v13, v11;
	_ =	sdelay $0x1  }
0x201: {  	[tilespmem:v14+s19+$0x0] =	vst.idx.msk $0xffff, v13  }
0x202: {  	[tilespmem:v12+s19+$0x0] =	vst.idx.msk $0xffff, v8  }
0x203: {  	[tilespmem:v10+s25+$0x0] =	vst.idx.add.f32.msk $0x1, v11  }
0x204: {  	v10 =	vld.idx.msk [tilespmem:v15+s24+$0x0], $0xffff;
	_ =	sdelay $0x4  }
0x205: {  	v11 =	vld.idx.msk [tilespmem:v15+s23+$0x0], $0xffff;
	v46 =	vshll.u32 v10, $0x6  }
0x206: {  	s11 =	sadd.s32 $0x100, s6;
	v13 =	vld [tilespmem:s18+$0x0];
	v12 =	vand.u32 $0x40, v46  }
0x207: {  	v47 =	vor.u32 s11, v12  }
0x208: {  	v12 =	vsub.s32 s11, v12;
	v48 =	vor.u32 v0, v47  }
0x209: {  	v49 =	vadd.s32 v4, v12;
	_ =	sdelay $0x1  }
0x20a: {  	v13 =	vmul.f32 v13, v11;
	_ =	sdelay $0x1  }
0x20b: {  	[tilespmem:v48+s19+$0x0] =	vst.idx.msk $0xffff, v13  }
0x20c: {  	[tilespmem:v49+s19+$0x0] =	vst.idx.msk $0xffff, v8  }
0x20d: {  	v13 =	vld [tilespmem:s18+$0x10];
	_ =	sdelay $0x1  }
0x20e: {  	v50 =	vor.u32 v1, v47  }
0x20f: {  	v51 =	vadd.s32 v5, v12;
	_ =	sdelay $0x1  }
0x210: {  	v13 =	vmul.f32 v13, v11;
	_ =	sdelay $0x1  }
0x211: {  	[tilespmem:v50+s19+$0x0] =	vst.idx.msk $0xffff, v13  }
0x212: {  	[tilespmem:v51+s19+$0x0] =	vst.idx.msk $0xffff, v8  }
0x213: {  	v13 =	vld [tilespmem:s18+$0x20];
	_ =	sdelay $0x1  }
0x214: {  	v52 =	vor.u32 v2, v47  }
0x215: {  	v53 =	vadd.s32 v6, v12;
	_ =	sdelay $0x1  }
0x216: {  	v13 =	vmul.f32 v13, v11;
	_ =	sdelay $0x1  }
0x217: {  	[tilespmem:v52+s19+$0x0] =	vst.idx.msk $0xffff, v13  }
0x218: {  	[tilespmem:v53+s19+$0x0] =	vst.idx.msk $0xffff, v8  }
0x219: {  	s10 =	sadd.s32 $0x3, s10;
	v13 =	vld [tilespmem:s18+$0x30]  }
0x21a: {  	v54 =	vmov s10  }
0x21b: {  	v55 =	vshll.u32 v54, $0x2;
	v14 =	vor.u32 v3, v47  }
0x21c: {  	v16 =	vand.u32 $0x7FFFFE00, v55;
	v15 =	vand.u32 $0x7F, v54;
	v12 =	vadd.s32 v7, v12  }
0x21d: {  	v15 =	vor.u32 v16, v15  }
0x21e: {  	v15 =	vor.u32 $0x100, v15;
	v13 =	vmul.f32 v13, v11;
	_ =	sdelay $0x1  }
0x21f: {  	[tilespmem:v14+s19+$0x0] =	vst.idx.msk $0xffff, v13  }
0x220: {  	[tilespmem:v12+s19+$0x0] =	vst.idx.msk $0xffff, v8  }
0x221: {  	[tilespmem:v10+s25+$0x0] =	vst.idx.add.f32.msk $0x1, v11  }
0x222: {  	v10 =	vld.idx.msk [tilespmem:v15+s24+$0x0], $0xffff;
	_ =	sdelay $0x4  }
0x223: {  	v11 =	vld.idx.msk [tilespmem:v15+s23+$0x0], $0xffff;
	v56 =	vshll.u32 v10, $0x6  }
0x224: {  	s6 =	sadd.s32 $0x180, s6;
	v13 =	vld [tilespmem:s18+$0x80];
	v12 =	vand.u32 $0x40, v56  }
0x225: {  	v57 =	vor.u32 s6, v12  }
0x226: {  	v12 =	vsub.s32 s6, v12;
	v58 =	vor.u32 v0, v57  }
0x227: {  	v59 =	vadd.s32 v4, v12;
	_ =	sdelay $0x1  }
0x228: {  	v13 =	vmul.f32 v13, v11;
	_ =	sdelay $0x1  }
0x229: {  	[tilespmem:v58+s19+$0x0] =	vst.idx.msk $0xffff, v13  }
0x22a: {  	[tilespmem:v59+s19+$0x0] =	vst.idx.msk $0xffff, v8  }
0x22b: {  	v13 =	vld [tilespmem:s18+$0x90];
	_ =	sdelay $0x1  }
0x22c: {  	v60 =	vor.u32 v1, v57  }
0x22d: {  	v61 =	vadd.s32 v5, v12;
	_ =	sdelay $0x1  }
0x22e: {  	v13 =	vmul.f32 v13, v11;
	_ =	sdelay $0x1  }
0x22f: {  	[tilespmem:v60+s19+$0x0] =	vst.idx.msk $0xffff, v13  }
0x230: {  	[tilespmem:v61+s19+$0x0] =	vst.idx.msk $0xffff, v8  }
0x231: {  	v13 =	vld [tilespmem:s18+$0xA0];
	_ =	sdelay $0x1  }
0x232: {  	v62 =	vor.u32 v2, v57  }
0x233: {  	v63 =	vadd.s32 v6, v12;
	_ =	sdelay $0x1  }
0x234: {  	v13 =	vmul.f32 v13, v11;
	_ =	sdelay $0x1  }
0x235: {  	[tilespmem:v62+s19+$0x0] =	vst.idx.msk $0xffff, v13  }
0x236: {  	[tilespmem:v63+s19+$0x0] =	vst.idx.msk $0xffff, v8  }
0x237: {  	v13 =	vld [tilespmem:s18+$0xB0];
	_ =	sdelay $0x1  }
0x238: {  	v14 =	vor.u32 v3, v57  }
0x239: {  	v12 =	vadd.s32 v7, v12  }
0x23a: {  	p0 =	sne.s32 s21, $0x7C  }
.Ltmp4:
0x23b: {  	v13 =	vmul.f32 v13, v11;
	(pc) =	sbr.rel @p0 .LBB2_12-.Ltmp4, $4  }
0x23c: {  	_ = 	snop  }
0x23d: {  	[tilespmem:v14+s19+$0x0] =	vst.idx.msk $0xffff, v13  }
0x23e: {  	[tilespmem:v12+s19+$0x0] =	vst.idx.msk $0xffff, v8  }
0x23f: {  	s21 =	sadd.s32 $0x4, s21;
	s18 =	sadd.s32 $0x200, s18;
	[tilespmem:v10+s25+$0x0] =	vst.idx.add.f32.msk $0x1, v11  }
0x240: {  	s6 =	sadd.s32 $0x1CC00, s3  }
0x241: {  	[spmem:s2] =	stream.indirect.scatter.add.f32 [tilespmem:s19], [sflag:$0x1], $0x80, s6, s26, $0xb8;
	[tilespmem:$0x1FD00] =	vst v63  }
0x242: {  	_ =	swait.ge [sflag:s20], $0x4000  }
0x243: {  	[sflag:s20] =	ssyncset.done $0x0  }
0x244: {  	s21 =	simm.s32 $0x0;
	s18 =	smov.u32 s28;
	[sflag:s20] =	ssyncadd.s32 $0xFFFFC000  }
.LBB2_14:
0x245: {  	s10 =	sadd.s32 s21, s14  }
0x246: {  	v10 =	vmov s10  }
0x247: {  	v11 =	vshll.u32 v10, $0x2  }
0x248: {  	v10 =	vand.u32 $0x7C, v10;
	v11 =	vand.u32 $0xE00, v11  }
0x249: {  	v10 =	vor.u32 v11, v10  }
0x24a: {  	v10 =	vor.u32 $0x180, v10;
	_ =	sdelay $0x4  }
0x24b: {  	v11 =	vld.idx.msk [tilespmem:v10+s24+$0x0], $0xffff;
	_ =	sdelay $0x4  }
0x24c: {  	v13 =	vld [tilespmem:s18+$0xFFFFFF00];
	v12 =	vshll.u32 v11, $0x6  }
0x24d: {  	s6 =	sshll.u32 s21, $0x7;
	v10 =	vld.idx.msk [tilespmem:v10+s23+$0x0], $0xffff;
	v12 =	vand.u32 $0x40, v12  }
0x24e: {  	v14 =	vor.u32 s6, v12  }
0x24f: {  	v12 =	vsub.s32 s6, v12;
	v15 =	vor.u32 v0, v14  }
0x250: {  	v16 =	vadd.s32 v4, v12;
	_ =	sdelay $0x1  }
0x251: {  	v13 =	vmul.f32 v13, v10;
	_ =	sdelay $0x1  }
0x252: {  	[tilespmem:v15+s19+$0x0] =	vst.idx.msk $0xffff, v13  }
0x253: {  	[tilespmem:v16+s19+$0x0] =	vst.idx.msk $0xffff, v8  }
0x254: {  	v13 =	vld [tilespmem:s18+$0xFFFFFF10];
	_ =	sdelay $0x1  }
0x255: {  	v30 =	vor.u32 v1, v14  }
0x256: {  	v31 =	vadd.s32 v5, v12;
	_ =	sdelay $0x1  }
0x257: {  	v13 =	vmul.f32 v13, v10;
	_ =	sdelay $0x1  }
0x258: {  	[tilespmem:v30+s19+$0x0] =	vst.idx.msk $0xffff, v13  }
0x259: {  	[tilespmem:v31+s19+$0x0] =	vst.idx.msk $0xffff, v8  }
0x25a: {  	v13 =	vld [tilespmem:s18+$0xFFFFFF20];
	_ =	sdelay $0x1  }
0x25b: {  	v32 =	vor.u32 v2, v14  }
0x25c: {  	v33 =	vadd.s32 v6, v12;
	_ =	sdelay $0x1  }
0x25d: {  	v13 =	vmul.f32 v13, v10;
	_ =	sdelay $0x1  }
0x25e: {  	[tilespmem:v32+s19+$0x0] =	vst.idx.msk $0xffff, v13  }
0x25f: {  	[tilespmem:v33+s19+$0x0] =	vst.idx.msk $0xffff, v8  }
0x260: {  	s11 =	sadd.s32 $0x1, s10;
	v13 =	vld [tilespmem:s18+$0xFFFFFF30]  }
0x261: {  	v34 =	vmov s11  }
0x262: {  	v35 =	vshll.u32 v34, $0x2;
	v14 =	vor.u32 v3, v14  }
0x263: {  	v12 =	vadd.s32 v7, v12;
	v15 =	vand.u32 $0x7D, v34;
	v16 =	vand.u32 $0x7FFFFE00, v35  }
0x264: {  	v15 =	vor.u32 v16, v15  }
0x265: {  	v15 =	vor.u32 $0x180, v15;
	v13 =	vmul.f32 v13, v10;
	_ =	sdelay $0x1  }
0x266: {  	[tilespmem:v14+s19+$0x0] =	vst.idx.msk $0xffff, v13  }
0x267: {  	[tilespmem:v12+s19+$0x0] =	vst.idx.msk $0xffff, v8  }
0x268: {  	[tilespmem:v11+s25+$0x0] =	vst.idx.add.f32.msk $0x1, v10  }
0x269: {  	v10 =	vld.idx.msk [tilespmem:v15+s24+$0x0], $0xffff;
	_ =	sdelay $0x4  }
0x26a: {  	v11 =	vld.idx.msk [tilespmem:v15+s23+$0x0], $0xffff;
	v36 =	vshll.u32 v10, $0x6  }
0x26b: {  	s11 =	sadd.s32 $0x80, s6;
	v13 =	vld [tilespmem:s18+$0xFFFFFF80];
	v12 =	vand.u32 $0x40, v36  }
0x26c: {  	v37 =	vor.u32 s11, v12  }
0x26d: {  	v12 =	vsub.s32 s11, v12;
	v38 =	vor.u32 v0, v37  }
0x26e: {  	v39 =	vadd.s32 v4, v12;
	_ =	sdelay $0x1  }
0x26f: {  	v13 =	vmul.f32 v13, v11;
	_ =	sdelay $0x1  }
0x270: {  	[tilespmem:v38+s19+$0x0] =	vst.idx.msk $0xffff, v13  }
0x271: {  	[tilespmem:v39+s19+$0x0] =	vst.idx.msk $0xffff, v8  }
0x272: {  	v13 =	vld [tilespmem:s18+$0xFFFFFF90];
	_ =	sdelay $0x1  }
0x273: {  	v40 =	vor.u32 v1, v37  }
0x274: {  	v41 =	vadd.s32 v5, v12;
	_ =	sdelay $0x1  }
0x275: {  	v13 =	vmul.f32 v13, v11;
	_ =	sdelay $0x1  }
0x276: {  	[tilespmem:v40+s19+$0x0] =	vst.idx.msk $0xffff, v13  }
0x277: {  	[tilespmem:v41+s19+$0x0] =	vst.idx.msk $0xffff, v8  }
0x278: {  	v13 =	vld [tilespmem:s18+$0xFFFFFFA0];
	_ =	sdelay $0x1  }
0x279: {  	v42 =	vor.u32 v2, v37  }
0x27a: {  	v43 =	vadd.s32 v6, v12;
	_ =	sdelay $0x1  }
0x27b: {  	v13 =	vmul.f32 v13, v11;
	_ =	sdelay $0x1  }
0x27c: {  	[tilespmem:v42+s19+$0x0] =	vst.idx.msk $0xffff, v13  }
0x27d: {  	[tilespmem:v43+s19+$0x0] =	vst.idx.msk $0xffff, v8  }
0x27e: {  	s11 =	sadd.s32 $0x2, s10;
	v13 =	vld [tilespmem:s18+$0xFFFFFFB0]  }
0x27f: {  	v44 =	vmov s11  }
0x280: {  	v14 =	vor.u32 v3, v37;
	v45 =	vshll.u32 v44, $0x2  }
0x281: {  	v12 =	vadd.s32 v7, v12;
	v15 =	vand.u32 $0x7E, v44;
	v16 =	vand.u32 $0x7FFFFE00, v45  }
0x282: {  	v15 =	vor.u32 v16, v15  }
0x283: {  	v15 =	vor.u32 $0x180, v15;
	v13 =	vmul.f32 v13, v11;
	_ =	sdelay $0x1  }
0x284: {  	[tilespmem:v14+s19+$0x0] =	vst.idx.msk $0xffff, v13  }
0x285: {  	[tilespmem:v12+s19+$0x0] =	vst.idx.msk $0xffff, v8  }
0x286: {  	[tilespmem:v10+s25+$0x0] =	vst.idx.add.f32.msk $0x1, v11  }
0x287: {  	v10 =	vld.idx.msk [tilespmem:v15+s24+$0x0], $0xffff;
	_ =	sdelay $0x4  }
0x288: {  	v11 =	vld.idx.msk [tilespmem:v15+s23+$0x0], $0xffff;
	v46 =	vshll.u32 v10, $0x6  }
0x289: {  	s11 =	sadd.s32 $0x100, s6;
	v13 =	vld [tilespmem:s18+$0x0];
	v12 =	vand.u32 $0x40, v46  }
0x28a: {  	v47 =	vor.u32 s11, v12  }
0x28b: {  	v12 =	vsub.s32 s11, v12;
	v48 =	vor.u32 v0, v47  }
0x28c: {  	v49 =	vadd.s32 v4, v12;
	_ =	sdelay $0x1  }
0x28d: {  	v13 =	vmul.f32 v13, v11;
	_ =	sdelay $0x1  }
0x28e: {  	[tilespmem:v48+s19+$0x0] =	vst.idx.msk $0xffff, v13  }
0x28f: {  	[tilespmem:v49+s19+$0x0] =	vst.idx.msk $0xffff, v8  }
0x290: {  	v13 =	vld [tilespmem:s18+$0x10];
	_ =	sdelay $0x1  }
0x291: {  	v50 =	vor.u32 v1, v47  }
0x292: {  	v51 =	vadd.s32 v5, v12;
	_ =	sdelay $0x1  }
0x293: {  	v13 =	vmul.f32 v13, v11;
	_ =	sdelay $0x1  }
0x294: {  	[tilespmem:v50+s19+$0x0] =	vst.idx.msk $0xffff, v13  }
0x295: {  	[tilespmem:v51+s19+$0x0] =	vst.idx.msk $0xffff, v8  }
0x296: {  	v13 =	vld [tilespmem:s18+$0x20];
	_ =	sdelay $0x1  }
0x297: {  	v52 =	vor.u32 v2, v47  }
0x298: {  	v53 =	vadd.s32 v6, v12;
	_ =	sdelay $0x1  }
0x299: {  	v13 =	vmul.f32 v13, v11;
	_ =	sdelay $0x1  }
0x29a: {  	[tilespmem:v52+s19+$0x0] =	vst.idx.msk $0xffff, v13  }
0x29b: {  	[tilespmem:v53+s19+$0x0] =	vst.idx.msk $0xffff, v8  }
0x29c: {  	s10 =	sadd.s32 $0x3, s10;
	v13 =	vld [tilespmem:s18+$0x30]  }
0x29d: {  	v54 =	vmov s10  }
0x29e: {  	v55 =	vshll.u32 v54, $0x2;
	v14 =	vor.u32 v3, v47  }
0x29f: {  	v16 =	vand.u32 $0x7FFFFE00, v55;
	v15 =	vand.u32 $0x7F, v54;
	v12 =	vadd.s32 v7, v12  }
0x2a0: {  	v15 =	vor.u32 v16, v15  }
0x2a1: {  	v15 =	vor.u32 $0x180, v15;
	v13 =	vmul.f32 v13, v11;
	_ =	sdelay $0x1  }
0x2a2: {  	[tilespmem:v14+s19+$0x0] =	vst.idx.msk $0xffff, v13  }
0x2a3: {  	[tilespmem:v12+s19+$0x0] =	vst.idx.msk $0xffff, v8  }
0x2a4: {  	[tilespmem:v10+s25+$0x0] =	vst.idx.add.f32.msk $0x1, v11  }
0x2a5: {  	v10 =	vld.idx.msk [tilespmem:v15+s24+$0x0], $0xffff;
	_ =	sdelay $0x4  }
0x2a6: {  	v11 =	vld.idx.msk [tilespmem:v15+s23+$0x0], $0xffff;
	v56 =	vshll.u32 v10, $0x6  }
0x2a7: {  	s6 =	sadd.s32 $0x180, s6;
	v13 =	vld [tilespmem:s18+$0x80];
	v12 =	vand.u32 $0x40, v56  }
0x2a8: {  	v57 =	vor.u32 s6, v12  }
0x2a9: {  	v12 =	vsub.s32 s6, v12;
	v58 =	vor.u32 v0, v57  }
0x2aa: {  	v59 =	vadd.s32 v4, v12;
	_ =	sdelay $0x1  }
0x2ab: {  	v13 =	vmul.f32 v13, v11;
	_ =	sdelay $0x1  }
0x2ac: {  	[tilespmem:v58+s19+$0x0] =	vst.idx.msk $0xffff, v13  }
0x2ad: {  	[tilespmem:v59+s19+$0x0] =	vst.idx.msk $0xffff, v8  }
0x2ae: {  	v13 =	vld [tilespmem:s18+$0x90];
	_ =	sdelay $0x1  }
0x2af: {  	v60 =	vor.u32 v1, v57  }
0x2b0: {  	v61 =	vadd.s32 v5, v12;
	_ =	sdelay $0x1  }
0x2b1: {  	v13 =	vmul.f32 v13, v11;
	_ =	sdelay $0x1  }
0x2b2: {  	[tilespmem:v60+s19+$0x0] =	vst.idx.msk $0xffff, v13  }
0x2b3: {  	[tilespmem:v61+s19+$0x0] =	vst.idx.msk $0xffff, v8  }
0x2b4: {  	v13 =	vld [tilespmem:s18+$0xA0];
	_ =	sdelay $0x1  }
0x2b5: {  	v62 =	vor.u32 v2, v57  }
0x2b6: {  	v63 =	vadd.s32 v6, v12;
	_ =	sdelay $0x1  }
0x2b7: {  	v13 =	vmul.f32 v13, v11;
	_ =	sdelay $0x1  }
0x2b8: {  	[tilespmem:v62+s19+$0x0] =	vst.idx.msk $0xffff, v13  }
0x2b9: {  	[tilespmem:v63+s19+$0x0] =	vst.idx.msk $0xffff, v8  }
0x2ba: {  	v13 =	vld [tilespmem:s18+$0xB0];
	_ =	sdelay $0x1  }
0x2bb: {  	v14 =	vor.u32 v3, v57  }
0x2bc: {  	v12 =	vadd.s32 v7, v12  }
0x2bd: {  	p0 =	sne.s32 s21, $0x7C  }
.Ltmp5:
0x2be: {  	v13 =	vmul.f32 v13, v11;
	(pc) =	sbr.rel @p0 .LBB2_14-.Ltmp5, $4  }
0x2bf: {  	_ = 	snop  }
0x2c0: {  	[tilespmem:v14+s19+$0x0] =	vst.idx.msk $0xffff, v13  }
0x2c1: {  	[tilespmem:v12+s19+$0x0] =	vst.idx.msk $0xffff, v8  }
0x2c2: {  	s21 =	sadd.s32 $0x4, s21;
	s18 =	sadd.s32 $0x200, s18;
	[tilespmem:v10+s25+$0x0] =	vst.idx.add.f32.msk $0x1, v11  }
0x2c3: {  	s1 =	sadd.s32 $0x1, s1  }
0x2c4: {  	p0 =	sne.s32 s1, $0x8  }
.Ltmp6:
0x2c5: {  	s3 =	sadd.s32 $0x1D000, s3;
	(pc) =	sbr.rel @p0 .LBB2_7-.Ltmp6, $4  }
0x2c6: {  	[spmem:s2] =	stream.indirect.scatter.add.f32 [tilespmem:s19], [sflag:$0x1], $0x80, s3, s26, $0xb8;
	[tilespmem:$0x1FD00] =	vst v63  }
0x2c7: {  	_ =	swait.ge [sflag:s20], $0x4000  }
0x2c8: {  	[sflag:s20] =	ssyncset.done $0x0  }
0x2c9: {  	s14 =	sadd.s32 $0x80, s14;
	[sflag:s20] =	ssyncadd.s32 $0xFFFFC000  }
0x2ca: {  	s0 =	rddreg [dreg:$0x3];
	s1 =	simm.s32 $0x1FC80  }
0x2cb: {  	[spmem:s0] =	stream.indirect.scatter.add.f32 [tilespmem:s25], [sflag:$0x1], $0x80, s1, s26, $0xb8;
	[tilespmem:$0x1FD00] =	vst v63  }
0x2cc: {  	_ =	swait.ge [sflag:s20], $0x4000  }
0x2cd: {  	[sflag:s20] =	ssyncset.done $0x0  }
0x2ce: {  	[sflag:s20] =	ssyncadd.s32 $0xFFFFC000  }
0x2cf: {  	[bflag:$0x0] =	sbarrier.arrive $0xFFFF  }
0x2d0: {  	[tilespmem:s25], [sflag:$0x1] =	stream.linear.gather [spmem:s9], $0x400, $0x38;
	[tilespmem:$0x1FD00] =	vst v63  }
0x2d1: {  	_ =	swait.ge [sflag:s20], $0x400  }
0x2d2: {  	s3 =	simm.s32 $0x0;
	[sflag:s20] =	ssyncset.done $0x0  }
0x2d3: {  	s0 =	sadd.s32 s31, s13;
	s1 =	simm.s32 $0x0;
	[sflag:s20] =	ssyncadd.s32 $0xFFFFFC00  }
.LBB2_17:
0x2d4: {  	s5 =	sshll.u32 s3, $0x6  }
0x2d5: {  	s5 =	sadd.s32 s12, s5  }
0x2d6: {  	s6 =	sshll.u32 s5, $0x7  }
0x2d7: {  	s6 =	sand.u32 $0x3FFFFF80, s6  }
0x2d8: {  	s6 =	sadd.s32 s6, s2  }
0x2d9: {  	[tilespmem:s22], [sflag:$0x1] =	stream.linear.gather [spmem:s6], $0x2000, $0x38;
	[tilespmem:$0x1FD00] =	vst v63  }
0x2da: {  	_ =	swait.ge [sflag:s20], $0x2000  }
0x2db: {  	s31 =	sshll.u32 s3, $0x7;
	[sflag:s20] =	ssyncset.done $0x0  }
0x2dc: {  	s6 =	sand.u32 $0x3FFFFF80, s31;
	[sflag:s20] =	ssyncadd.s32 $0xFFFFE000  }
0x2dd: {  	v10 =	vld [tilespmem:s6+$0x18400];
	_ =	sdelay $0x4  }
0x2de: {  	(erf) = vrcp.f32 v10;
	_ =	sdelay $0x8  }
0x2df: {  	vm0 =	veq.f32 v10, $0.0e+00;
	v10 =	vpop (erf)  }
0x2e0: {  	v10 =	vsel vm0, $0x3F800000, v10  }
0x2e1: {  	[tilespmem:$0x1FC00] =	vst v10  }
0x2e2: {  	v10 =	vld [tilespmem:s6+$0x18410];
	_ =	sdelay $0x4  }
0x2e3: {  	(erf) = vrcp.f32 v10;
	_ =	sdelay $0x8  }
0x2e4: {  	vm9 =	veq.f32 v10, $0.0e+00;
	v10 =	vpop (erf)  }
0x2e5: {  	v10 =	vsel vm9, $0x3F800000, v10  }
0x2e6: {  	[tilespmem:$0x1FC10] =	vst v10  }
0x2e7: {  	v10 =	vld [tilespmem:s6+$0x18420];
	_ =	sdelay $0x4  }
0x2e8: {  	(erf) = vrcp.f32 v10;
	_ =	sdelay $0x8  }
0x2e9: {  	vm10 =	veq.f32 v10, $0.0e+00;
	v10 =	vpop (erf)  }
0x2ea: {  	v10 =	vsel vm10, $0x3F800000, v10  }
0x2eb: {  	[tilespmem:$0x1FC20] =	vst v10  }
0x2ec: {  	v10 =	vld [tilespmem:s6+$0x18430];
	_ =	sdelay $0x4  }
0x2ed: {  	(erf) = vrcp.f32 v10;
	_ =	sdelay $0x8  }
0x2ee: {  	vm11 =	veq.f32 v10, $0.0e+00;
	v10 =	vpop (erf)  }
0x2ef: {  	v10 =	vsel vm11, $0x3F800000, v10  }
0x2f0: {  	[tilespmem:$0x1FC30] =	vst v10  }
0x2f1: {  	v10 =	vld [tilespmem:s6+$0x18440];
	_ =	sdelay $0x4  }
0x2f2: {  	(erf) = vrcp.f32 v10;
	_ =	sdelay $0x8  }
0x2f3: {  	vm12 =	veq.f32 v10, $0.0e+00;
	v10 =	vpop (erf)  }
0x2f4: {  	v10 =	vsel vm12, $0x3F800000, v10  }
0x2f5: {  	[tilespmem:$0x1FC40] =	vst v10  }
0x2f6: {  	v10 =	vld [tilespmem:s6+$0x18450];
	_ =	sdelay $0x4  }
0x2f7: {  	(erf) = vrcp.f32 v10;
	_ =	sdelay $0x8  }
0x2f8: {  	vm13 =	veq.f32 v10, $0.0e+00;
	v10 =	vpop (erf)  }
0x2f9: {  	v10 =	vsel vm13, $0x3F800000, v10  }
0x2fa: {  	[tilespmem:$0x1FC50] =	vst v10  }
0x2fb: {  	v10 =	vld [tilespmem:s6+$0x18460];
	_ =	sdelay $0x4  }
0x2fc: {  	(erf) = vrcp.f32 v10;
	_ =	sdelay $0x8  }
0x2fd: {  	vm14 =	veq.f32 v10, $0.0e+00;
	v10 =	vpop (erf)  }
0x2fe: {  	v10 =	vsel vm14, $0x3F800000, v10  }
0x2ff: {  	[tilespmem:$0x1FC60] =	vst v10  }
0x300: {  	v10 =	vld [tilespmem:s6+$0x18470];
	_ =	sdelay $0x4  }
0x301: {  	(erf) = vrcp.f32 v10;
	_ =	sdelay $0x4  }
0x302: {  	v11 =	vmov s1  }
0x303: {  	v11 =	vand.u32 $0xFFFFFFFE, v11  }
0x304: {  	v11 =	vbroadcast v11, $0x0;
	_ =	sdelay $0x1  }
0x305: {  	vm15 =	veq.f32 v10, $0.0e+00;
	v10 =	vpop (erf)  }
0x306: {  	v10 =	vsel vm15, $0x3F800000, v10  }
0x307: {  	s6 =	simm.s32 $0x10440;
	[tilespmem:$0x1FC70] =	vst v10  }
0x308: {  	v10 =	vld [tilespmem:s6+$0xFFFFFFF0]  }
0x309: {  	v11 =	vld.idx.msk [tilespmem:v11+s29+$0x0], $0xffff  }
0x30a: {  	v12 =	vld [tilespmem:s6+$0xFFFFFFC0]  }
0x30b: {  	v13 =	vld [tilespmem:s6+$0xFFFFFFD0]  }
0x30c: {  	v14 =	vld [tilespmem:s6+$0xFFFFFFE0];
	_ =	sdelay $0x1  }
0x30d: {  	s10 =	simm.s32 $0x1;
	v10 =	vmul.f32 v10, v11  }
0x30e: {  	v15 =	vmov s10;
	v12 =	vmul.f32 v12, v11  }
0x30f: {  	v13 =	vmul.f32 v13, v11;
	[tilespmem:s6+$0xFFFFFFF0] =	vst v10  }
0x310: {  	v10 =	vmul.f32 v14, v11;
	[tilespmem:s6+$0xFFFFFFC0] =	vst v12  }
0x311: {  	[tilespmem:s6+$0xFFFFFFD0] =	vst v13;
	v11 =	vld [tilespmem:s6+$0x30]  }
0x312: {  	v14 =	vld [tilespmem:s6+$0x0];
	[tilespmem:s6+$0xFFFFFFE0] =	vst v10  }
0x313: {  	v10 =	vld.idx.msk [tilespmem:v15+s29+$0x0], $0xffff  }
0x314: {  	s10 =	simm.s32 $0x2;
	v13 =	vld [tilespmem:s6+$0x10]  }
0x315: {  	s18 =	simm.s32 $0x4;
	s14 =	simm.s32 $0x10440;
	v12 =	vld [tilespmem:s6+$0x20];
	v15 =	vmov s10  }
.LBB2_18:
0x316: {  	p0 =	sne.s32 s18, $0x7E  }
0x317: {  	v15 =	vand.u32 $0xFFFFFFFE, v15;
	s6 =	sadd.s32 $0x80, s6;
	s11 =	smov.u32 s18;
	s18 =	sadd.s32 $0x2, s18  }
0x318: {  	v15 =	vbroadcast v15, $0x0;
	v14 =	vmul.f32 v14, v10  }
0x319: {  	v11 =	vmul.f32 v11, v10;
	v13 =	vmul.f32 v13, v10  }
0x31a: {  	[tilespmem:s14+$0x0] =	vst v14;
	v10 =	vmul.f32 v12, v10  }
0x31b: {  	[tilespmem:s14+$0x30] =	vst v11  }
0x31c: {  	v11 =	vld [tilespmem:s6+$0xFFFFFFF0];
	[tilespmem:s14+$0x10] =	vst v13  }
0x31d: {  	v12 =	vld [tilespmem:s6+$0xFFFFFFD0];
	[tilespmem:s14+$0x20] =	vst v10;
	s14 =	smov.u32 s6  }
0x31e: {  	v10 =	vld.idx.msk [tilespmem:v15+s29+$0x0], $0xffff  }
0x31f: {  	v13 =	vld [tilespmem:s6+$0xFFFFFFC0]  }
0x320: {  	v14 =	vld [tilespmem:s6+$0xFFFFFFE0];
	_ =	sdelay $0x3  }
0x321: {  	s21 =	sadd.s32 $0x1, s10;
	s10 =	smov.u32 s11;
	v11 =	vmul.f32 v11, v10;
	v13 =	vmul.f32 v13, v10  }
0x322: {  	v12 =	vmul.f32 v12, v10;
	v10 =	vmul.f32 v14, v10;
	v14 =	vmov s21  }
0x323: {  	[tilespmem:s6+$0xFFFFFFF0] =	vst v11  }
0x324: {  	[tilespmem:s6+$0xFFFFFFC0] =	vst v13  }
0x325: {  	[tilespmem:s6+$0xFFFFFFD0] =	vst v12  }
0x326: {  	[tilespmem:s6+$0xFFFFFFE0] =	vst v10;
	v11 =	vld [tilespmem:s6+$0x30]  }
.Ltmp7:
0x327: {  	v10 =	vld.idx.msk [tilespmem:v14+s29+$0x0], $0xffff;
	(pc) =	sbr.rel @p0 .LBB2_18-.Ltmp7, $4  }
0x328: {  	v14 =	vld [tilespmem:s6+$0x0]  }
0x329: {  	v13 =	vld [tilespmem:s6+$0x10]  }
0x32a: {  	v12 =	vld [tilespmem:s6+$0x20]  }
0x32b: {  	v15 =	vmov s10  }
0x32c: {  	v15 =	vand.u32 $0xFFFFFFFE, v15  }
0x32d: {  	v11 =	vmul.f32 v11, v10;
	v15 =	vbroadcast v15, $0x0  }
0x32e: {  	v14 =	vmul.f32 v14, v10  }
0x32f: {  	v13 =	vmul.f32 v13, v10;
	[tilespmem:s14+$0x30] =	vst v11  }
0x330: {  	s6 =	sadd.s32 $0x80, s6;
	[tilespmem:s14+$0x0] =	vst v14;
	v10 =	vmul.f32 v12, v10  }
0x331: {  	v11 =	vld [tilespmem:s6+$0xFFFFFFF0];
	[tilespmem:s14+$0x10] =	vst v13  }
0x332: {  	[tilespmem:s14+$0x20] =	vst v10  }
0x333: {  	v10 =	vld.idx.msk [tilespmem:v15+s29+$0x0], $0xffff  }
0x334: {  	v58 =	vld [tilespmem:s6+$0xFFFFFFC0]  }
0x335: {  	v59 =	vld [tilespmem:s6+$0xFFFFFFD0]  }
0x336: {  	v14 =	vld [tilespmem:s6+$0xFFFFFFE0];
	_ =	sdelay $0x1  }
0x337: {  	s10 =	sadd.s32 $0x1, s10;
	v11 =	vmul.f32 v11, v10  }
0x338: {  	v60 =	vmov s10;
	v12 =	vmul.f32 v58, v10  }
0x339: {  	v13 =	vmul.f32 v59, v10;
	[tilespmem:s6+$0xFFFFFFF0] =	vst v11  }
0x33a: {  	v10 =	vmul.f32 v14, v10;
	[tilespmem:s6+$0xFFFFFFC0] =	vst v12  }
0x33b: {  	[tilespmem:s6+$0xFFFFFFD0] =	vst v13  }
0x33c: {  	[tilespmem:s6+$0xFFFFFFE0] =	vst v10;
	v11 =	vld [tilespmem:s6+$0x0]  }
0x33d: {  	v10 =	vld.idx.msk [tilespmem:v60+s29+$0x0], $0xffff  }
0x33e: {  	v61 =	vld [tilespmem:s6+$0x30]  }
0x33f: {  	v62 =	vld [tilespmem:s6+$0x10]  }
0x340: {  	v63 =	vld [tilespmem:s6+$0x20];
	_ =	sdelay $0x1  }
0x341: {  	v11 =	vmul.f32 v11, v10  }
0x342: {  	v12 =	vmul.f32 v61, v10  }
0x343: {  	v13 =	vmul.f32 v62, v10;
	[tilespmem:s6+$0x0] =	vst v11  }
0x344: {  	s3 =	sadd.s32 $0x1, s3;
	v10 =	vmul.f32 v63, v10;
	[tilespmem:s6+$0x30] =	vst v12  }
0x345: {  	s5 =	sshll.u32 s5, $0x4;
	p0 =	sne.s32 s3, $0x8;
	[tilespmem:s6+$0x10] =	vst v13  }
.Ltmp8:
0x346: {  	s5 =	sadd.s32 s5, s0;
	[tilespmem:s6+$0x20] =	vst v10;
	(pc) =	sbr.rel @p0 .LBB2_17-.Ltmp8, $4  }
0x347: {  	[hbm4b:s5+s4] =	stream.linear.scatter [tilespmem:s22], [sflag:$0x1], $0x2000, $0x38;
	[tilespmem:$0x1FD00] =	vst v63  }
0x348: {  	_ =	swait.ge [sflag:s20], $0x2000  }
0x349: {  	[sflag:s20] =	ssyncset.done $0x0  }
0x34a: {  	[sflag:s20] =	ssyncadd.s32 $0xFFFFE000  }
0x34b: {  	s30 =	sadd.s32 $0x1, s30  }
0x34c: {  	p0 =	sne.s32 s30, $0x8  }
.Ltmp9:
0x34d: {  	_ = 	snop;
	(pc) =	sbr.rel @p0 .LBB2_2-.Ltmp9, $1  }
0x34e: {  	_ =	sdelay $0x3  }
0x34f: {  	s1 =	rddreg [dreg:$0x9]  }
0x350: {  	s0 =	rddreg [dreg:$0x8];
	s1 =	sadd.s32 $0x1, s1  }
0x351: {  	p0 =	sne.s32 s1, s0  }
.Ltmp10:
0x352: {  	_ = 	snop;
	(pc) =	sbr.rel @p0 .LBB2_1-.Ltmp10, $1  }
0x353: {  	_ =	sdelay $0x3  }
0x354: {  	_ =	sfence.sel $0x180000  }
0x355: {  	[bflag:$0x0] =	sbarrier.arrive $0xFFFF  }
0x356: {  	_ =	strace $0x90000047  }
0x357: {  	s0 =	stileid.u32;
	[bflag:$0x2] =	sbarrier.arrive $0xFFFF  }
0x358: {  	p0 =	sne.s32 s0, $0x0;
	s0 =	rddreg [dreg:$0x4]  }
0x359: {  	s0 =	sadd.s32 @!p0 $0x100000, s0  }
0x35a: {  	[sflag:s0] =	ssyncadd.tile.s32 @!p0 $0x1;
	_ =	shalt  }
.Lfunc_end2:
_tile_overlayer_lowered:
.L_overlay_start_2:
0x35b: {  	(tag) =	ssettag $0x2  }
0x35c: {  	s0 =	rddreg [dreg:$0x0];
	s2 =	stileid.u32  }
0x35d: {  	s1 =	rddreg [dreg:$0x1];
	p0 =	sne.s32 s2, $0x0  }
0x35e: {  	s3 =	rddreg [dreg:$0x2];
	[bflag:$0x3] =	sbarrier.arrive $0xFFFF;
	s2 =	simm.s32 @!p0 $0x1C01  }
0x35f: {  	[timem:s3], [sflag:s2] =	dma.local @!p0 [hbm:s0], s1  }
0x360: {  	s0 =	simm.s32 @!p0 $0x1  }
0x361: {  	_ =	swait.ge @!p0 [sflag:s0], s1  }
0x362: {  	s1 =	ssub.s32 @!p0 $0x0, s1;
	[sflag:s0] =	ssyncset.done @!p0 $0x0  }
0x363: {  	[sflag:s0] =	ssyncadd.s32 @!p0 s1  }
0x364: {  	[bflag:$0x3] =	sbarrier.arrive $0xFFFF  }
0x365: {  	_ =	shalt  }

// kernel: sparse-core-data-format-call.1.cloned.1.call-start
scs
called_computation.1_lowered:
.L_overlay_start_0:
0x0: {  	s2 =	sld [smem:$0x3FD9]  }
0x1: {  	s3 =	sld [smem:$0x3FFE];
	_ =	sdelay $0x1  }
0x2: {  	s1 =	srdreg.scid  }
0x3: {  	s0 =	sand.u32 $0x1, s1  }
0x4: {  	s18 =	sshll.u32 s0, $0xA;
	s2 =	sadd.s32 s3, s2  }
0x5: {  	s2 =	sadd.s32 s2, s18  }
0x6: {  	[smem:$0x3FC6] =	sst s2  }
0x7: {  	_ = 	snop  }
0x8: {  	s2 =	sld [smem:$0x3FD0];
	(tm) =	ssettm $0x1  }
0x9: {  	s19 =	sld [smem:$0x3FFB];
	_ =	sdelay $0x3  }
0xa: {  	_ =	strace s19  }
0xb: {  	s3 =	sld [smem:$0x3FFC];
	_ =	sdelay $0x3  }
0xc: {  	_ =	strace s3  }
0xd: {  	s3 =	sld [smem:$0x3FFD];
	_ =	sdelay $0x3  }
0xe: {  	_ =	strace s3  }
0xf: {  	_ =	strace $0x8FFFFFFF  }
0x10: {  	s20 =	sld [smem:$0x3FDB];
	_ =	sdelay $0x1  }
0x11: {  	s4 =	simm.s32 $_scs_section_size  }
0x12: {  	s5 =	simm.s32 $_size__tile_overlayer_lowered;
	s6 =	simm.s32 $_tile_overlayer_lowered  }
0x13: {  	s23 =	simm.s32 $0x1BFF;
	s22 =	sshll.u32 s6, $0x1;
	s3 =	sadd.s32 s4, s20  }
0x14: {  	s7 =	simm.s32 $0x0;
	s21 =	sshll.u32 s5, $0x1;
	s5 =	sadd.s32 s22, s3  }
0x15: {  	[timem:s7], [sflag:s23] =	dma.local [hbm:s5], s21  }
0x16: {  	_ =	swait.ge [sflag:s23], s21  }
0x17: {  	s4 =	ssub.s32 $0x0, s21;
	[sflag:s23] =	ssyncset.done $0x0  }
0x18: {  	[sflag:s23] =	ssyncadd.s32 s4;
	_ =	sdelay $0x1  }
0x19: {  	s24 =	simm.s32 $0x1B8B  }
0x1a: {  	_ =	swait.ge [sflag:s24], $0x1  }
0x1b: {  	[sflag:s24] =	ssyncset.done $0x0  }
0x1c: {  	s26 =	simm.s32 $0x1B8E;
	s25 =	sld [smem:$0x3FFE];
	[sflag:s24] =	ssyncadd.s32 $0xFFFFFFFF  }
0x1d: {  	s27 =	simm.s32 $execute0_lowered;
	[smem:$0x3FD2] =	sst s26  }
0x1e: {  	s5 =	sshll.u32 s27, $0x1;
	_ =	strace $0x80000049;
	[dreg:$0x1] =	wrdreg $0xFFFFFFFF  }
0x1f: {  	s28 =	simm.s32 $_size_execute0_lowered;
	s3 =	sadd.s32 s3, s5;
	[dreg:$0x0] =	wrdreg $0x0  }
0x20: {  	s5 =	sshll.u32 s28, $0x1;
	[dreg:$0x2] =	wrdreg s3  }
0x21: {  	[dreg:$0x3] =	wrdreg s5  }
0x22: {  	[dreg:$0x4] =	wrdreg $0xC0  }
0x23: {  	_ =	task [dreg:s7], $0x5FFFF  }
0x24: {  	[dreg:$0x1] =	wrdreg $0xFFFFFFFF  }
0x25: {  	[dreg:$0x0] =	wrdreg $0x60  }
0x26: {  	[dreg:$0x2] =	wrdreg s2  }
0x27: {  	[dreg:$0x3] =	wrdreg s25  }
0x28: {  	[dreg:$0x4] =	wrdreg $0x9  }
0x29: {  	_ =	task.clear_ibuf [dreg:s7], $0x5FFFF;
	_ =	strace $0x90000049  }
0x2a: {  	s29 =	simm.s32 $0x9;
	_ =	strace $0x8000004B  }
0x2b: {  	_ =	swait.ge [sflag:s29], $0x1  }
0x2c: {  	[sflag:s29] =	ssyncadd.s32 $0xFFFFFFFF  }
0x2d: {  	_ =	strace $0x9000004B  }
0x2e: {  	_ =	sfence  }
0x2f: {  	s30 =	sld [smem:$0x0];
	_ =	sdelay $0x2  }
0x30: {  	s31 =	sshll.u32 s1, $0xD;
	s1 =	sshrl.u32 s1, $0x2  }
0x31: {  	s3 =	sand.u32 $0x4000, s31;
	s1 =	sadd.s32 s1, s30  }
0x32: {  	s0 =	sor.u32 s3, s0;
	s1 =	sshll.u32 s1, $0x11  }
0x33: {  	s0 =	sor.u32 s1, s0  }
0x34: {  	s0 =	sadd.s32 $0x8F2B, s0  }
0x35: {  	[sflag:s0] =	ssyncadd.remote.s32 $0x1  }
0x36: {  	_ =	sfence.sel $0xFFFF  }
0x37: {  	[dreg:$0x0] =	wrdreg $0xFFFFFFFF;
	(pc) =	sbr.abs _section_cstart, $3  }
0x38: {  	[dreg:$0x1] =	wrdreg $0xFFFFFFFF  }
0x39: {  	_ =	task.clear_ibuf [dreg:s7], $0x2FFFF;
	_ =	strace $0x9FFFFFFF  }
0x3a: {  	(tm) =	ssettm $0x7FFFFFFF  }
0x3b: {  	_ =	shalt  }
tec
execute0_lowered:
.L_overlay_start_1:
0x0: {  	(tag) =	ssettag $0x1  }
0x1: {  	s0 =	stileid.u32;
	s2 =	rddreg [dreg:$0x0]  }
0x2: {  	s1 =	srdreg.scid;
	s30 =	rddreg [dreg:$0x1]  }
0x3: {  	_ =	strace $0x8000004A;
	s31 =	simm.s32 $0x2;
	s18 =	simm.s32 $0x0  }
0x4: {  	p0 =	por $0x0, $0x0;
	s10 =	simm.s32 $0x200;
	s17 =	simm.s32 $0x0  }
0x5: {  	s19 =	simm.s32 $0x0;
	s20 =	simm.s32 $0x0;
	s21 =	simm.s32 $0x0  }
0x6: {  	s11 =	simm.s32 $0x0;
	s3 =	sand.u32 $0x1, s1;
	s4 =	sshrl.u32 s0, $0x3  }
0x7: {  	s12 =	simm.s32 $0x0;
	s5 =	ssub.s32 $0x2, s4;
	s6 =	ssub.s32 $0x2, s3  }
0x8: {  	s7 =	sshrl.u32 s5, $0x1;
	s5 =	sand.u32 $0x1, s5;
	s8 =	sshrl.u32 s6, $0x1  }
.Ltmp0:
0x9: {  	s5 =	sadd.s32 s5, s7;
	s6 =	ssub.s32 s6, s8;
	(pc) =	sbr.rel .LBB1_1-.Ltmp0, $4  }
0xa: {  	s16 =	simm.s32 $0x0;
	s13 =	smov.u32 s3;
	s8 =	smul.u32 s6, s5  }
0xb: {  	s14 =	smov.u32 s4;
	s7 =	simm.s32 $0x1;
	s5 =	sadd.s32 $0xC00, s30  }
0xc: {  	s6 =	sand.u32 $0x7, s0;
	[sflag:s7] =	ssyncpa.u1 $0x0;
	s8 =	sshll.u32 s8, $0x5  }
0xd: {  	[sflag:s31] =	ssyncpa.u1 $0x0;
	s15 =	smov.u32 s6;
	s9 =	sor.u32 $0x1, s8  }
.LBB1_4:
0xe: {  	_ = 	snop  }
0xf: {  	[tilespmem:s26+$0x1860 ss:$0x41] =	vst.msk $0xffff, v8  }
0x10: {  	[tilespmem:s26+$0x1C70 ss:$0x41] =	vst.msk $0xffff, v7  }
0x11: {  	[tilespmem:s26+$0x2490 ss:$0x41] =	vst.msk $0xffff, v1  }
0x12: {  	s1 =	sor.u32 s1, s31;
	v47 =	vld.idx.msk [tilespmem:v0+s24+$0x470 ss:$0x1], $0xffff;
	[tilespmem:s26+$0x28A0 ss:$0x41] =	vst.msk $0xffff, v2  }
0x13: {  	[tilespmem:s26+$0x2CB0 ss:$0x41] =	vst.msk $0xffff, v3;
	v57 =	vld.idx.msk [tilespmem:v0+s1+$0x410 ss:$0x1], $0xffff  }
0x14: {  	[tilespmem:s26+$0x30C0 ss:$0x41] =	vst.msk $0xffff, v4;
	s29 =	sand.u32 $0x3B00, s1;
	v58 =	vld.idx.msk [tilespmem:v0+s1+$0x420 ss:$0x1], $0xffff  }
0x15: {  	s28 =	sand.u32 $0x80, s28;
	[tilespmem:s26+$0x34D0 ss:$0x41] =	vst.msk $0xffff, v5;
	v59 =	vld.idx.msk [tilespmem:v0+s1+$0x430 ss:$0x1], $0xffff;
	s23 =	sadd.s32 s29, s23  }
0x16: {  	[tilespmem:s26+$0x38E0 ss:$0x41] =	vst.msk $0xffff, v6;
	v60 =	vld.idx.msk [tilespmem:v0+s1+$0x440 ss:$0x1], $0xffff;
	s23 =	sadd.s32 s28, s23;
	s28 =	sshra.s32 s27, $0x2  }
0x17: {  	v61 =	vld.idx.msk [tilespmem:v0+s1+$0x450 ss:$0x1], $0xffff;
	s24 =	sadd.s32 s28, s25;
	[tilespmem:s26+$0x3CF0 ss:$0x41] =	vst.msk $0xffff, v47  }
0x18: {  	v62 =	vld.idx.msk [tilespmem:v0+s1+$0x460 ss:$0x1], $0xffff;
	[tilespmem:s24+$0x2490 ss:$0x41] =	vst.msk $0xffff, v57  }
0x19: {  	v63 =	vld.idx.msk [tilespmem:v0+s1+$0x470 ss:$0x1], $0xffff;
	[tilespmem:s24+$0x28A0 ss:$0x41] =	vst.msk $0xffff, v58  }
0x1a: {  	v48 =	vld [tilespmem:s23+$0x400];
	[tilespmem:s24+$0x2CB0 ss:$0x41] =	vst.msk $0xffff, v59  }
0x1b: {  	v49 =	vld [tilespmem:s23+$0x0];
	[tilespmem:s24+$0x30C0 ss:$0x41] =	vst.msk $0xffff, v60  }
0x1c: {  	v50 =	vld [tilespmem:s23+$0x10];
	[tilespmem:s24+$0x34D0 ss:$0x41] =	vst.msk $0xffff, v61  }
0x1d: {  	v51 =	vld [tilespmem:s23+$0x20];
	[tilespmem:s24+$0x38E0 ss:$0x41] =	vst.msk $0xffff, v62  }
0x1e: {  	v52 =	vld [tilespmem:s23+$0x30];
	[tilespmem:s24+$0x3CF0 ss:$0x41] =	vst.msk $0xffff, v63  }
0x1f: {  	v53 =	vld [tilespmem:s23+$0x40];
	[tilespmem:s24+$0x2080 ss:$0x41] =	vst.msk $0xffff, v48  }
0x20: {  	v54 =	vld [tilespmem:s23+$0x50];
	[tilespmem:s24+$0x0 ss:$0x41] =	vst.msk $0xffff, v49  }
0x21: {  	v55 =	vld [tilespmem:s23+$0x60];
	[tilespmem:s24+$0x410 ss:$0x41] =	vst.msk $0xffff, v50  }
0x22: {  	s29 =	sshll.u32 s21, $0x13;
	v56 =	vld [tilespmem:s23+$0x70];
	[tilespmem:s24+$0x820 ss:$0x41] =	vst.msk $0xffff, v51  }
0x23: {  	s19 =	sshll.u32 s19, $0x5;
	s20 =	sshll.u32 s20, $0x4;
	s1 =	sadd.s32 s5, s29;
	[tilespmem:s24+$0xC30 ss:$0x41] =	vst.msk $0xffff, v52  }
0x24: {  	s18 =	sshll.u32 s18, $0x6;
	s20 =	sand.u32 $0x10, s20;
	s1 =	sadd.s32 s19, s1;
	[tilespmem:s24+$0x1040 ss:$0x41] =	vst.msk $0xffff, v53  }
0x25: {  	s30 =	sshrl.u32 s17, $0x3;
	s31 =	sand.u32 $0x7, s17;
	s1 =	sadd.s32 s20, s1;
	[tilespmem:s24+$0x1450 ss:$0x41] =	vst.msk $0xffff, v54  }
0x26: {  	s17 =	sshll.u32 s31, $0x12;
	s19 =	sand.u32 $0xF, s30;
	s1 =	sadd.s32 s18, s1;
	[tilespmem:s24+$0x1860 ss:$0x41] =	vst.msk $0xffff, v55  }
0x27: {  	s17 =	sor.u32 $0x40, s17;
	s1 =	sadd.s32 s19, s1;
	[tilespmem:s24+$0x1C70 ss:$0x41] =	vst.msk $0xffff, v56  }
0x28: {  	[hbm4b:s1+s17] =	stream.strided.scatter [tilespmem:s22], [sflag:$0x2], $0x4000, s10, s17, $0x18;
	[tilespmem:$0x10200] =	vst v63  }
.LBB1_5:
0x29: {  	s1 =	sadd.s32 $0x100, s11  }
0x2a: {  	s17 =	sadd.s32 $0x40, s12;
	s22 =	smov.u32 s12;
	p2 =	sgt.s32 s1, $0x1FFF  }
0x2b: {  	s22 =	smov.u32 @p2 s17  }
0x2c: {  	s23 =	smov.u32 s13;
	s17 =	sadd.s32 $0x2, s13;
	p3 =	sgt.s32 s22, $0x3F  }
0x2d: {  	s23 =	smov.u32 @p3 s17  }
0x2e: {  	s24 =	smov.u32 s14;
	s17 =	sadd.s32 $0x2, s14;
	p4 =	sgt.s32 s23, $0x1  }
0x2f: {  	p1 =	slt.u32 s16, $0x2;
	s25 =	smov.u32 s15;
	s24 =	smov.u32 @p4 s17  }
0x30: {  	s18 =	smov.u32 s11;
	s17 =	sadd.s32 $0x8, s15;
	p5 =	sgt.s32 s24, $0x1  }
0x31: {  	s19 =	smov.u32 s13;
	s20 =	smov.u32 s14;
	s25 =	smov.u32 @p5 s17  }
0x32: {  	s21 =	smov.u32 s15;
	s1 =	simm.s32 @p2 $0x0;
	p2 =	sgt.s32 s25, $0x7  }
0x33: {  	s26 =	simm.s32 @!p1 $0x2;
	s25 =	smov.u32 @p2 s6;
	p2 =	sne.s32 s16, s9  }
.Ltmp1:
0x34: {  	p0 =	por !p0, !p0;
	_ =	swait.ge @!p1 [sflag:s26], $0x4000;
	(pc) =	sbr.rel @!p2 .LBB1_6-.Ltmp1, $4  }
0x35: {  	[sflag:s26] =	ssyncset.done @!p1 $0x0;
	s11 =	smov.u32 s1;
	s23 =	smov.u32 @p4 s3  }
0x36: {  	s22 =	simm.s32 @p3 $0x0;
	[sflag:s26] =	ssyncadd.s32 @!p1 $0xFFFFC000;
	s13 =	smov.u32 s23  }
0x37: {  	s24 =	smov.u32 @p5 s4;
	s17 =	smov.u32 s12;
	s12 =	smov.u32 s22  }
0x38: {  	s14 =	smov.u32 s24;
	s16 =	sadd.s32 $0x1, s16;
	s15 =	smov.u32 s25  }
.LBB1_1:
0x39: {  	p1 =	sge.u32 s16, s8  }
0x3a: {  	s31 =	sadd.s32 $0xFFFFFFFF, s16;
	s1 =	sxor.u32 @!p1 $0xFFFFFFFF, s16  }
0x3b: {  	s22 =	sshll.u32 @!p1 s12, $0xD;
	s23 =	sshll.u32 @!p1 s11, $0x3;
	s24 =	sshll.u32 @!p1 s12, $0x7  }
0x3c: {  	s25 =	sand.u32 @!p1 $0x78, s11;
	s26 =	sshll.u32 @!p1 s13, $0x10;
	s22 =	sand.u32 @!p1 $0x70000, s22  }
0x3d: {  	s1 =	sshll.u32 @!p1 s1, $0xE;
	s24 =	sand.u32 @!p1 $0x380, s24;
	s22 =	sadd.s32 @!p1 s22, s23  }
0x3e: {  	s23 =	sand.u32 @!p1 $0x1C00, s23;
	s24 =	sor.u32 @!p1 s24, s25;
	s25 =	sshll.u32 @!p1 s15, $0x12  }
0x3f: {  	s23 =	sor.u32 @!p1 s23, s24;
	s24 =	sshll.u32 @!p1 s14, $0x11;
	s25 =	sadd.s32 @!p1 s2, s25  }
0x40: {  	s1 =	sand.u32 @!p1 $0x4000, s1;
	s22 =	sshrl.u32 @!p1 s22, $0x3;
	s24 =	sadd.s32 @!p1 s24, s25  }
0x41: {  	s22 =	sand.u32 @!p1 $0xFC00, s22;
	s25 =	sand.u32 @!p1 $0x7, s11;
	s24 =	sadd.s32 @!p1 s26, s24  }
0x42: {  	s23 =	sshrl.u32 @!p1 s23, $0x3;
	s22 =	sadd.s32 @!p1 s22, s24;
	s24 =	sshll.u32 @!p1 s25, $0x12  }
0x43: {  	s22 =	sadd.s32 @!p1 s23, s22;
	s23 =	sor.u32 @!p1 $0x800, s24;
	s24 =	simm.s32 @!p1 $0x10000  }
0x44: {  	[tilespmem:s1], [sflag:$0x1] =	stream.strided.gather @!p1 [hbm4b:s22+s23], $0x4000, s24, s23, $0x38;
	[tilespmem:$0x10200] =	vst v63  }
0x45: {  	p1 =	sge.u32 s31, s8  }
.Ltmp2:
0x46: {  	_ = 	snop;
	(pc) =	sbr.rel @p1 .LBB1_5-.Ltmp2, $1  }
0x47: {  	_ =	sdelay $0x3  }
0x48: {  	s22 =	simm.s32 $0x0  }
0x49: {  	s24 =	sand.u32 $0x3800, s22;
	s25 =	sand.u32 $0x380, s22  }
0x4a: {  	s1 =	sand.u32 $0x1, s16;
	s24 =	sor.u32 s25, s24  }
0x4b: {  	_ =	swait.ge [sflag:s7], $0x4000;
	s23 =	sshll.u32 s1, $0xE;
	s25 =	sand.u32 $0x3B00, s24  }
0x4c: {  	[sflag:s7] =	ssyncset.done $0x0;
	s22 =	sand.u32 $0x80, s22;
	s25 =	sadd.s32 s25, s23  }
0x4d: {  	[sflag:s7] =	ssyncadd.s32 $0xFFFFC000;
	s22 =	sadd.s32 s22, s25  }
0x4e: {  	v4 =	vld [tilespmem:s22+$0x400]  }
0x4f: {  	s26 =	simm.s32 $0x1;
	v5 =	vld [tilespmem:s22+$0x0]  }
0x50: {  	s26 =	simm.s32 @!p0 $0x0;
	v6 =	vld [tilespmem:s22+$0x10]  }
0x51: {  	v0 =	vmov s23;
	s26 =	smul.u32 $0x10400, s26;
	v7 =	vld [tilespmem:s22+$0x20]  }
0x52: {  	v9 =	vld [tilespmem:s22+$0x30]  }
0x53: {  	s25 =	sshrl.u32 s26, $0x2;
	v10 =	vld [tilespmem:s22+$0x40]  }
0x54: {  	s25 =	sor.u32 $0x8000, s25;
	v11 =	vld [tilespmem:s22+$0x50]  }
0x55: {  	v8 =	vld [tilespmem:s22+$0x60];
	s26 =	sadd.s32 $0x0, s25  }
0x56: {  	v1 =	vld.idx.msk [tilespmem:v0+s24+$0x410 ss:$0x1], $0xffff;
	[tilespmem:s26+$0x2080 ss:$0x41] =	vst.msk $0xffff, v4  }
0x57: {  	v2 =	vld.idx.msk [tilespmem:v0+s24+$0x420 ss:$0x1], $0xffff;
	[tilespmem:s26+$0x0 ss:$0x41] =	vst.msk $0xffff, v5  }
0x58: {  	v3 =	vld.idx.msk [tilespmem:v0+s24+$0x430 ss:$0x1], $0xffff;
	[tilespmem:s26+$0x410 ss:$0x41] =	vst.msk $0xffff, v6  }
0x59: {  	s1 =	smul.u32 $0x10400, s1;
	[tilespmem:s26+$0x820 ss:$0x41] =	vst.msk $0xffff, v7;
	v7 =	vld [tilespmem:s22+$0x70]  }
0x5a: {  	s27 =	simm.s32 $0x4;
	s28 =	simm.s32 $0x80;
	[tilespmem:s26+$0xC30 ss:$0x41] =	vst.msk $0xffff, v9;
	v4 =	vld.idx.msk [tilespmem:v0+s24+$0x440 ss:$0x1], $0xffff  }
0x5b: {  	s29 =	simm.s32 $0x100;
	s30 =	simm.s32 $0x8;
	s1 =	sshrl.u32 s1, $0x2;
	[tilespmem:s26+$0x1040 ss:$0x41] =	vst.msk $0xffff, v10;
	v5 =	vld.idx.msk [tilespmem:v0+s24+$0x450 ss:$0x1], $0xffff  }
0x5c: {  	s31 =	sand.u32 $0x3800, s29;
	s22 =	sor.u32 $0x8000, s1;
	s1 =	sand.u32 $0x380, s28;
	[tilespmem:s26+$0x1450 ss:$0x41] =	vst.msk $0xffff, v11;
	v6 =	vld.idx.msk [tilespmem:v0+s24+$0x460 ss:$0x1], $0xffff  }
.LBB1_3:
0x5d: {  	p1 =	sne.s32 s30, $0xFC;
	[tilespmem:s26+$0x1860 ss:$0x41] =	vst.msk $0xffff, v8;
	v8 =	vld.idx.msk [tilespmem:v0+s24+$0x470 ss:$0x1], $0xffff;
	s24 =	sor.u32 s1, s31  }
0x5e: {  	s1 =	sand.u32 $0x3B00, s24;
	v9 =	vld.idx.msk [tilespmem:v0+s24+$0x410 ss:$0x1], $0xffff;
	[tilespmem:s26+$0x1C70 ss:$0x41] =	vst.msk $0xffff, v7  }
0x5f: {  	s31 =	sand.u32 $0x80, s28;
	s1 =	sadd.s32 s1, s23;
	v7 =	vld.idx.msk [tilespmem:v0+s24+$0x420 ss:$0x1], $0xffff;
	[tilespmem:s26+$0x2490 ss:$0x41] =	vst.msk $0xffff, v1  }
0x60: {  	s1 =	sadd.s32 s31, s1;
	v10 =	vld.idx.msk [tilespmem:v0+s24+$0x430 ss:$0x1], $0xffff;
	[tilespmem:s26+$0x28A0 ss:$0x41] =	vst.msk $0xffff, v2  }
0x61: {  	v11 =	vld [tilespmem:s1+$0x400];
	[tilespmem:s26+$0x2CB0 ss:$0x41] =	vst.msk $0xffff, v3  }
0x62: {  	v12 =	vld [tilespmem:s1+$0x0];
	[tilespmem:s26+$0x30C0 ss:$0x41] =	vst.msk $0xffff, v4  }
0x63: {  	v4 =	vld [tilespmem:s1+$0x10];
	[tilespmem:s26+$0x34D0 ss:$0x41] =	vst.msk $0xffff, v5  }
0x64: {  	s31 =	sshra.s32 s27, $0x2;
	s27 =	smov.u32 s30;
	v1 =	vmov v9;
	v5 =	vld [tilespmem:s1+$0x20];
	[tilespmem:s26+$0x38E0 ss:$0x41] =	vst.msk $0xffff, v6  }
0x65: {  	v2 =	vmov v7;
	v6 =	vld [tilespmem:s1+$0x30];
	[tilespmem:s26+$0x3CF0 ss:$0x41] =	vst.msk $0xffff, v8;
	s26 =	sadd.s32 s31, s25  }
0x66: {  	v3 =	vmov v10;
	v9 =	vld [tilespmem:s1+$0x40];
	[tilespmem:s26+$0x2080 ss:$0x41] =	vst.msk $0xffff, v11  }
0x67: {  	[tilespmem:s26+$0x0 ss:$0x41] =	vst.msk $0xffff, v12;
	v10 =	vld [tilespmem:s1+$0x50]  }
.Ltmp3:
0x68: {  	[tilespmem:s26+$0x410 ss:$0x41] =	vst.msk $0xffff, v4;
	v8 =	vld [tilespmem:s1+$0x60];
	(pc) =	sbr.rel @p1 .LBB1_3-.Ltmp3, $4  }
0x69: {  	[tilespmem:s26+$0x820 ss:$0x41] =	vst.msk $0xffff, v5;
	v7 =	vld [tilespmem:s1+$0x70]  }
0x6a: {  	[tilespmem:s26+$0xC30 ss:$0x41] =	vst.msk $0xffff, v6;
	v4 =	vld.idx.msk [tilespmem:v0+s24+$0x440 ss:$0x1], $0xffff  }
0x6b: {  	s28 =	sadd.s32 $0x80, s28;
	s29 =	sadd.s32 $0x100, s29;
	[tilespmem:s26+$0x1040 ss:$0x41] =	vst.msk $0xffff, v9;
	v5 =	vld.idx.msk [tilespmem:v0+s24+$0x450 ss:$0x1], $0xffff  }
0x6c: {  	s30 =	sadd.s32 $0x4, s30;
	s31 =	sand.u32 $0x3800, s29;
	s1 =	sand.u32 $0x380, s28;
	[tilespmem:s26+$0x1450 ss:$0x41] =	vst.msk $0xffff, v10;
	v6 =	vld.idx.msk [tilespmem:v0+s24+$0x460 ss:$0x1], $0xffff  }
.Ltmp4:
0x6d: {  	_ = 	snop;
	(pc) =	sbr.rel .LBB1_4-.Ltmp4, $1  }
0x6e: {  	_ =	sdelay $0x3  }
.LBB1_6:
0x6f: {  	_ =	sfence.sel $0x180000  }
0x70: {  	s1 =	simm.s32 $0x1;
	[bflag:$0x0] =	sbarrier.arrive $0xFFFF  }
0x71: {  	s31 =	simm.s32 $0x2;
	[sflag:s1] =	ssyncpa.u1 $0x1  }
0x72: {  	[sflag:s31] =	ssyncpa.u1 $0x1  }
0x73: {  	_ =	strace $0x9000004A  }
0x74: {  	[bflag:$0x2] =	sbarrier.arrive $0xFFFF  }
0x75: {  	p0 =	sne.s32 s0, $0x0;
	s0 =	rddreg [dreg:$0x2]  }
0x76: {  	s0 =	sadd.s32 @!p0 $0x100000, s0  }
0x77: {  	[sflag:s0] =	ssyncadd.tile.s32 @!p0 $0x1;
	_ =	shalt  }
.Lfunc_end1:
_tile_overlayer_lowered:
.L_overlay_start_2:
0x78: {  	(tag) =	ssettag $0x2  }
0x79: {  	s0 =	rddreg [dreg:$0x0];
	s2 =	stileid.u32  }
0x7a: {  	s1 =	rddreg [dreg:$0x1];
	p0 =	sne.s32 s2, $0x0  }
0x7b: {  	s3 =	rddreg [dreg:$0x2];
	[bflag:$0x3] =	sbarrier.arrive $0xFFFF;
	s2 =	simm.s32 @!p0 $0x1C01  }
0x7c: {  	[timem:s3], [sflag:s2] =	dma.local @!p0 [hbm:s0], s1  }
0x7d: {  	s0 =	simm.s32 @!p0 $0x1  }
0x7e: {  	_ =	swait.ge @!p0 [sflag:s0], s1  }
0x7f: {  	s1 =	ssub.s32 @!p0 $0x0, s1;
	[sflag:s0] =	ssyncset.done @!p0 $0x0  }
0x80: {  	[sflag:s0] =	ssyncadd.s32 @!p0 s1  }
0x81: {  	[bflag:$0x3] =	sbarrier.arrive $0xFFFF  }
0x82: {  	_ =	shalt  }

// kernel: sparse-core-data-format-call.cloned.1.call-start
scs
called_computation_lowered:
.L_overlay_start_0:
0x0: {  	s2 =	sld [smem:$0x3FD9]  }
0x1: {  	s3 =	sld [smem:$0x3FFE];
	_ =	sdelay $0x1  }
0x2: {  	s1 =	srdreg.scid  }
0x3: {  	s0 =	sand.u32 $0x1, s1  }
0x4: {  	s18 =	sshll.u32 s0, $0xA;
	s2 =	sadd.s32 s3, s2  }
0x5: {  	s2 =	sadd.s32 s2, s18  }
0x6: {  	[smem:$0x3FC6] =	sst s2  }
0x7: {  	_ = 	snop  }
0x8: {  	s2 =	sld [smem:$0x3FD0];
	(tm) =	ssettm $0x1  }
0x9: {  	s19 =	sld [smem:$0x3FFB];
	_ =	sdelay $0x3  }
0xa: {  	_ =	strace s19  }
0xb: {  	s3 =	sld [smem:$0x3FFC];
	_ =	sdelay $0x3  }
0xc: {  	_ =	strace s3  }
0xd: {  	s3 =	sld [smem:$0x3FFD];
	_ =	sdelay $0x3  }
0xe: {  	_ =	strace s3  }
0xf: {  	_ =	strace $0x8FFFFFFF  }
0x10: {  	s20 =	sld [smem:$0x3FDB];
	_ =	sdelay $0x1  }
0x11: {  	s4 =	simm.s32 $_scs_section_size  }
0x12: {  	s5 =	simm.s32 $_size__tile_overlayer_lowered;
	s6 =	simm.s32 $_tile_overlayer_lowered  }
0x13: {  	s23 =	simm.s32 $0x1BFF;
	s22 =	sshll.u32 s6, $0x1;
	s3 =	sadd.s32 s4, s20  }
0x14: {  	s7 =	simm.s32 $0x0;
	s21 =	sshll.u32 s5, $0x1;
	s5 =	sadd.s32 s22, s3  }
0x15: {  	[timem:s7], [sflag:s23] =	dma.local [hbm:s5], s21  }
0x16: {  	_ =	swait.ge [sflag:s23], s21  }
0x17: {  	s4 =	ssub.s32 $0x0, s21;
	[sflag:s23] =	ssyncset.done $0x0  }
0x18: {  	[sflag:s23] =	ssyncadd.s32 s4;
	_ =	sdelay $0x1  }
0x19: {  	s24 =	simm.s32 $0x1B8B  }
0x1a: {  	_ =	swait.ge [sflag:s24], $0x1  }
0x1b: {  	[sflag:s24] =	ssyncset.done $0x0  }
0x1c: {  	s26 =	simm.s32 $0x1B8E;
	s25 =	sld [smem:$0x3FFE];
	[sflag:s24] =	ssyncadd.s32 $0xFFFFFFFF  }
0x1d: {  	s27 =	simm.s32 $execute0_lowered;
	[smem:$0x3FD2] =	sst s26  }
0x1e: {  	s5 =	sshll.u32 s27, $0x1;
	_ =	strace $0x8000004C;
	[dreg:$0x1] =	wrdreg $0xFFFFFFFF  }
0x1f: {  	s28 =	simm.s32 $_size_execute0_lowered;
	s3 =	sadd.s32 s3, s5;
	[dreg:$0x0] =	wrdreg $0x0  }
0x20: {  	s5 =	sshll.u32 s28, $0x1;
	[dreg:$0x2] =	wrdreg s3  }
0x21: {  	[dreg:$0x3] =	wrdreg s5  }
0x22: {  	[dreg:$0x4] =	wrdreg $0xC0  }
0x23: {  	_ =	task [dreg:s7], $0x5FFFF  }
0x24: {  	[dreg:$0x1] =	wrdreg $0xFFFFFFFF  }
0x25: {  	[dreg:$0x0] =	wrdreg $0x60  }
0x26: {  	[dreg:$0x2] =	wrdreg s25  }
0x27: {  	[dreg:$0x3] =	wrdreg s2  }
0x28: {  	[dreg:$0x4] =	wrdreg $0x9  }
0x29: {  	_ =	task.clear_ibuf [dreg:s7], $0x5FFFF;
	_ =	strace $0x9000004C  }
0x2a: {  	s29 =	simm.s32 $0x9;
	_ =	strace $0x8000004E  }
0x2b: {  	_ =	swait.ge [sflag:s29], $0x1  }
0x2c: {  	[sflag:s29] =	ssyncadd.s32 $0xFFFFFFFF  }
0x2d: {  	_ =	strace $0x9000004E  }
0x2e: {  	_ =	sfence  }
0x2f: {  	s30 =	sld [smem:$0x0];
	_ =	sdelay $0x2  }
0x30: {  	s31 =	sshll.u32 s1, $0xD;
	s1 =	sshrl.u32 s1, $0x2  }
0x31: {  	s3 =	sand.u32 $0x4000, s31;
	s1 =	sadd.s32 s1, s30  }
0x32: {  	s0 =	sor.u32 s3, s0;
	s1 =	sshll.u32 s1, $0x11  }
0x33: {  	s0 =	sor.u32 s1, s0  }
0x34: {  	s0 =	sadd.s32 $0x8F2B, s0  }
0x35: {  	[sflag:s0] =	ssyncadd.remote.s32 $0x1  }
0x36: {  	_ =	sfence.sel $0xFFFF  }
0x37: {  	[dreg:$0x0] =	wrdreg $0xFFFFFFFF;
	(pc) =	sbr.abs _section_cstart, $3  }
0x38: {  	[dreg:$0x1] =	wrdreg $0xFFFFFFFF  }
0x39: {  	_ =	task.clear_ibuf [dreg:s7], $0x2FFFF;
	_ =	strace $0x9FFFFFFF  }
0x3a: {  	(tm) =	ssettm $0x7FFFFFFF  }
0x3b: {  	_ =	shalt  }
tec
execute0_lowered:
.L_overlay_start_1:
0x0: {  	(tag) =	ssettag $0x1  }
0x1: {  	s1 =	rddreg [dreg:$0x0]  }
0x2: {  	s2 =	rddreg [dreg:$0x1]  }
0x3: {  	s0 =	rddreg [dreg:$0x2];
	s4 =	srdreg.scid  }
0x4: {  	_ =	strace $0x8000004D;
	s7 =	simm.s32 $0x2;
	s12 =	simm.s32 $0x0  }
0x5: {  	p0 =	por $0x0, $0x0;
	s8 =	simm.s32 $0x4000;
	s13 =	simm.s32 $0x0  }
.Ltmp0:
0x6: {  	s3 =	sadd.s32 $0x400C00, s1;
	s4 =	sshll.u32 s4, $0x4;
	(pc) =	sbr.rel .LBB1_1-.Ltmp0, $4  }
0x7: {  	s1 =	stileid.u32;
	s5 =	sand.u32 $0x10, s4;
	s4 =	simm.s32 $0x1  }
0x8: {  	s9 =	simm.s32 $0x0;
	s6 =	sor.u32 s1, s5;
	[sflag:s4] =	ssyncpa.u1 $0x0  }
0x9: {  	s5 =	sand.u32 $0x7, s1;
	s6 =	sshrl.u32 s6, $0x3;
	[sflag:s7] =	ssyncpa.u1 $0x0  }
0xa: {  	s7 =	simm.s32 $0x80;
	s11 =	smov.u32 s5;
	s10 =	smov.u32 s6  }
.LBB1_5:
0xb: {  	s14 =	sadd.s32 $0x4, s10  }
0xc: {  	s12 =	sadd.s32 $0x8, s11;
	s16 =	smov.u32 s11;
	p2 =	sgt.s32 s14, $0x7F  }
0xd: {  	p1 =	slt.u32 s9, $0x2;
	s16 =	smov.u32 @p2 s12  }
0xe: {  	s9 =	sadd.s32 $0x1, s9;
	s14 =	smov.u32 @p2 s6;
	p2 =	sgt.s32 s16, $0x7  }
0xf: {  	s16 =	smov.u32 @p2 s5;
	p2 =	sne.s32 s9, $0x22  }
.Ltmp1:
0x10: {  	_ = 	snop;
	(pc) =	sbr.rel @!p2 .LBB1_6-.Ltmp1, $4  }
0x11: {  	s15 =	simm.s32 @!p1 $0x2  }
0x12: {  	s13 =	smov.u32 s11;
	_ =	swait.ge @!p1 [sflag:s15], $0x4000  }
0x13: {  	p0 =	por !p0, !p0;
	s12 =	smov.u32 s10;
	[sflag:s15] =	ssyncset.done @!p1 $0x0  }
0x14: {  	s10 =	smov.u32 s14;
	[sflag:s15] =	ssyncadd.s32 @!p1 $0xFFFFC000;
	s11 =	smov.u32 s16  }
.LBB1_1:
0x15: {  	p1 =	sgt.u32 s9, $0x1F  }
0x16: {  	s14 =	sxor.u32 @!p1 $0xFFFFFFFF, s9;
	s15 =	sshll.u32 @!p1 s11, $0x12  }
0x17: {  	s16 =	sshll.u32 @!p1 s10, $0xB;
	s14 =	sshll.u32 @!p1 s14, $0xE;
	s15 =	sadd.s32 @!p1 s3, s15  }
0x18: {  	s14 =	sand.u32 @!p1 $0x4000, s14;
	s15 =	sadd.s32 @!p1 s16, s15;
	s16 =	simm.s32 @!p1 $0x0  }
0x19: {  	[tilespmem:s14], [sflag:$0x1] =	stream.linear.gather @!p1 [hbm4b:s15+s16], $0x4000, $0x38;
	[tilespmem:$0x10100] =	vst v63  }
0x1a: {  	p1 =	seq.s32 s9, $0x0  }
0x1b: {  	p2 =	seq.s32 @!p1 s9, $0x21  }
0x1c: {  	p1 =	por p1, p2  }
.Ltmp2:
0x1d: {  	_ = 	snop;
	(pc) =	sbr.rel @p1 .LBB1_5-.Ltmp2, $1  }
0x1e: {  	_ =	sdelay $0x3  }
0x1f: {  	s14 =	simm.s32 $0x1  }
0x20: {  	_ =	swait.ge [sflag:s4], $0x4000;
	s14 =	simm.s32 @!p0 $0x0  }
0x21: {  	[sflag:s4] =	ssyncset.done $0x0;
	s15 =	sshll.u32 s14, $0xE  }
0x22: {  	[sflag:s4] =	ssyncadd.s32 $0xFFFFC000;
	s17 =	sor.u32 $0x40, s15  }
0x23: {  	s14 =	smul.u32 $0x10200, s14;
	v0 =	vld [tilespmem:s17+$0x30]  }
0x24: {  	v3 =	vld [tilespmem:s17+$0xFFFFFFD0]  }
0x25: {  	s14 =	sshrl.u32 s14, $0x2;
	v4 =	vld [tilespmem:s17+$0xFFFFFFE0]  }
0x26: {  	v5 =	vld [tilespmem:s17+$0xFFFFFFF0];
	s15 =	sor.u32 $0x8000, s14  }
0x27: {  	s31 =	sand.u32 $0x1, s9;
	v1 =	vld [tilespmem:s17+$0x0];
	s16 =	sadd.s32 $0x0, s15  }
0x28: {  	v2 =	vld [tilespmem:s17+$0x10];
	s14 =	smul.u32 $0x10200, s31;
	[tilespmem:s16+$0x3870 ss:$0x81] =	vst.msk $0xffff, v0  }
0x29: {  	[tilespmem:s16+$0x810 ss:$0x81] =	vst.msk $0xffff, v3;
	v3 =	vld [tilespmem:s17+$0x20]  }
0x2a: {  	s14 =	sshrl.u32 s14, $0x2;
	v0 =	vld [tilespmem:s17+$0xFFFFFFC0];
	[tilespmem:s16+$0x1020 ss:$0x81] =	vst.msk $0xffff, v4;
	s17 =	sadd.s32 $0x80, s17  }
0x2b: {  	s18 =	simm.s32 $0x4;
	s19 =	simm.s32 $0x8;
	s14 =	sor.u32 $0x8000, s14;
	[tilespmem:s16+$0x1830 ss:$0x81] =	vst.msk $0xffff, v5;
	v4 =	vld [tilespmem:s17+$0x30]  }
.LBB1_3:
0x2c: {  	p1 =	sne.s32 s19, $0x1FC;
	v5 =	vld [tilespmem:s17+$0xFFFFFFD0];
	[tilespmem:s16+$0x2040 ss:$0x81] =	vst.msk $0xffff, v1  }
0x2d: {  	v6 =	vld [tilespmem:s17+$0xFFFFFFE0];
	[tilespmem:s16+$0x2850 ss:$0x81] =	vst.msk $0xffff, v2  }
0x2e: {  	s20 =	sshra.s32 s18, $0x2;
	s18 =	smov.u32 s19;
	v7 =	vld [tilespmem:s17+$0xFFFFFFF0];
	[tilespmem:s16+$0x3060 ss:$0x81] =	vst.msk $0xffff, v3  }
.Ltmp3:
0x2f: {  	v1 =	vld [tilespmem:s17+$0x0];
	[tilespmem:s16+$0x0 ss:$0x81] =	vst.msk $0xffff, v0;
	s16 =	sadd.s32 s20, s15;
	(pc) =	sbr.rel @p1 .LBB1_3-.Ltmp3, $4  }
0x30: {  	v2 =	vld [tilespmem:s17+$0x10];
	[tilespmem:s16+$0x3870 ss:$0x81] =	vst.msk $0xffff, v4  }
0x31: {  	[tilespmem:s16+$0x810 ss:$0x81] =	vst.msk $0xffff, v5;
	v3 =	vld [tilespmem:s17+$0x20]  }
0x32: {  	v0 =	vld [tilespmem:s17+$0xFFFFFFC0];
	[tilespmem:s16+$0x1020 ss:$0x81] =	vst.msk $0xffff, v6;
	s17 =	sadd.s32 $0x80, s17  }
0x33: {  	s19 =	sadd.s32 $0x4, s19;
	v4 =	vld [tilespmem:s17+$0x30];
	[tilespmem:s16+$0x1830 ss:$0x81] =	vst.msk $0xffff, v7  }
0x34: {  	v5 =	vld [tilespmem:s17+$0xFFFFFFD0];
	[tilespmem:s16+$0x2040 ss:$0x81] =	vst.msk $0xffff, v1  }
0x35: {  	v58 =	vld [tilespmem:s17+$0xFFFFFFE0];
	[tilespmem:s16+$0x2850 ss:$0x81] =	vst.msk $0xffff, v2  }
0x36: {  	s18 =	sshra.s32 s18, $0x2;
	v59 =	vld [tilespmem:s17+$0xFFFFFFF0];
	[tilespmem:s16+$0x3060 ss:$0x81] =	vst.msk $0xffff, v3  }
0x37: {  	v60 =	vld [tilespmem:s17+$0x0];
	s15 =	sadd.s32 s18, s15;
	[tilespmem:s16+$0x0 ss:$0x81] =	vst.msk $0xffff, v0  }
0x38: {  	v61 =	vld [tilespmem:s17+$0x10];
	[tilespmem:s15+$0x3870 ss:$0x81] =	vst.msk $0xffff, v4  }
0x39: {  	v62 =	vld [tilespmem:s17+$0x20];
	[tilespmem:s15+$0x810 ss:$0x81] =	vst.msk $0xffff, v5  }
0x3a: {  	v63 =	vld [tilespmem:s17+$0xFFFFFFC0];
	[tilespmem:s15+$0x1020 ss:$0x81] =	vst.msk $0xffff, v58  }
0x3b: {  	[tilespmem:s15+$0x1830 ss:$0x81] =	vst.msk $0xffff, v59  }
.Ltmp4:
0x3c: {  	[tilespmem:s15+$0x2040 ss:$0x81] =	vst.msk $0xffff, v60;
	(pc) =	sbr.rel .LBB1_5-.Ltmp4, $4  }
0x3d: {  	s13 =	sshll.u32 s13, $0x12;
	s12 =	sshll.u32 s12, $0x4;
	[tilespmem:s15+$0x2850 ss:$0x81] =	vst.msk $0xffff, v61  }
0x3e: {  	s12 =	sand.u32 $0x7F0, s12;
	s13 =	sadd.s32 s2, s13;
	[tilespmem:s15+$0x3060 ss:$0x81] =	vst.msk $0xffff, v62  }
0x3f: {  	s12 =	sadd.s32 s12, s13;
	[tilespmem:s15+$0x0 ss:$0x81] =	vst.msk $0xffff, v63  }
0x40: {  	[hbm4b:s12+s7] =	stream.strided.scatter [tilespmem:s14], [sflag:$0x2], $0x4000, s8, s7, $0x20;
	[tilespmem:$0x10100] =	vst v63  }
.LBB1_6:
0x41: {  	_ =	sfence.sel $0x180000  }
0x42: {  	s2 =	simm.s32 $0x1;
	[bflag:$0x0] =	sbarrier.arrive $0xFFFF  }
0x43: {  	s31 =	simm.s32 $0x2;
	[sflag:s2] =	ssyncpa.u1 $0x1  }
0x44: {  	[sflag:s31] =	ssyncpa.u1 $0x1  }
0x45: {  	p0 =	sne.s32 s1, $0x0;
	_ =	strace $0x9000004D  }
0x46: {  	s0 =	sadd.s32 @!p0 $0x100000, s0;
	[bflag:$0x2] =	sbarrier.arrive $0xFFFF  }
0x47: {  	[sflag:s0] =	ssyncadd.tile.s32 @!p0 $0x1;
	_ =	shalt  }
.Lfunc_end1:
_tile_overlayer_lowered:
.L_overlay_start_2:
0x48: {  	(tag) =	ssettag $0x2  }
0x49: {  	s0 =	rddreg [dreg:$0x0];
	s2 =	stileid.u32  }
0x4a: {  	s1 =	rddreg [dreg:$0x1];
	p0 =	sne.s32 s2, $0x0  }
0x4b: {  	s3 =	rddreg [dreg:$0x2];
	[bflag:$0x3] =	sbarrier.arrive $0xFFFF;
	s2 =	simm.s32 @!p0 $0x1C01  }
0x4c: {  	[timem:s3], [sflag:s2] =	dma.local @!p0 [hbm:s0], s1  }
0x4d: {  	s0 =	simm.s32 @!p0 $0x1  }
0x4e: {  	_ =	swait.ge @!p0 [sflag:s0], s1  }
0x4f: {  	s1 =	ssub.s32 @!p0 $0x0, s1;
	[sflag:s0] =	ssyncset.done @!p0 $0x0  }
0x50: {  	[sflag:s0] =	ssyncadd.s32 @!p0 s1  }
0x51: {  	[bflag:$0x3] =	sbarrier.arrive $0xFFFF  }
0x52: {  	_ =	shalt  }

</sc_bundles>
